<compile_context>
chip_gen: v7x
topology: tpu7x:2x2x1
jax: 0.10.2.dev20260603
libtpu: 0.0.44.dev20260713+nightly
codegen_flags: <defaults>
</compile_context>

<pallas_src>
import functools

import jax
import jax.numpy as jnp
from jax import lax
from jax.experimental import pallas as pl
from jax.experimental.pallas import tpu as pltpu
from jax.experimental.pallas import tpu_sc as plsc

BATCH = 4096
SEQ = 200
EMBED = 32
TOTAL = BATCH * SEQ

NUM_CORES = 2
NUM_SUBCORES = 16
NW = NUM_CORES * NUM_SUBCORES
CHUNK = 512
RS_PER_CHUNK = CHUNK // 128
NCHUNK_TOTAL = TOTAL // CHUNK
PER_WORKER = NCHUNK_TOTAL // NW


def _emb_body(idx_hbm, table_hbm, out_hbm, *scr):
    idx_all = scr[0]
    g = scr[1:3]
    tbuf = scr[3:5]
    gsem = scr[5:7]
    ssem = scr[7:9]

    wid = lax.axis_index("s") * NUM_CORES + lax.axis_index("c")
    c0 = wid * PER_WORKER

    iota = lax.iota(jnp.int32, 16)
    te0 = iota // 8
    te1 = te0 + 2
    re_v = iota % 8

    pltpu.sync_copy(idx_hbm.at[pl.ds(c0 * CHUNK, PER_WORKER * CHUNK)], idx_all)

    def gstart(j, b):
        pltpu.make_async_copy(
            table_hbm.at[idx_all.at[pl.ds(j * CHUNK, CHUNK)]],
            g[b], gsem[b]).start()

    def gwait(b):
        pltpu.make_async_copy(
            table_hbm.at[idx_all.at[pl.ds(0, CHUNK)]], g[b], gsem[b]).wait()

    def sdesc(j, b):
        cj = c0 + j
        p = cj // 2
        h = cj % 2
        ts = p // 32
        tb = p % 32
        s0 = ts * 8 + h * 4
        return pltpu.make_async_copy(
            tbuf[b].at[:, :, :, pl.ds(0, 128)],
            out_hbm.at[pl.ds(s0, RS_PER_CHUNK), :, tb], ssem[b])

    z16 = iota * 0

    def transpose(b):
        for rs_l in range(RS_PER_CHUNK):
            rs_f = jnp.full((16,), rs_l, jnp.int32)

            @pl.loop(0, 128, unroll=8)
            def _(rb):
                r = rs_l * 128 + rb
                v0 = g[b][r, pl.ds(0, 16)]
                v1 = g[b][r, pl.ds(16, 16)]
                rb_f = z16 + rb
                plsc.store_scatter(tbuf[b], [rs_f, te0, re_v, rb_f], v0)
                plsc.store_scatter(tbuf[b], [rs_f, te1, re_v, rb_f], v1)

    gstart(0, 0)

    @pl.loop(0, PER_WORKER, step=2)
    def _(i):
        for b in range(2):
            j = i + b
            ob = 1 - b

            @pl.when(j + 1 <= PER_WORKER - 1)
            def _():
                gstart(j + 1, ob)

            gwait(b)

            @pl.when(j >= 2)
            def _():
                sdesc(0, b).wait()

            transpose(b)
            sdesc(j, b).start()

    for b in range(2):
        sdesc(0, b).wait()


@jax.jit
def _embedding_lookup(x_flat, table):
    mesh = plsc.VectorSubcoreMesh(core_axis_name="c", subcore_axis_name="s")
    kern = functools.partial(
        pl.kernel,
        mesh=mesh,
        out_type=jax.ShapeDtypeStruct((SEQ, 4, BATCH // 128, 8, 128),
                                      jnp.float32),
        scratch_types=(
            [pltpu.VMEM((PER_WORKER * CHUNK,), jnp.int32)]
            + [pltpu.VMEM((CHUNK, EMBED), jnp.float32)] * 2
            + [pltpu.VMEM((RS_PER_CHUNK, 4, 8, 129), jnp.float32)] * 2
            + [pltpu.SemaphoreType.DMA] * 4
        ),
        compiler_params=pltpu.CompilerParams(use_tc_tiling_on_sc=False,
                                             needs_layout_passes=False),
    )(_emb_body)
    return kern(x_flat, table)


def kernel(x, W_embed):
    xt = (x.astype(jnp.int32)
          .reshape(BATCH // 128, 128, SEQ // 8, 8)
          .transpose(2, 0, 3, 1)
          .reshape(TOTAL))
    out5 = _embedding_lookup(xt, W_embed)
    return (out5.transpose(2, 4, 0, 1, 3)
            .reshape(BATCH, SEQ, EMBED))

# --- scband reference (transcript-rebuilt; emitter-appended) ---
"""Pipeline reference for scband-word-embedding-60284160967154 (READ-ONLY COPY).

The authoritative reference and input builder live on the scoring server;
editing this copy changes nothing except your own understanding.
"""

import math
import jax, jax.numpy as jnp
import numpy as np

VOCAB_SIZE = 1000000
EMBED_SIZE = 32
BATCH = 4096
SEQ = 200


def setup_inputs(seed: int = 0) -> dict:
    key = jax.random.key(seed)
    k_idx, k_w = jax.random.split(key)
    x = jax.random.randint(k_idx, (BATCH, SEQ), 0, VOCAB_SIZE, dtype=jnp.int64 if jax.config.jax_enable_x64 else jnp.int32)
    W_embed = jax.random.normal(k_w, (VOCAB_SIZE, EMBED_SIZE), dtype=jnp.float32) / math.sqrt(VOCAB_SIZE)
    return {"x": x, "W_embed": W_embed}


def reference(x, W_embed):
    # Faithful to the torch forward: per-row gather then stack,
    # which is equivalent to a single gather W_embed[x].
    out = jnp.take(W_embed, x, axis=0)
    return out

if __name__ == "__main__":
    import jax
    _d = setup_inputs()
    print(jax.jit(kernel)(*tuple(_d.values())))

</pallas_src>

<mosaic_0001>
#map = affine_map<(d0, d1) -> (0)>
#map1 = affine_map<(d0, d1) -> (0, 0)>
#map2 = affine_map<(d0, d1) -> (0, 0, 0, 0, 0)>
module attributes {stable_mosaic.version = 14 : i64} {
  func.func @_emb_body(%arg0: i32, %arg1: i32, %arg2: memref<819200xi32, #tpu.memory_space<hbm>>, %arg3: memref<1000000x32xf32, #tpu.memory_space<hbm>>, %arg4: memref<200x4x32x8x128xf32, #tpu.memory_space<hbm>>, %arg5: memref<25600xi32, #tpu.memory_space<vmem>>, %arg6: memref<512x32xf32, #tpu.memory_space<vmem>>, %arg7: memref<512x32xf32, #tpu.memory_space<vmem>>, %arg8: memref<4x4x8x129xf32, #tpu.memory_space<vmem>>, %arg9: memref<4x4x8x129xf32, #tpu.memory_space<vmem>>, %arg10: memref<!tpu.dma_semaphore, #tpu.memory_space<semaphore_mem>>, %arg11: memref<!tpu.dma_semaphore, #tpu.memory_space<semaphore_mem>>, %arg12: memref<!tpu.dma_semaphore, #tpu.memory_space<semaphore_mem>>, %arg13: memref<!tpu.dma_semaphore, #tpu.memory_space<semaphore_mem>>) attributes {dimension_semantics = [#tpu.dimension_semantics<core_parallel>, #tpu.dimension_semantics<subcore_parallel>], iteration_bounds = array<i64: 2, 16>, scalar_prefetch = 0 : i64, scratch_operands = 9 : i64, tpu.core_type = #tpu.core_type<sc_vector_subcore>, window_params = [{transform_indices = #map}, {transform_indices = #map1}, {transform_indices = #map2}]} {
    %mul3A = arith.constant 2 : i32
    %mul3A_0 = arith.muli %arg1, %mul3A : i32
    %add3A = arith.addi %mul3A_0, %arg0 : i32
    %mul3A_1 = arith.constant 50 : i32
    %mul3A_2 = arith.muli %add3A, %mul3A_1 : i32
    %iota3A = tpu.iota {dimensions = array<i32: 0>} : vector<16xi32>
    %jit3A = arith.constant 8 : i32
    %div3A = vector.broadcast %jit3A : i32 to vector<16xi32>
    %div3A_3 = arith.divsi %iota3A, %div3A : vector<16xi32>
    %sign3A = arith.constant 0 : i32
    %sign3A_4 = vector.broadcast %sign3A : i32 to vector<16xi32>
    %sign3A_5 = arith.cmpi sgt, %iota3A, %sign3A_4 : vector<16xi32>
    %sign3A_6 = arith.extui %sign3A_5 : vector<16xi1> to vector<16xi32>
    %sign3A_7 = arith.constant 0 : i32
    %sign3A_8 = vector.broadcast %sign3A_7 : i32 to vector<16xi32>
    %sign3A_9 = arith.cmpi slt, %iota3A, %sign3A_8 : vector<16xi32>
    %sign3A_10 = arith.extui %sign3A_9 : vector<16xi1> to vector<16xi32>
    %sign3A_11 = arith.subi %sign3A_6, %sign3A_10 : vector<16xi32>
    %sign3A_12 = arith.constant 0 : i32
    %sign3A_13 = arith.cmpi sgt, %jit3A, %sign3A_12 : i32
    %sign3A_14 = arith.extui %sign3A_13 : i1 to i32
    %sign3A_15 = arith.constant 0 : i32
    %sign3A_16 = arith.cmpi slt, %jit3A, %sign3A_15 : i32
    %sign3A_17 = arith.extui %sign3A_16 : i1 to i32
    %sign3A_18 = arith.subi %sign3A_14, %sign3A_17 : i32
    %ne3A = vector.broadcast %sign3A_18 : i32 to vector<16xi32>
    %ne3A_19 = arith.cmpi ne, %sign3A_11, %ne3A : vector<16xi32>
    %rem3A = vector.broadcast %jit3A : i32 to vector<16xi32>
    %rem3A_20 = arith.remsi %iota3A, %rem3A : vector<16xi32>
    %ne3A_21 = arith.constant 0 : i32
    %ne3A_22 = vector.broadcast %ne3A_21 : i32 to vector<16xi32>
    %ne3A_23 = arith.cmpi ne, %rem3A_20, %ne3A_22 : vector<16xi32>
    %and3A = arith.andi %ne3A_19, %ne3A_23 : vector<16xi1>
    %sub3A = arith.constant 1 : i32
    %sub3A_24 = vector.broadcast %sub3A : i32 to vector<16xi32>
    %sub3A_25 = arith.subi %div3A_3, %sub3A_24 : vector<16xi32>
    %select_n3A = arith.select %and3A, %sub3A_25, %div3A_3 : vector<16xi1>, vector<16xi32>
    %add3A_26 = arith.constant 2 : i32
    %add3A_27 = vector.broadcast %add3A_26 : i32 to vector<16xi32>
    %add3A_28 = arith.addi %select_n3A, %add3A_27 : vector<16xi32>
    %jit3A_29 = arith.constant 8 : i32
    %eq3A = arith.constant 0 : i32
    %eq3A_30 = arith.cmpi eq, %jit3A_29, %eq3A : i32
    %jit3A_31 = arith.constant 1 : i32
    %select_n3A_32 = arith.select %eq3A_30, %jit3A_31, %jit3A_29 : i32
    %rem3A_33 = vector.broadcast %select_n3A_32 : i32 to vector<16xi32>
    %rem3A_34 = arith.remsi %iota3A, %rem3A_33 : vector<16xi32>
    %ne3A_35 = arith.constant 0 : i32
    %ne3A_36 = vector.broadcast %ne3A_35 : i32 to vector<16xi32>
    %ne3A_37 = arith.cmpi ne, %rem3A_34, %ne3A_36 : vector<16xi32>
    %lt3A = arith.constant 0 : i32
    %lt3A_38 = vector.broadcast %lt3A : i32 to vector<16xi32>
    %lt3A_39 = arith.cmpi slt, %rem3A_34, %lt3A_38 : vector<16xi32>
    %lt3A_40 = arith.constant 0 : i32
    %lt3A_41 = arith.cmpi slt, %select_n3A_32, %lt3A_40 : i32
    %ne3A_42 = vector.broadcast %lt3A_41 : i1 to vector<16xi1>
    %ne3A_43 = vector.broadcast %ne3A_42 : vector<16xi1> to vector<16xi1>
    %ne3A_44 = arith.xori %lt3A_39, %ne3A_43 : vector<16xi1>
    %and3A_45 = arith.andi %ne3A_44, %ne3A_37 : vector<16xi1>
    %add3A_46 = vector.broadcast %select_n3A_32 : i32 to vector<16xi32>
    %add3A_47 = arith.addi %rem3A_34, %add3A_46 : vector<16xi32>
    %select_n3A_48 = arith.select %and3A_45, %add3A_47, %rem3A_34 : vector<16xi1>, vector<16xi32>
    %mul3A_49 = arith.constant 512 : i32
    %mul3A_50 = arith.muli %mul3A_2, %mul3A_49 : i32
    "tpu.region"() ({
      %run_scoped3A = tpu.sem_alloc : memref<!tpu.dma_semaphore, #tpu.memory_space<semaphore_mem>>
      %dma_start3A_275 = tpu.memref_slice %arg2[%mul3A_50] : memref<819200xi32, #tpu.memory_space<hbm>> -> memref<25600xi32, #tpu.memory_space<hbm>>
      %dma_start3A_276 = tpu.memref_slice %arg2[%mul3A_50] : memref<819200xi32, #tpu.memory_space<hbm>> -> memref<25600xi32, #tpu.memory_space<hbm>>
      tpu.enqueue_dma source(%dma_start3A_276 : memref<25600xi32, #tpu.memory_space<hbm>>) target(%arg5 : memref<25600xi32, #tpu.memory_space<vmem>>) target_semaphore(%run_scoped3A : memref<!tpu.dma_semaphore, #tpu.memory_space<semaphore_mem>>)
      %dma_wait3A_277 = tpu.memref_slice %arg2[%mul3A_50] : memref<819200xi32, #tpu.memory_space<hbm>> -> memref<25600xi32, #tpu.memory_space<hbm>>
      %dma_wait3A_278 = tpu.memref_slice %arg2[%mul3A_50] : memref<819200xi32, #tpu.memory_space<hbm>> -> memref<25600xi32, #tpu.memory_space<hbm>>
      tpu.wait_dma2 semaphore(%run_scoped3A : memref<!tpu.dma_semaphore, #tpu.memory_space<semaphore_mem>>) src(%dma_wait3A_278 : memref<25600xi32, #tpu.memory_space<hbm>>) dst(%arg5 : memref<25600xi32, #tpu.memory_space<vmem>>)
      tpu.yield
    }) : () -> ()
    %mul3A_51 = arith.constant 0 : i32
    %mul3A_52 = vector.broadcast %mul3A_51 : i32 to vector<16xi32>
    %mul3A_53 = arith.muli %iota3A, %mul3A_52 : vector<16xi32>
    %dma_start3A = arith.constant 0 : i32
    %dma_start3A_54 = tpu.memref_slice %arg5[%dma_start3A] : memref<25600xi32, #tpu.memory_space<vmem>> -> memref<512xi32, #tpu.memory_space<vmem>>
    %dma_start3A_55 = arith.constant 0 : i32
    %dma_start3A_56 = arith.constant 0 : i32
    %dma_start3A_57 = tpu.memref_slice %arg3[%dma_start3A_55, %dma_start3A_56] : memref<1000000x32xf32, #tpu.memory_space<hbm>> -> memref<1000000x32xf32, #tpu.memory_space<hbm>>
    tpu.enqueue_indirect_dma source(%dma_start3A_57 : memref<1000000x32xf32, #tpu.memory_space<hbm>>) target(%arg6 : memref<512x32xf32, #tpu.memory_space<vmem>>) offsets(%dma_start3A_54 : memref<512xi32, #tpu.memory_space<vmem>>) semaphore(%arg10 : memref<!tpu.dma_semaphore, #tpu.memory_space<semaphore_mem>>)
    %scan3A = arith.constant 0 : i32
    %scan3A_58 = arith.constant 25 : i32
    %scan3A_59 = arith.addi %scan3A, %scan3A_58 : i32
    %scan3A_60 = arith.constant 1 : i32
    scf.for %scan3A_275 = %scan3A to %scan3A_59 step %scan3A_60  : i32 {
      %mul3A_276 = arith.constant 2 : i32
      %mul3A_277 = arith.muli %scan3A_275, %mul3A_276 : i32
      %add3A_278 = arith.constant 0 : i32
      %add3A_279 = arith.addi %add3A_278, %mul3A_277 : i32
      %add3A_280 = arith.constant 0 : i32
      %add3A_281 = arith.addi %add3A_279, %add3A_280 : i32
      %add3A_282 = arith.constant 1 : i32
      %add3A_283 = arith.addi %add3A_281, %add3A_282 : i32
      %le3A = arith.constant 49 : i32
      %le3A_284 = arith.cmpi sle, %add3A_283, %le3A : i32
      %convert_element_type3A = arith.extui %le3A_284 : i1 to i32
      %cond3A = arith.constant 0 : i32
      %cond3A_285 = arith.cmpi ne, %convert_element_type3A, %cond3A : i32
      scf.if %cond3A_285 {
        %add3A_581 = arith.constant 1 : i32
        %add3A_582 = arith.addi %add3A_281, %add3A_581 : i32
        %mul3A_583 = arith.constant 512 : i32
        %mul3A_584 = arith.muli %add3A_582, %mul3A_583 : i32
        %dma_start3A_585 = tpu.memref_slice %arg5[%mul3A_584] : memref<25600xi32, #tpu.memory_space<vmem>> -> memref<512xi32, #tpu.memory_space<vmem>>
        %dma_start3A_586 = arith.constant 0 : i32
        %dma_start3A_587 = arith.constant 0 : i32
        %dma_start3A_588 = tpu.memref_slice %arg3[%dma_start3A_586, %dma_start3A_587] : memref<1000000x32xf32, #tpu.memory_space<hbm>> -> memref<1000000x32xf32, #tpu.memory_space<hbm>>
        tpu.enqueue_indirect_dma source(%dma_start3A_588 : memref<1000000x32xf32, #tpu.memory_space<hbm>>) target(%arg7 : memref<512x32xf32, #tpu.memory_space<vmem>>) offsets(%dma_start3A_585 : memref<512xi32, #tpu.memory_space<vmem>>) semaphore(%arg11 : memref<!tpu.dma_semaphore, #tpu.memory_space<semaphore_mem>>)
      } else {
      }
      %dma_wait3A_286 = arith.constant 0 : i32
      %dma_wait3A_287 = tpu.memref_slice %arg5[%dma_wait3A_286] : memref<25600xi32, #tpu.memory_space<vmem>> -> memref<512xi32, #tpu.memory_space<vmem>>
      %dma_wait3A_288 = arith.constant 0 : i32
      %dma_wait3A_289 = arith.constant 0 : i32
      %dma_wait3A_290 = tpu.memref_slice %arg3[%dma_wait3A_288, %dma_wait3A_289] : memref<1000000x32xf32, #tpu.memory_space<hbm>> -> memref<1000000x32xf32, #tpu.memory_space<hbm>>
      tpu.wait_indirect_dma semaphore(%arg10 : memref<!tpu.dma_semaphore, #tpu.memory_space<semaphore_mem>>) src(%dma_wait3A_290 : memref<1000000x32xf32, #tpu.memory_space<hbm>>) dst(%arg6 : memref<512x32xf32, #tpu.memory_space<vmem>>)
      %ge3A = arith.constant 2 : i32
      %ge3A_291 = arith.cmpi sge, %add3A_281, %ge3A : i32
      %convert_element_type3A_292 = arith.extui %ge3A_291 : i1 to i32
      %cond3A_293 = arith.constant 0 : i32
      %cond3A_294 = arith.cmpi ne, %convert_element_type3A_292, %cond3A_293 : i32
      scf.if %cond3A_294 {
        %add3A_581 = arith.constant 0 : i32
        %add3A_582 = arith.addi %mul3A_2, %add3A_581 : i32
        %jit3A_583 = arith.constant 2 : i32
        %div3A_584 = arith.divsi %add3A_582, %jit3A_583 : i32
        %sign3A_585 = arith.constant 0 : i32
        %sign3A_586 = arith.cmpi sgt, %add3A_582, %sign3A_585 : i32
        %sign3A_587 = arith.extui %sign3A_586 : i1 to i32
        %sign3A_588 = arith.constant 0 : i32
        %sign3A_589 = arith.cmpi slt, %add3A_582, %sign3A_588 : i32
        %sign3A_590 = arith.extui %sign3A_589 : i1 to i32
        %sign3A_591 = arith.subi %sign3A_587, %sign3A_590 : i32
        %sign3A_592 = arith.constant 0 : i32
        %sign3A_593 = arith.cmpi sgt, %jit3A_583, %sign3A_592 : i32
        %sign3A_594 = arith.extui %sign3A_593 : i1 to i32
        %sign3A_595 = arith.constant 0 : i32
        %sign3A_596 = arith.cmpi slt, %jit3A_583, %sign3A_595 : i32
        %sign3A_597 = arith.extui %sign3A_596 : i1 to i32
        %sign3A_598 = arith.subi %sign3A_594, %sign3A_597 : i32
        %ne3A_599 = arith.cmpi ne, %sign3A_591, %sign3A_598 : i32
        %rem3A_600 = arith.remsi %add3A_582, %jit3A_583 : i32
        %ne3A_601 = arith.constant 0 : i32
        %ne3A_602 = arith.cmpi ne, %rem3A_600, %ne3A_601 : i32
        %and3A_603 = arith.andi %ne3A_599, %ne3A_602 : i1
        %sub3A_604 = arith.constant 1 : i32
        %sub3A_605 = arith.subi %div3A_584, %sub3A_604 : i32
        %select_n3A_606 = arith.select %and3A_603, %sub3A_605, %div3A_584 : i32
        %jit3A_607 = arith.constant 2 : i32
        %eq3A_608 = arith.constant 0 : i32
        %eq3A_609 = arith.cmpi eq, %jit3A_607, %eq3A_608 : i32
        %jit3A_610 = arith.constant 1 : i32
        %select_n3A_611 = arith.select %eq3A_609, %jit3A_610, %jit3A_607 : i32
        %rem3A_612 = arith.remsi %add3A_582, %select_n3A_611 : i32
        %ne3A_613 = arith.constant 0 : i32
        %ne3A_614 = arith.cmpi ne, %rem3A_612, %ne3A_613 : i32
        %lt3A_615 = arith.constant 0 : i32
        %lt3A_616 = arith.cmpi slt, %rem3A_612, %lt3A_615 : i32
        %lt3A_617 = arith.constant 0 : i32
        %lt3A_618 = arith.cmpi slt, %select_n3A_611, %lt3A_617 : i32
        %ne3A_619 = arith.xori %lt3A_616, %lt3A_618 : i1
        %and3A_620 = arith.andi %ne3A_619, %ne3A_614 : i1
        %add3A_621 = arith.addi %rem3A_612, %select_n3A_611 : i32
        %select_n3A_622 = arith.select %and3A_620, %add3A_621, %rem3A_612 : i32
        %jit3A_623 = arith.constant 32 : i32
        %div3A_624 = arith.divsi %select_n3A_606, %jit3A_623 : i32
        %sign3A_625 = arith.constant 0 : i32
        %sign3A_626 = arith.cmpi sgt, %select_n3A_606, %sign3A_625 : i32
        %sign3A_627 = arith.extui %sign3A_626 : i1 to i32
        %sign3A_628 = arith.constant 0 : i32
        %sign3A_629 = arith.cmpi slt, %select_n3A_606, %sign3A_628 : i32
        %sign3A_630 = arith.extui %sign3A_629 : i1 to i32
        %sign3A_631 = arith.subi %sign3A_627, %sign3A_630 : i32
        %sign3A_632 = arith.constant 0 : i32
        %sign3A_633 = arith.cmpi sgt, %jit3A_623, %sign3A_632 : i32
        %sign3A_634 = arith.extui %sign3A_633 : i1 to i32
        %sign3A_635 = arith.constant 0 : i32
        %sign3A_636 = arith.cmpi slt, %jit3A_623, %sign3A_635 : i32
        %sign3A_637 = arith.extui %sign3A_636 : i1 to i32
        %sign3A_638 = arith.subi %sign3A_634, %sign3A_637 : i32
        %ne3A_639 = arith.cmpi ne, %sign3A_631, %sign3A_638 : i32
        %rem3A_640 = arith.remsi %select_n3A_606, %jit3A_623 : i32
        %ne3A_641 = arith.constant 0 : i32
        %ne3A_642 = arith.cmpi ne, %rem3A_640, %ne3A_641 : i32
        %and3A_643 = arith.andi %ne3A_639, %ne3A_642 : i1
        %sub3A_644 = arith.constant 1 : i32
        %sub3A_645 = arith.subi %div3A_624, %sub3A_644 : i32
        %select_n3A_646 = arith.select %and3A_643, %sub3A_645, %div3A_624 : i32
        %jit3A_647 = arith.constant 32 : i32
        %eq3A_648 = arith.constant 0 : i32
        %eq3A_649 = arith.cmpi eq, %jit3A_647, %eq3A_648 : i32
        %jit3A_650 = arith.constant 1 : i32
        %select_n3A_651 = arith.select %eq3A_649, %jit3A_650, %jit3A_647 : i32
        %rem3A_652 = arith.remsi %select_n3A_606, %select_n3A_651 : i32
        %ne3A_653 = arith.constant 0 : i32
        %ne3A_654 = arith.cmpi ne, %rem3A_652, %ne3A_653 : i32
        %lt3A_655 = arith.constant 0 : i32
        %lt3A_656 = arith.cmpi slt, %rem3A_652, %lt3A_655 : i32
        %lt3A_657 = arith.constant 0 : i32
        %lt3A_658 = arith.cmpi slt, %select_n3A_651, %lt3A_657 : i32
        %ne3A_659 = arith.xori %lt3A_656, %lt3A_658 : i1
        %and3A_660 = arith.andi %ne3A_659, %ne3A_654 : i1
        %add3A_661 = arith.addi %rem3A_652, %select_n3A_651 : i32
        %select_n3A_662 = arith.select %and3A_660, %add3A_661, %rem3A_652 : i32
        %mul3A_663 = arith.constant 8 : i32
        %mul3A_664 = arith.muli %select_n3A_646, %mul3A_663 : i32
        %mul3A_665 = arith.constant 4 : i32
        %mul3A_666 = arith.muli %select_n3A_622, %mul3A_665 : i32
        %add3A_667 = arith.addi %mul3A_664, %mul3A_666 : i32
        %dma_wait3A_668 = arith.constant 0 : i32
        %dma_wait3A_669 = arith.constant 0 : i32
        %dma_wait3A_670 = arith.constant 0 : i32
        %dma_wait3A_671 = arith.constant 0 : i32
        %dma_wait3A_672 = tpu.memref_slice %arg8[%dma_wait3A_668, %dma_wait3A_669, %dma_wait3A_670, %dma_wait3A_671] : memref<4x4x8x129xf32, #tpu.memory_space<vmem>> -> memref<4x4x8x128xf32, #tpu.memory_space<vmem>>
        %dma_wait3A_673 = arith.constant 0 : i32
        %dma_wait3A_674 = arith.constant 0 : i32
        %dma_wait3A_675 = arith.constant 0 : i32
        %dma_wait3A_676 = tpu.memref_slice %arg4[%add3A_667, %dma_wait3A_673, %select_n3A_662, %dma_wait3A_674, %dma_wait3A_675] : memref<200x4x32x8x128xf32, #tpu.memory_space<hbm>> -> memref<4x4x1x8x128xf32, #tpu.memory_space<hbm>>
        %dma_wait3A_677 = tpu.memref_squeeze %dma_wait3A_676 : memref<4x4x1x8x128xf32, #tpu.memory_space<hbm>> -> memref<4x4x8x128xf32, #tpu.memory_space<hbm>>
        %dma_wait3A_678 = arith.constant 0 : i32
        %dma_wait3A_679 = arith.constant 0 : i32
        %dma_wait3A_680 = arith.constant 0 : i32
        %dma_wait3A_681 = tpu.memref_slice %arg4[%add3A_667, %dma_wait3A_678, %select_n3A_662, %dma_wait3A_679, %dma_wait3A_680] : memref<200x4x32x8x128xf32, #tpu.memory_space<hbm>> -> memref<4x4x1x8x128xf32, #tpu.memory_space<hbm>>
        %dma_wait3A_682 = tpu.memref_squeeze %dma_wait3A_681 : memref<4x4x1x8x128xf32, #tpu.memory_space<hbm>> -> memref<4x4x8x128xf32, #tpu.memory_space<hbm>>
        %dma_wait3A_683 = arith.constant 0 : i32
        %dma_wait3A_684 = arith.constant 0 : i32
        %dma_wait3A_685 = arith.constant 0 : i32
        %dma_wait3A_686 = arith.constant 0 : i32
        %dma_wait3A_687 = tpu.memref_slice %arg8[%dma_wait3A_683, %dma_wait3A_684, %dma_wait3A_685, %dma_wait3A_686] : memref<4x4x8x129xf32, #tpu.memory_space<vmem>> -> memref<4x4x8x128xf32, #tpu.memory_space<vmem>>
        tpu.wait_dma2 semaphore(%arg12 : memref<!tpu.dma_semaphore, #tpu.memory_space<semaphore_mem>>) src(%dma_wait3A_687 : memref<4x4x8x128xf32, #tpu.memory_space<vmem>>) dst(%dma_wait3A_682 : memref<4x4x8x128xf32, #tpu.memory_space<hbm>>)
      } else {
      }
      %broadcast_in_dim3A = arith.constant 0 : i32
      %broadcast_in_dim3A_295 = vector.broadcast %broadcast_in_dim3A : i32 to vector<16xi32>
      %scan3A_296 = arith.constant 0 : i32
      %scan3A_297 = arith.constant 128 : i32
      %scan3A_298 = arith.addi %scan3A_296, %scan3A_297 : i32
      %scan3A_299 = arith.constant 8 : i32
      scf.for %scan3A_581 = %scan3A_296 to %scan3A_298 step %scan3A_299  : i32 {
        %mul3A_582 = arith.constant 1 : i32
        %mul3A_583 = arith.muli %scan3A_581, %mul3A_582 : i32
        %add3A_584 = arith.constant 0 : i32
        %add3A_585 = arith.addi %add3A_584, %mul3A_583 : i32
        %add3A_586 = arith.constant 0 : i32
        %add3A_587 = arith.addi %add3A_586, %add3A_585 : i32
        %get3A = arith.index_cast %add3A_587 : i32 to index
        %get3A_588 = arith.constant 0 : index
        %get3A_589 = tpu.vector_load %arg6[%get3A, %get3A_588] {strides = array<i32>} : memref<512x32xf32, #tpu.memory_space<vmem>>, vector<16xf32>,
        %get3A_590 = arith.index_cast %add3A_587 : i32 to index
        %get3A_591 = arith.constant 16 : index
        %get3A_592 = tpu.vector_load %arg6[%get3A_590, %get3A_591] {strides = array<i32>} : memref<512x32xf32, #tpu.memory_space<vmem>>, vector<16xf32>,
        %add3A_593 = vector.broadcast %add3A_585 : i32 to vector<16xi32>
        %add3A_594 = arith.addi %mul3A_53, %add3A_593 : vector<16xi32>
        tpu.vector_store_idx %arg8[%broadcast_in_dim3A_295, %select_n3A, %select_n3A_48, %add3A_594], %get3A_589 : memref<4x4x8x129xf32, #tpu.memory_space<vmem>>[vector<16xi32>, vector<16xi32>, vector<16xi32>, vector<16xi32>], vector<16xf32>,
        tpu.vector_store_idx %arg8[%broadcast_in_dim3A_295, %add3A_28, %select_n3A_48, %add3A_594], %get3A_592 : memref<4x4x8x129xf32, #tpu.memory_space<vmem>>[vector<16xi32>, vector<16xi32>, vector<16xi32>, vector<16xi32>], vector<16xf32>,
        %scan3A_595 = arith.constant 1 : i32
        %scan3A_596 = arith.addi %scan3A_581, %scan3A_595 : i32
        %mul3A_597 = arith.constant 1 : i32
        %mul3A_598 = arith.muli %scan3A_596, %mul3A_597 : i32
        %add3A_599 = arith.constant 0 : i32
        %add3A_600 = arith.addi %add3A_599, %mul3A_598 : i32
        %add3A_601 = arith.constant 0 : i32
        %add3A_602 = arith.addi %add3A_601, %add3A_600 : i32
        %get3A_603 = arith.index_cast %add3A_602 : i32 to index
        %get3A_604 = arith.constant 0 : index
        %get3A_605 = tpu.vector_load %arg6[%get3A_603, %get3A_604] {strides = array<i32>} : memref<512x32xf32, #tpu.memory_space<vmem>>, vector<16xf32>,
        %get3A_606 = arith.index_cast %add3A_602 : i32 to index
        %get3A_607 = arith.constant 16 : index
        %get3A_608 = tpu.vector_load %arg6[%get3A_606, %get3A_607] {strides = array<i32>} : memref<512x32xf32, #tpu.memory_space<vmem>>, vector<16xf32>,
        %add3A_609 = vector.broadcast %add3A_600 : i32 to vector<16xi32>
        %add3A_610 = arith.addi %mul3A_53, %add3A_609 : vector<16xi32>
        tpu.vector_store_idx %arg8[%broadcast_in_dim3A_295, %select_n3A, %select_n3A_48, %add3A_610], %get3A_605 : memref<4x4x8x129xf32, #tpu.memory_space<vmem>>[vector<16xi32>, vector<16xi32>, vector<16xi32>, vector<16xi32>], vector<16xf32>,
        tpu.vector_store_idx %arg8[%broadcast_in_dim3A_295, %add3A_28, %select_n3A_48, %add3A_610], %get3A_608 : memref<4x4x8x129xf32, #tpu.memory_space<vmem>>[vector<16xi32>, vector<16xi32>, vector<16xi32>, vector<16xi32>], vector<16xf32>,
        %scan3A_611 = arith.constant 2 : i32
        %scan3A_612 = arith.addi %scan3A_581, %scan3A_611 : i32
        %mul3A_613 = arith.constant 1 : i32
        %mul3A_614 = arith.muli %scan3A_612, %mul3A_613 : i32
        %add3A_615 = arith.constant 0 : i32
        %add3A_616 = arith.addi %add3A_615, %mul3A_614 : i32
        %add3A_617 = arith.constant 0 : i32
        %add3A_618 = arith.addi %add3A_617, %add3A_616 : i32
        %get3A_619 = arith.index_cast %add3A_618 : i32 to index
        %get3A_620 = arith.constant 0 : index
        %get3A_621 = tpu.vector_load %arg6[%get3A_619, %get3A_620] {strides = array<i32>} : memref<512x32xf32, #tpu.memory_space<vmem>>, vector<16xf32>,
        %get3A_622 = arith.index_cast %add3A_618 : i32 to index
        %get3A_623 = arith.constant 16 : index
        %get3A_624 = tpu.vector_load %arg6[%get3A_622, %get3A_623] {strides = array<i32>} : memref<512x32xf32, #tpu.memory_space<vmem>>, vector<16xf32>,
        %add3A_625 = vector.broadcast %add3A_616 : i32 to vector<16xi32>
        %add3A_626 = arith.addi %mul3A_53, %add3A_625 : vector<16xi32>
        tpu.vector_store_idx %arg8[%broadcast_in_dim3A_295, %select_n3A, %select_n3A_48, %add3A_626], %get3A_621 : memref<4x4x8x129xf32, #tpu.memory_space<vmem>>[vector<16xi32>, vector<16xi32>, vector<16xi32>, vector<16xi32>], vector<16xf32>,
        tpu.vector_store_idx %arg8[%broadcast_in_dim3A_295, %add3A_28, %select_n3A_48, %add3A_626], %get3A_624 : memref<4x4x8x129xf32, #tpu.memory_space<vmem>>[vector<16xi32>, vector<16xi32>, vector<16xi32>, vector<16xi32>], vector<16xf32>,
        %scan3A_627 = arith.constant 3 : i32
        %scan3A_628 = arith.addi %scan3A_581, %scan3A_627 : i32
        %mul3A_629 = arith.constant 1 : i32
        %mul3A_630 = arith.muli %scan3A_628, %mul3A_629 : i32
        %add3A_631 = arith.constant 0 : i32
        %add3A_632 = arith.addi %add3A_631, %mul3A_630 : i32
        %add3A_633 = arith.constant 0 : i32
        %add3A_634 = arith.addi %add3A_633, %add3A_632 : i32
        %get3A_635 = arith.index_cast %add3A_634 : i32 to index
        %get3A_636 = arith.constant 0 : index
        %get3A_637 = tpu.vector_load %arg6[%get3A_635, %get3A_636] {strides = array<i32>} : memref<512x32xf32, #tpu.memory_space<vmem>>, vector<16xf32>,
        %get3A_638 = arith.index_cast %add3A_634 : i32 to index
        %get3A_639 = arith.constant 16 : index
        %get3A_640 = tpu.vector_load %arg6[%get3A_638, %get3A_639] {strides = array<i32>} : memref<512x32xf32, #tpu.memory_space<vmem>>, vector<16xf32>,
        %add3A_641 = vector.broadcast %add3A_632 : i32 to vector<16xi32>
        %add3A_642 = arith.addi %mul3A_53, %add3A_641 : vector<16xi32>
        tpu.vector_store_idx %arg8[%broadcast_in_dim3A_295, %select_n3A, %select_n3A_48, %add3A_642], %get3A_637 : memref<4x4x8x129xf32, #tpu.memory_space<vmem>>[vector<16xi32>, vector<16xi32>, vector<16xi32>, vector<16xi32>], vector<16xf32>,
        tpu.vector_store_idx %arg8[%broadcast_in_dim3A_295, %add3A_28, %select_n3A_48, %add3A_642], %get3A_640 : memref<4x4x8x129xf32, #tpu.memory_space<vmem>>[vector<16xi32>, vector<16xi32>, vector<16xi32>, vector<16xi32>], vector<16xf32>,
        %scan3A_643 = arith.constant 4 : i32
        %scan3A_644 = arith.addi %scan3A_581, %scan3A_643 : i32
        %mul3A_645 = arith.constant 1 : i32
        %mul3A_646 = arith.muli %scan3A_644, %mul3A_645 : i32
        %add3A_647 = arith.constant 0 : i32
        %add3A_648 = arith.addi %add3A_647, %mul3A_646 : i32
        %add3A_649 = arith.constant 0 : i32
        %add3A_650 = arith.addi %add3A_649, %add3A_648 : i32
        %get3A_651 = arith.index_cast %add3A_650 : i32 to index
        %get3A_652 = arith.constant 0 : index
        %get3A_653 = tpu.vector_load %arg6[%get3A_651, %get3A_652] {strides = array<i32>} : memref<512x32xf32, #tpu.memory_space<vmem>>, vector<16xf32>,
        %get3A_654 = arith.index_cast %add3A_650 : i32 to index
        %get3A_655 = arith.constant 16 : index
        %get3A_656 = tpu.vector_load %arg6[%get3A_654, %get3A_655] {strides = array<i32>} : memref<512x32xf32, #tpu.memory_space<vmem>>, vector<16xf32>,
        %add3A_657 = vector.broadcast %add3A_648 : i32 to vector<16xi32>
        %add3A_658 = arith.addi %mul3A_53, %add3A_657 : vector<16xi32>
        tpu.vector_store_idx %arg8[%broadcast_in_dim3A_295, %select_n3A, %select_n3A_48, %add3A_658], %get3A_653 : memref<4x4x8x129xf32, #tpu.memory_space<vmem>>[vector<16xi32>, vector<16xi32>, vector<16xi32>, vector<16xi32>], vector<16xf32>,
        tpu.vector_store_idx %arg8[%broadcast_in_dim3A_295, %add3A_28, %select_n3A_48, %add3A_658], %get3A_656 : memref<4x4x8x129xf32, #tpu.memory_space<vmem>>[vector<16xi32>, vector<16xi32>, vector<16xi32>, vector<16xi32>], vector<16xf32>,
        %scan3A_659 = arith.constant 5 : i32
        %scan3A_660 = arith.addi %scan3A_581, %scan3A_659 : i32
        %mul3A_661 = arith.constant 1 : i32
        %mul3A_662 = arith.muli %scan3A_660, %mul3A_661 : i32
        %add3A_663 = arith.constant 0 : i32
        %add3A_664 = arith.addi %add3A_663, %mul3A_662 : i32
        %add3A_665 = arith.constant 0 : i32
        %add3A_666 = arith.addi %add3A_665, %add3A_664 : i32
        %get3A_667 = arith.index_cast %add3A_666 : i32 to index
        %get3A_668 = arith.constant 0 : index
        %get3A_669 = tpu.vector_load %arg6[%get3A_667, %get3A_668] {strides = array<i32>} : memref<512x32xf32, #tpu.memory_space<vmem>>, vector<16xf32>,
        %get3A_670 = arith.index_cast %add3A_666 : i32 to index
        %get3A_671 = arith.constant 16 : index
        %get3A_672 = tpu.vector_load %arg6[%get3A_670, %get3A_671] {strides = array<i32>} : memref<512x32xf32, #tpu.memory_space<vmem>>, vector<16xf32>,
        %add3A_673 = vector.broadcast %add3A_664 : i32 to vector<16xi32>
        %add3A_674 = arith.addi %mul3A_53, %add3A_673 : vector<16xi32>
        tpu.vector_store_idx %arg8[%broadcast_in_dim3A_295, %select_n3A, %select_n3A_48, %add3A_674], %get3A_669 : memref<4x4x8x129xf32, #tpu.memory_space<vmem>>[vector<16xi32>, vector<16xi32>, vector<16xi32>, vector<16xi32>], vector<16xf32>,
        tpu.vector_store_idx %arg8[%broadcast_in_dim3A_295, %add3A_28, %select_n3A_48, %add3A_674], %get3A_672 : memref<4x4x8x129xf32, #tpu.memory_space<vmem>>[vector<16xi32>, vector<16xi32>, vector<16xi32>, vector<16xi32>], vector<16xf32>,
        %scan3A_675 = arith.constant 6 : i32
        %scan3A_676 = arith.addi %scan3A_581, %scan3A_675 : i32
        %mul3A_677 = arith.constant 1 : i32
        %mul3A_678 = arith.muli %scan3A_676, %mul3A_677 : i32
        %add3A_679 = arith.constant 0 : i32
        %add3A_680 = arith.addi %add3A_679, %mul3A_678 : i32
        %add3A_681 = arith.constant 0 : i32
        %add3A_682 = arith.addi %add3A_681, %add3A_680 : i32
        %get3A_683 = arith.index_cast %add3A_682 : i32 to index
        %get3A_684 = arith.constant 0 : index
        %get3A_685 = tpu.vector_load %arg6[%get3A_683, %get3A_684] {strides = array<i32>} : memref<512x32xf32, #tpu.memory_space<vmem>>, vector<16xf32>,
        %get3A_686 = arith.index_cast %add3A_682 : i32 to index
        %get3A_687 = arith.constant 16 : index
        %get3A_688 = tpu.vector_load %arg6[%get3A_686, %get3A_687] {strides = array<i32>} : memref<512x32xf32, #tpu.memory_space<vmem>>, vector<16xf32>,
        %add3A_689 = vector.broadcast %add3A_680 : i32 to vector<16xi32>
        %add3A_690 = arith.addi %mul3A_53, %add3A_689 : vector<16xi32>
        tpu.vector_store_idx %arg8[%broadcast_in_dim3A_295, %select_n3A, %select_n3A_48, %add3A_690], %get3A_685 : memref<4x4x8x129xf32, #tpu.memory_space<vmem>>[vector<16xi32>, vector<16xi32>, vector<16xi32>, vector<16xi32>], vector<16xf32>,
        tpu.vector_store_idx %arg8[%broadcast_in_dim3A_295, %add3A_28, %select_n3A_48, %add3A_690], %get3A_688 : memref<4x4x8x129xf32, #tpu.memory_space<vmem>>[vector<16xi32>, vector<16xi32>, vector<16xi32>, vector<16xi32>], vector<16xf32>,
        %scan3A_691 = arith.constant 7 : i32
        %scan3A_692 = arith.addi %scan3A_581, %scan3A_691 : i32
        %mul3A_693 = arith.constant 1 : i32
        %mul3A_694 = arith.muli %scan3A_692, %mul3A_693 : i32
        %add3A_695 = arith.constant 0 : i32
        %add3A_696 = arith.addi %add3A_695, %mul3A_694 : i32
        %add3A_697 = arith.constant 0 : i32
        %add3A_698 = arith.addi %add3A_697, %add3A_696 : i32
        %get3A_699 = arith.index_cast %add3A_698 : i32 to index
        %get3A_700 = arith.constant 0 : index
        %get3A_701 = tpu.vector_load %arg6[%get3A_699, %get3A_700] {strides = array<i32>} : memref<512x32xf32, #tpu.memory_space<vmem>>, vector<16xf32>,
        %get3A_702 = arith.index_cast %add3A_698 : i32 to index
        %get3A_703 = arith.constant 16 : index
        %get3A_704 = tpu.vector_load %arg6[%get3A_702, %get3A_703] {strides = array<i32>} : memref<512x32xf32, #tpu.memory_space<vmem>>, vector<16xf32>,
        %add3A_705 = vector.broadcast %add3A_696 : i32 to vector<16xi32>
        %add3A_706 = arith.addi %mul3A_53, %add3A_705 : vector<16xi32>
        tpu.vector_store_idx %arg8[%broadcast_in_dim3A_295, %select_n3A, %select_n3A_48, %add3A_706], %get3A_701 : memref<4x4x8x129xf32, #tpu.memory_space<vmem>>[vector<16xi32>, vector<16xi32>, vector<16xi32>, vector<16xi32>], vector<16xf32>,
        tpu.vector_store_idx %arg8[%broadcast_in_dim3A_295, %add3A_28, %select_n3A_48, %add3A_706], %get3A_704 : memref<4x4x8x129xf32, #tpu.memory_space<vmem>>[vector<16xi32>, vector<16xi32>, vector<16xi32>, vector<16xi32>], vector<16xf32>,
      }
      %scan3A_300 = arith.constant 128 : i32
      %broadcast_in_dim3A_301 = arith.constant 1 : i32
      %broadcast_in_dim3A_302 = vector.broadcast %broadcast_in_dim3A_301 : i32 to vector<16xi32>
      %scan3A_303 = arith.constant 0 : i32
      %scan3A_304 = arith.constant 128 : i32
      %scan3A_305 = arith.addi %scan3A_303, %scan3A_304 : i32
      %scan3A_306 = arith.constant 8 : i32
      scf.for %scan3A_581 = %scan3A_303 to %scan3A_305 step %scan3A_306  : i32 {
        %mul3A_582 = arith.constant 1 : i32
        %mul3A_583 = arith.muli %scan3A_581, %mul3A_582 : i32
        %add3A_584 = arith.constant 0 : i32
        %add3A_585 = arith.addi %add3A_584, %mul3A_583 : i32
        %add3A_586 = arith.constant 128 : i32
        %add3A_587 = arith.addi %add3A_586, %add3A_585 : i32
        %get3A = arith.index_cast %add3A_587 : i32 to index
        %get3A_588 = arith.constant 0 : index
        %get3A_589 = tpu.vector_load %arg6[%get3A, %get3A_588] {strides = array<i32>} : memref<512x32xf32, #tpu.memory_space<vmem>>, vector<16xf32>,
        %get3A_590 = arith.index_cast %add3A_587 : i32 to index
        %get3A_591 = arith.constant 16 : index
        %get3A_592 = tpu.vector_load %arg6[%get3A_590, %get3A_591] {strides = array<i32>} : memref<512x32xf32, #tpu.memory_space<vmem>>, vector<16xf32>,
        %add3A_593 = vector.broadcast %add3A_585 : i32 to vector<16xi32>
        %add3A_594 = arith.addi %mul3A_53, %add3A_593 : vector<16xi32>
        tpu.vector_store_idx %arg8[%broadcast_in_dim3A_302, %select_n3A, %select_n3A_48, %add3A_594], %get3A_589 : memref<4x4x8x129xf32, #tpu.memory_space<vmem>>[vector<16xi32>, vector<16xi32>, vector<16xi32>, vector<16xi32>], vector<16xf32>,
        tpu.vector_store_idx %arg8[%broadcast_in_dim3A_302, %add3A_28, %select_n3A_48, %add3A_594], %get3A_592 : memref<4x4x8x129xf32, #tpu.memory_space<vmem>>[vector<16xi32>, vector<16xi32>, vector<16xi32>, vector<16xi32>], vector<16xf32>,
        %scan3A_595 = arith.constant 1 : i32
        %scan3A_596 = arith.addi %scan3A_581, %scan3A_595 : i32
        %mul3A_597 = arith.constant 1 : i32
        %mul3A_598 = arith.muli %scan3A_596, %mul3A_597 : i32
        %add3A_599 = arith.constant 0 : i32
        %add3A_600 = arith.addi %add3A_599, %mul3A_598 : i32
        %add3A_601 = arith.constant 128 : i32
        %add3A_602 = arith.addi %add3A_601, %add3A_600 : i32
        %get3A_603 = arith.index_cast %add3A_602 : i32 to index
        %get3A_604 = arith.constant 0 : index
        %get3A_605 = tpu.vector_load %arg6[%get3A_603, %get3A_604] {strides = array<i32>} : memref<512x32xf32, #tpu.memory_space<vmem>>, vector<16xf32>,
        %get3A_606 = arith.index_cast %add3A_602 : i32 to index
        %get3A_607 = arith.constant 16 : index
        %get3A_608 = tpu.vector_load %arg6[%get3A_606, %get3A_607] {strides = array<i32>} : memref<512x32xf32, #tpu.memory_space<vmem>>, vector<16xf32>,
        %add3A_609 = vector.broadcast %add3A_600 : i32 to vector<16xi32>
        %add3A_610 = arith.addi %mul3A_53, %add3A_609 : vector<16xi32>
        tpu.vector_store_idx %arg8[%broadcast_in_dim3A_302, %select_n3A, %select_n3A_48, %add3A_610], %get3A_605 : memref<4x4x8x129xf32, #tpu.memory_space<vmem>>[vector<16xi32>, vector<16xi32>, vector<16xi32>, vector<16xi32>], vector<16xf32>,
        tpu.vector_store_idx %arg8[%broadcast_in_dim3A_302, %add3A_28, %select_n3A_48, %add3A_610], %get3A_608 : memref<4x4x8x129xf32, #tpu.memory_space<vmem>>[vector<16xi32>, vector<16xi32>, vector<16xi32>, vector<16xi32>], vector<16xf32>,
        %scan3A_611 = arith.constant 2 : i32
        %scan3A_612 = arith.addi %scan3A_581, %scan3A_611 : i32
        %mul3A_613 = arith.constant 1 : i32
        %mul3A_614 = arith.muli %scan3A_612, %mul3A_613 : i32
        %add3A_615 = arith.constant 0 : i32
        %add3A_616 = arith.addi %add3A_615, %mul3A_614 : i32
        %add3A_617 = arith.constant 128 : i32
        %add3A_618 = arith.addi %add3A_617, %add3A_616 : i32
        %get3A_619 = arith.index_cast %add3A_618 : i32 to index
        %get3A_620 = arith.constant 0 : index
        %get3A_621 = tpu.vector_load %arg6[%get3A_619, %get3A_620] {strides = array<i32>} : memref<512x32xf32, #tpu.memory_space<vmem>>, vector<16xf32>,
        %get3A_622 = arith.index_cast %add3A_618 : i32 to index
        %get3A_623 = arith.constant 16 : index
        %get3A_624 = tpu.vector_load %arg6[%get3A_622, %get3A_623] {strides = array<i32>} : memref<512x32xf32, #tpu.memory_space<vmem>>, vector<16xf32>,
        %add3A_625 = vector.broadcast %add3A_616 : i32 to vector<16xi32>
        %add3A_626 = arith.addi %mul3A_53, %add3A_625 : vector<16xi32>
        tpu.vector_store_idx %arg8[%broadcast_in_dim3A_302, %select_n3A, %select_n3A_48, %add3A_626], %get3A_621 : memref<4x4x8x129xf32, #tpu.memory_space<vmem>>[vector<16xi32>, vector<16xi32>, vector<16xi32>, vector<16xi32>], vector<16xf32>,
        tpu.vector_store_idx %arg8[%broadcast_in_dim3A_302, %add3A_28, %select_n3A_48, %add3A_626], %get3A_624 : memref<4x4x8x129xf32, #tpu.memory_space<vmem>>[vector<16xi32>, vector<16xi32>, vector<16xi32>, vector<16xi32>], vector<16xf32>,
        %scan3A_627 = arith.constant 3 : i32
        %scan3A_628 = arith.addi %scan3A_581, %scan3A_627 : i32
        %mul3A_629 = arith.constant 1 : i32
        %mul3A_630 = arith.muli %scan3A_628, %mul3A_629 : i32
        %add3A_631 = arith.constant 0 : i32
        %add3A_632 = arith.addi %add3A_631, %mul3A_630 : i32
        %add3A_633 = arith.constant 128 : i32
        %add3A_634 = arith.addi %add3A_633, %add3A_632 : i32
        %get3A_635 = arith.index_cast %add3A_634 : i32 to index
        %get3A_636 = arith.constant 0 : index
        %get3A_637 = tpu.vector_load %arg6[%get3A_635, %get3A_636] {strides = array<i32>} : memref<512x32xf32, #tpu.memory_space<vmem>>, vector<16xf32>,
        %get3A_638 = arith.index_cast %add3A_634 : i32 to index
        %get3A_639 = arith.constant 16 : index
        %get3A_640 = tpu.vector_load %arg6[%get3A_638, %get3A_639] {strides = array<i32>} : memref<512x32xf32, #tpu.memory_space<vmem>>, vector<16xf32>,
        %add3A_641 = vector.broadcast %add3A_632 : i32 to vector<16xi32>
        %add3A_642 = arith.addi %mul3A_53, %add3A_641 : vector<16xi32>
        tpu.vector_store_idx %arg8[%broadcast_in_dim3A_302, %select_n3A, %select_n3A_48, %add3A_642], %get3A_637 : memref<4x4x8x129xf32, #tpu.memory_space<vmem>>[vector<16xi32>, vector<16xi32>, vector<16xi32>, vector<16xi32>], vector<16xf32>,
        tpu.vector_store_idx %arg8[%broadcast_in_dim3A_302, %add3A_28, %select_n3A_48, %add3A_642], %get3A_640 : memref<4x4x8x129xf32, #tpu.memory_space<vmem>>[vector<16xi32>, vector<16xi32>, vector<16xi32>, vector<16xi32>], vector<16xf32>,
        %scan3A_643 = arith.constant 4 : i32
        %scan3A_644 = arith.addi %scan3A_581, %scan3A_643 : i32
        %mul3A_645 = arith.constant 1 : i32
        %mul3A_646 = arith.muli %scan3A_644, %mul3A_645 : i32
        %add3A_647 = arith.constant 0 : i32
        %add3A_648 = arith.addi %add3A_647, %mul3A_646 : i32
        %add3A_649 = arith.constant 128 : i32
        %add3A_650 = arith.addi %add3A_649, %add3A_648 : i32
        %get3A_651 = arith.index_cast %add3A_650 : i32 to index
        %get3A_652 = arith.constant 0 : index
        %get3A_653 = tpu.vector_load %arg6[%get3A_651, %get3A_652] {strides = array<i32>} : memref<512x32xf32, #tpu.memory_space<vmem>>, vector<16xf32>,
        %get3A_654 = arith.index_cast %add3A_650 : i32 to index
        %get3A_655 = arith.constant 16 : index
        %get3A_656 = tpu.vector_load %arg6[%get3A_654, %get3A_655] {strides = array<i32>} : memref<512x32xf32, #tpu.memory_space<vmem>>, vector<16xf32>,
        %add3A_657 = vector.broadcast %add3A_648 : i32 to vector<16xi32>
        %add3A_658 = arith.addi %mul3A_53, %add3A_657 : vector<16xi32>
        tpu.vector_store_idx %arg8[%broadcast_in_dim3A_302, %select_n3A, %select_n3A_48, %add3A_658], %get3A_653 : memref<4x4x8x129xf32, #tpu.memory_space<vmem>>[vector<16xi32>, vector<16xi32>, vector<16xi32>, vector<16xi32>], vector<16xf32>,
        tpu.vector_store_idx %arg8[%broadcast_in_dim3A_302, %add3A_28, %select_n3A_48, %add3A_658], %get3A_656 : memref<4x4x8x129xf32, #tpu.memory_space<vmem>>[vector<16xi32>, vector<16xi32>, vector<16xi32>, vector<16xi32>], vector<16xf32>,
        %scan3A_659 = arith.constant 5 : i32
        %scan3A_660 = arith.addi %scan3A_581, %scan3A_659 : i32
        %mul3A_661 = arith.constant 1 : i32
        %mul3A_662 = arith.muli %scan3A_660, %mul3A_661 : i32
        %add3A_663 = arith.constant 0 : i32
        %add3A_664 = arith.addi %add3A_663, %mul3A_662 : i32
        %add3A_665 = arith.constant 128 : i32
        %add3A_666 = arith.addi %add3A_665, %add3A_664 : i32
        %get3A_667 = arith.index_cast %add3A_666 : i32 to index
        %get3A_668 = arith.constant 0 : index
        %get3A_669 = tpu.vector_load %arg6[%get3A_667, %get3A_668] {strides = array<i32>} : memref<512x32xf32, #tpu.memory_space<vmem>>, vector<16xf32>,
        %get3A_670 = arith.index_cast %add3A_666 : i32 to index
        %get3A_671 = arith.constant 16 : index
        %get3A_672 = tpu.vector_load %arg6[%get3A_670, %get3A_671] {strides = array<i32>} : memref<512x32xf32, #tpu.memory_space<vmem>>, vector<16xf32>,
        %add3A_673 = vector.broadcast %add3A_664 : i32 to vector<16xi32>
        %add3A_674 = arith.addi %mul3A_53, %add3A_673 : vector<16xi32>
        tpu.vector_store_idx %arg8[%broadcast_in_dim3A_302, %select_n3A, %select_n3A_48, %add3A_674], %get3A_669 : memref<4x4x8x129xf32, #tpu.memory_space<vmem>>[vector<16xi32>, vector<16xi32>, vector<16xi32>, vector<16xi32>], vector<16xf32>,
        tpu.vector_store_idx %arg8[%broadcast_in_dim3A_302, %add3A_28, %select_n3A_48, %add3A_674], %get3A_672 : memref<4x4x8x129xf32, #tpu.memory_space<vmem>>[vector<16xi32>, vector<16xi32>, vector<16xi32>, vector<16xi32>], vector<16xf32>,
        %scan3A_675 = arith.constant 6 : i32
        %scan3A_676 = arith.addi %scan3A_581, %scan3A_675 : i32
        %mul3A_677 = arith.constant 1 : i32
        %mul3A_678 = arith.muli %scan3A_676, %mul3A_677 : i32
        %add3A_679 = arith.constant 0 : i32
        %add3A_680 = arith.addi %add3A_679, %mul3A_678 : i32
        %add3A_681 = arith.constant 128 : i32
        %add3A_682 = arith.addi %add3A_681, %add3A_680 : i32
        %get3A_683 = arith.index_cast %add3A_682 : i32 to index
        %get3A_684 = arith.constant 0 : index
        %get3A_685 = tpu.vector_load %arg6[%get3A_683, %get3A_684] {strides = array<i32>} : memref<512x32xf32, #tpu.memory_space<vmem>>, vector<16xf32>,
        %get3A_686 = arith.index_cast %add3A_682 : i32 to index
        %get3A_687 = arith.constant 16 : index
        %get3A_688 = tpu.vector_load %arg6[%get3A_686, %get3A_687] {strides = array<i32>} : memref<512x32xf32, #tpu.memory_space<vmem>>, vector<16xf32>,
        %add3A_689 = vector.broadcast %add3A_680 : i32 to vector<16xi32>
        %add3A_690 = arith.addi %mul3A_53, %add3A_689 : vector<16xi32>
        tpu.vector_store_idx %arg8[%broadcast_in_dim3A_302, %select_n3A, %select_n3A_48, %add3A_690], %get3A_685 : memref<4x4x8x129xf32, #tpu.memory_space<vmem>>[vector<16xi32>, vector<16xi32>, vector<16xi32>, vector<16xi32>], vector<16xf32>,
        tpu.vector_store_idx %arg8[%broadcast_in_dim3A_302, %add3A_28, %select_n3A_48, %add3A_690], %get3A_688 : memref<4x4x8x129xf32, #tpu.memory_space<vmem>>[vector<16xi32>, vector<16xi32>, vector<16xi32>, vector<16xi32>], vector<16xf32>,
        %scan3A_691 = arith.constant 7 : i32
        %scan3A_692 = arith.addi %scan3A_581, %scan3A_691 : i32
        %mul3A_693 = arith.constant 1 : i32
        %mul3A_694 = arith.muli %scan3A_692, %mul3A_693 : i32
        %add3A_695 = arith.constant 0 : i32
        %add3A_696 = arith.addi %add3A_695, %mul3A_694 : i32
        %add3A_697 = arith.constant 128 : i32
        %add3A_698 = arith.addi %add3A_697, %add3A_696 : i32
        %get3A_699 = arith.index_cast %add3A_698 : i32 to index
        %get3A_700 = arith.constant 0 : index
        %get3A_701 = tpu.vector_load %arg6[%get3A_699, %get3A_700] {strides = array<i32>} : memref<512x32xf32, #tpu.memory_space<vmem>>, vector<16xf32>,
        %get3A_702 = arith.index_cast %add3A_698 : i32 to index
        %get3A_703 = arith.constant 16 : index
        %get3A_704 = tpu.vector_load %arg6[%get3A_702, %get3A_703] {strides = array<i32>} : memref<512x32xf32, #tpu.memory_space<vmem>>, vector<16xf32>,
        %add3A_705 = vector.broadcast %add3A_696 : i32 to vector<16xi32>
        %add3A_706 = arith.addi %mul3A_53, %add3A_705 : vector<16xi32>
        tpu.vector_store_idx %arg8[%broadcast_in_dim3A_302, %select_n3A, %select_n3A_48, %add3A_706], %get3A_701 : memref<4x4x8x129xf32, #tpu.memory_space<vmem>>[vector<16xi32>, vector<16xi32>, vector<16xi32>, vector<16xi32>], vector<16xf32>,
        tpu.vector_store_idx %arg8[%broadcast_in_dim3A_302, %add3A_28, %select_n3A_48, %add3A_706], %get3A_704 : memref<4x4x8x129xf32, #tpu.memory_space<vmem>>[vector<16xi32>, vector<16xi32>, vector<16xi32>, vector<16xi32>], vector<16xf32>,
      }
      %scan3A_307 = arith.constant 128 : i32
      %broadcast_in_dim3A_308 = arith.constant 2 : i32
      %broadcast_in_dim3A_309 = vector.broadcast %broadcast_in_dim3A_308 : i32 to vector<16xi32>
      %scan3A_310 = arith.constant 0 : i32
      %scan3A_311 = arith.constant 128 : i32
      %scan3A_312 = arith.addi %scan3A_310, %scan3A_311 : i32
      %scan3A_313 = arith.constant 8 : i32
      scf.for %scan3A_581 = %scan3A_310 to %scan3A_312 step %scan3A_313  : i32 {
        %mul3A_582 = arith.constant 1 : i32
        %mul3A_583 = arith.muli %scan3A_581, %mul3A_582 : i32
        %add3A_584 = arith.constant 0 : i32
        %add3A_585 = arith.addi %add3A_584, %mul3A_583 : i32
        %add3A_586 = arith.constant 256 : i32
        %add3A_587 = arith.addi %add3A_586, %add3A_585 : i32
        %get3A = arith.index_cast %add3A_587 : i32 to index
        %get3A_588 = arith.constant 0 : index
        %get3A_589 = tpu.vector_load %arg6[%get3A, %get3A_588] {strides = array<i32>} : memref<512x32xf32, #tpu.memory_space<vmem>>, vector<16xf32>,
        %get3A_590 = arith.index_cast %add3A_587 : i32 to index
        %get3A_591 = arith.constant 16 : index
        %get3A_592 = tpu.vector_load %arg6[%get3A_590, %get3A_591] {strides = array<i32>} : memref<512x32xf32, #tpu.memory_space<vmem>>, vector<16xf32>,
        %add3A_593 = vector.broadcast %add3A_585 : i32 to vector<16xi32>
        %add3A_594 = arith.addi %mul3A_53, %add3A_593 : vector<16xi32>
        tpu.vector_store_idx %arg8[%broadcast_in_dim3A_309, %select_n3A, %select_n3A_48, %add3A_594], %get3A_589 : memref<4x4x8x129xf32, #tpu.memory_space<vmem>>[vector<16xi32>, vector<16xi32>, vector<16xi32>, vector<16xi32>], vector<16xf32>,
        tpu.vector_store_idx %arg8[%broadcast_in_dim3A_309, %add3A_28, %select_n3A_48, %add3A_594], %get3A_592 : memref<4x4x8x129xf32, #tpu.memory_space<vmem>>[vector<16xi32>, vector<16xi32>, vector<16xi32>, vector<16xi32>], vector<16xf32>,
        %scan3A_595 = arith.constant 1 : i32
        %scan3A_596 = arith.addi %scan3A_581, %scan3A_595 : i32
        %mul3A_597 = arith.constant 1 : i32
        %mul3A_598 = arith.muli %scan3A_596, %mul3A_597 : i32
        %add3A_599 = arith.constant 0 : i32
        %add3A_600 = arith.addi %add3A_599, %mul3A_598 : i32
        %add3A_601 = arith.constant 256 : i32
        %add3A_602 = arith.addi %add3A_601, %add3A_600 : i32
        %get3A_603 = arith.index_cast %add3A_602 : i32 to index
        %get3A_604 = arith.constant 0 : index
        %get3A_605 = tpu.vector_load %arg6[%get3A_603, %get3A_604] {strides = array<i32>} : memref<512x32xf32, #tpu.memory_space<vmem>>, vector<16xf32>,
        %get3A_606 = arith.index_cast %add3A_602 : i32 to index
        %get3A_607 = arith.constant 16 : index
        %get3A_608 = tpu.vector_load %arg6[%get3A_606, %get3A_607] {strides = array<i32>} : memref<512x32xf32, #tpu.memory_space<vmem>>, vector<16xf32>,
        %add3A_609 = vector.broadcast %add3A_600 : i32 to vector<16xi32>
        %add3A_610 = arith.addi %mul3A_53, %add3A_609 : vector<16xi32>
        tpu.vector_store_idx %arg8[%broadcast_in_dim3A_309, %select_n3A, %select_n3A_48, %add3A_610], %get3A_605 : memref<4x4x8x129xf32, #tpu.memory_space<vmem>>[vector<16xi32>, vector<16xi32>, vector<16xi32>, vector<16xi32>], vector<16xf32>,
        tpu.vector_store_idx %arg8[%broadcast_in_dim3A_309, %add3A_28, %select_n3A_48, %add3A_610], %get3A_608 : memref<4x4x8x129xf32, #tpu.memory_space<vmem>>[vector<16xi32>, vector<16xi32>, vector<16xi32>, vector<16xi32>], vector<16xf32>,
        %scan3A_611 = arith.constant 2 : i32
        %scan3A_612 = arith.addi %scan3A_581, %scan3A_611 : i32
        %mul3A_613 = arith.constant 1 : i32
        %mul3A_614 = arith.muli %scan3A_612, %mul3A_613 : i32
        %add3A_615 = arith.constant 0 : i32
        %add3A_616 = arith.addi %add3A_615, %mul3A_614 : i32
        %add3A_617 = arith.constant 256 : i32
        %add3A_618 = arith.addi %add3A_617, %add3A_616 : i32
        %get3A_619 = arith.index_cast %add3A_618 : i32 to index
        %get3A_620 = arith.constant 0 : index
        %get3A_621 = tpu.vector_load %arg6[%get3A_619, %get3A_620] {strides = array<i32>} : memref<512x32xf32, #tpu.memory_space<vmem>>, vector<16xf32>,
        %get3A_622 = arith.index_cast %add3A_618 : i32 to index
        %get3A_623 = arith.constant 16 : index
        %get3A_624 = tpu.vector_load %arg6[%get3A_622, %get3A_623] {strides = array<i32>} : memref<512x32xf32, #tpu.memory_space<vmem>>, vector<16xf32>,
        %add3A_625 = vector.broadcast %add3A_616 : i32 to vector<16xi32>
        %add3A_626 = arith.addi %mul3A_53, %add3A_625 : vector<16xi32>
        tpu.vector_store_idx %arg8[%broadcast_in_dim3A_309, %select_n3A, %select_n3A_48, %add3A_626], %get3A_621 : memref<4x4x8x129xf32, #tpu.memory_space<vmem>>[vector<16xi32>, vector<16xi32>, vector<16xi32>, vector<16xi32>], vector<16xf32>,
        tpu.vector_store_idx %arg8[%broadcast_in_dim3A_309, %add3A_28, %select_n3A_48, %add3A_626], %get3A_624 : memref<4x4x8x129xf32, #tpu.memory_space<vmem>>[vector<16xi32>, vector<16xi32>, vector<16xi32>, vector<16xi32>], vector<16xf32>,
        %scan3A_627 = arith.constant 3 : i32
        %scan3A_628 = arith.addi %scan3A_581, %scan3A_627 : i32
        %mul3A_629 = arith.constant 1 : i32
        %mul3A_630 = arith.muli %scan3A_628, %mul3A_629 : i32
        %add3A_631 = arith.constant 0 : i32
        %add3A_632 = arith.addi %add3A_631, %mul3A_630 : i32
        %add3A_633 = arith.constant 256 : i32
        %add3A_634 = arith.addi %add3A_633, %add3A_632 : i32
        %get3A_635 = arith.index_cast %add3A_634 : i32 to index
        %get3A_636 = arith.constant 0 : index
        %get3A_637 = tpu.vector_load %arg6[%get3A_635, %get3A_636] {strides = array<i32>} : memref<512x32xf32, #tpu.memory_space<vmem>>, vector<16xf32>,
        %get3A_638 = arith.index_cast %add3A_634 : i32 to index
        %get3A_639 = arith.constant 16 : index
        %get3A_640 = tpu.vector_load %arg6[%get3A_638, %get3A_639] {strides = array<i32>} : memref<512x32xf32, #tpu.memory_space<vmem>>, vector<16xf32>,
        %add3A_641 = vector.broadcast %add3A_632 : i32 to vector<16xi32>
        %add3A_642 = arith.addi %mul3A_53, %add3A_641 : vector<16xi32>
        tpu.vector_store_idx %arg8[%broadcast_in_dim3A_309, %select_n3A, %select_n3A_48, %add3A_642], %get3A_637 : memref<4x4x8x129xf32, #tpu.memory_space<vmem>>[vector<16xi32>, vector<16xi32>, vector<16xi32>, vector<16xi32>], vector<16xf32>,
        tpu.vector_store_idx %arg8[%broadcast_in_dim3A_309, %add3A_28, %select_n3A_48, %add3A_642], %get3A_640 : memref<4x4x8x129xf32, #tpu.memory_space<vmem>>[vector<16xi32>, vector<16xi32>, vector<16xi32>, vector<16xi32>], vector<16xf32>,
        %scan3A_643 = arith.constant 4 : i32
        %scan3A_644 = arith.addi %scan3A_581, %scan3A_643 : i32
        %mul3A_645 = arith.constant 1 : i32
        %mul3A_646 = arith.muli %scan3A_644, %mul3A_645 : i32
        %add3A_647 = arith.constant 0 : i32
        %add3A_648 = arith.addi %add3A_647, %mul3A_646 : i32
        %add3A_649 = arith.constant 256 : i32
        %add3A_650 = arith.addi %add3A_649, %add3A_648 : i32
        %get3A_651 = arith.index_cast %add3A_650 : i32 to index
        %get3A_652 = arith.constant 0 : index
        %get3A_653 = tpu.vector_load %arg6[%get3A_651, %get3A_652] {strides = array<i32>} : memref<512x32xf32, #tpu.memory_space<vmem>>, vector<16xf32>,
        %get3A_654 = arith.index_cast %add3A_650 : i32 to index
        %get3A_655 = arith.constant 16 : index
        %get3A_656 = tpu.vector_load %arg6[%get3A_654, %get3A_655] {strides = array<i32>} : memref<512x32xf32, #tpu.memory_space<vmem>>, vector<16xf32>,
        %add3A_657 = vector.broadcast %add3A_648 : i32 to vector<16xi32>
        %add3A_658 = arith.addi %mul3A_53, %add3A_657 : vector<16xi32>
        tpu.vector_store_idx %arg8[%broadcast_in_dim3A_309, %select_n3A, %select_n3A_48, %add3A_658], %get3A_653 : memref<4x4x8x129xf32, #tpu.memory_space<vmem>>[vector<16xi32>, vector<16xi32>, vector<16xi32>, vector<16xi32>], vector<16xf32>,
        tpu.vector_store_idx %arg8[%broadcast_in_dim3A_309, %add3A_28, %select_n3A_48, %add3A_658], %get3A_656 : memref<4x4x8x129xf32, #tpu.memory_space<vmem>>[vector<16xi32>, vector<16xi32>, vector<16xi32>, vector<16xi32>], vector<16xf32>,
        %scan3A_659 = arith.constant 5 : i32
        %scan3A_660 = arith.addi %scan3A_581, %scan3A_659 : i32
        %mul3A_661 = arith.constant 1 : i32
        %mul3A_662 = arith.muli %scan3A_660, %mul3A_661 : i32
        %add3A_663 = arith.constant 0 : i32
        %add3A_664 = arith.addi %add3A_663, %mul3A_662 : i32
        %add3A_665 = arith.constant 256 : i32
        %add3A_666 = arith.addi %add3A_665, %add3A_664 : i32
        %get3A_667 = arith.index_cast %add3A_666 : i32 to index
        %get3A_668 = arith.constant 0 : index
        %get3A_669 = tpu.vector_load %arg6[%get3A_667, %get3A_668] {strides = array<i32>} : memref<512x32xf32, #tpu.memory_space<vmem>>, vector<16xf32>,
        %get3A_670 = arith.index_cast %add3A_666 : i32 to index
        %get3A_671 = arith.constant 16 : index
        %get3A_672 = tpu.vector_load %arg6[%get3A_670, %get3A_671] {strides = array<i32>} : memref<512x32xf32, #tpu.memory_space<vmem>>, vector<16xf32>,
        %add3A_673 = vector.broadcast %add3A_664 : i32 to vector<16xi32>
        %add3A_674 = arith.addi %mul3A_53, %add3A_673 : vector<16xi32>
        tpu.vector_store_idx %arg8[%broadcast_in_dim3A_309, %select_n3A, %select_n3A_48, %add3A_674], %get3A_669 : memref<4x4x8x129xf32, #tpu.memory_space<vmem>>[vector<16xi32>, vector<16xi32>, vector<16xi32>, vector<16xi32>], vector<16xf32>,
        tpu.vector_store_idx %arg8[%broadcast_in_dim3A_309, %add3A_28, %select_n3A_48, %add3A_674], %get3A_672 : memref<4x4x8x129xf32, #tpu.memory_space<vmem>>[vector<16xi32>, vector<16xi32>, vector<16xi32>, vector<16xi32>], vector<16xf32>,
        %scan3A_675 = arith.constant 6 : i32
        %scan3A_676 = arith.addi %scan3A_581, %scan3A_675 : i32
        %mul3A_677 = arith.constant 1 : i32
        %mul3A_678 = arith.muli %scan3A_676, %mul3A_677 : i32
        %add3A_679 = arith.constant 0 : i32
        %add3A_680 = arith.addi %add3A_679, %mul3A_678 : i32
        %add3A_681 = arith.constant 256 : i32
        %add3A_682 = arith.addi %add3A_681, %add3A_680 : i32
        %get3A_683 = arith.index_cast %add3A_682 : i32 to index
        %get3A_684 = arith.constant 0 : index
        %get3A_685 = tpu.vector_load %arg6[%get3A_683, %get3A_684] {strides = array<i32>} : memref<512x32xf32, #tpu.memory_space<vmem>>, vector<16xf32>,
        %get3A_686 = arith.index_cast %add3A_682 : i32 to index
        %get3A_687 = arith.constant 16 : index
        %get3A_688 = tpu.vector_load %arg6[%get3A_686, %get3A_687] {strides = array<i32>} : memref<512x32xf32, #tpu.memory_space<vmem>>, vector<16xf32>,
        %add3A_689 = vector.broadcast %add3A_680 : i32 to vector<16xi32>
        %add3A_690 = arith.addi %mul3A_53, %add3A_689 : vector<16xi32>
        tpu.vector_store_idx %arg8[%broadcast_in_dim3A_309, %select_n3A, %select_n3A_48, %add3A_690], %get3A_685 : memref<4x4x8x129xf32, #tpu.memory_space<vmem>>[vector<16xi32>, vector<16xi32>, vector<16xi32>, vector<16xi32>], vector<16xf32>,
        tpu.vector_store_idx %arg8[%broadcast_in_dim3A_309, %add3A_28, %select_n3A_48, %add3A_690], %get3A_688 : memref<4x4x8x129xf32, #tpu.memory_space<vmem>>[vector<16xi32>, vector<16xi32>, vector<16xi32>, vector<16xi32>], vector<16xf32>,
        %scan3A_691 = arith.constant 7 : i32
        %scan3A_692 = arith.addi %scan3A_581, %scan3A_691 : i32
        %mul3A_693 = arith.constant 1 : i32
        %mul3A_694 = arith.muli %scan3A_692, %mul3A_693 : i32
        %add3A_695 = arith.constant 0 : i32
        %add3A_696 = arith.addi %add3A_695, %mul3A_694 : i32
        %add3A_697 = arith.constant 256 : i32
        %add3A_698 = arith.addi %add3A_697, %add3A_696 : i32
        %get3A_699 = arith.index_cast %add3A_698 : i32 to index
        %get3A_700 = arith.constant 0 : index
        %get3A_701 = tpu.vector_load %arg6[%get3A_699, %get3A_700] {strides = array<i32>} : memref<512x32xf32, #tpu.memory_space<vmem>>, vector<16xf32>,
        %get3A_702 = arith.index_cast %add3A_698 : i32 to index
        %get3A_703 = arith.constant 16 : index
        %get3A_704 = tpu.vector_load %arg6[%get3A_702, %get3A_703] {strides = array<i32>} : memref<512x32xf32, #tpu.memory_space<vmem>>, vector<16xf32>,
        %add3A_705 = vector.broadcast %add3A_696 : i32 to vector<16xi32>
        %add3A_706 = arith.addi %mul3A_53, %add3A_705 : vector<16xi32>
        tpu.vector_store_idx %arg8[%broadcast_in_dim3A_309, %select_n3A, %select_n3A_48, %add3A_706], %get3A_701 : memref<4x4x8x129xf32, #tpu.memory_space<vmem>>[vector<16xi32>, vector<16xi32>, vector<16xi32>, vector<16xi32>], vector<16xf32>,
        tpu.vector_store_idx %arg8[%broadcast_in_dim3A_309, %add3A_28, %select_n3A_48, %add3A_706], %get3A_704 : memref<4x4x8x129xf32, #tpu.memory_space<vmem>>[vector<16xi32>, vector<16xi32>, vector<16xi32>, vector<16xi32>], vector<16xf32>,
      }
      %scan3A_314 = arith.constant 128 : i32
      %broadcast_in_dim3A_315 = arith.constant 3 : i32
      %broadcast_in_dim3A_316 = vector.broadcast %broadcast_in_dim3A_315 : i32 to vector<16xi32>
      %scan3A_317 = arith.constant 0 : i32
      %scan3A_318 = arith.constant 128 : i32
      %scan3A_319 = arith.addi %scan3A_317, %scan3A_318 : i32
      %scan3A_320 = arith.constant 8 : i32
      scf.for %scan3A_581 = %scan3A_317 to %scan3A_319 step %scan3A_320  : i32 {
        %mul3A_582 = arith.constant 1 : i32
        %mul3A_583 = arith.muli %scan3A_581, %mul3A_582 : i32
        %add3A_584 = arith.constant 0 : i32
        %add3A_585 = arith.addi %add3A_584, %mul3A_583 : i32
        %add3A_586 = arith.constant 384 : i32
        %add3A_587 = arith.addi %add3A_586, %add3A_585 : i32
        %get3A = arith.index_cast %add3A_587 : i32 to index
        %get3A_588 = arith.constant 0 : index
        %get3A_589 = tpu.vector_load %arg6[%get3A, %get3A_588] {strides = array<i32>} : memref<512x32xf32, #tpu.memory_space<vmem>>, vector<16xf32>,
        %get3A_590 = arith.index_cast %add3A_587 : i32 to index
        %get3A_591 = arith.constant 16 : index
        %get3A_592 = tpu.vector_load %arg6[%get3A_590, %get3A_591] {strides = array<i32>} : memref<512x32xf32, #tpu.memory_space<vmem>>, vector<16xf32>,
        %add3A_593 = vector.broadcast %add3A_585 : i32 to vector<16xi32>
        %add3A_594 = arith.addi %mul3A_53, %add3A_593 : vector<16xi32>
        tpu.vector_store_idx %arg8[%broadcast_in_dim3A_316, %select_n3A, %select_n3A_48, %add3A_594], %get3A_589 : memref<4x4x8x129xf32, #tpu.memory_space<vmem>>[vector<16xi32>, vector<16xi32>, vector<16xi32>, vector<16xi32>], vector<16xf32>,
        tpu.vector_store_idx %arg8[%broadcast_in_dim3A_316, %add3A_28, %select_n3A_48, %add3A_594], %get3A_592 : memref<4x4x8x129xf32, #tpu.memory_space<vmem>>[vector<16xi32>, vector<16xi32>, vector<16xi32>, vector<16xi32>], vector<16xf32>,
        %scan3A_595 = arith.constant 1 : i32
        %scan3A_596 = arith.addi %scan3A_581, %scan3A_595 : i32
        %mul3A_597 = arith.constant 1 : i32
        %mul3A_598 = arith.muli %scan3A_596, %mul3A_597 : i32
        %add3A_599 = arith.constant 0 : i32
        %add3A_600 = arith.addi %add3A_599, %mul3A_598 : i32
        %add3A_601 = arith.constant 384 : i32
        %add3A_602 = arith.addi %add3A_601, %add3A_600 : i32
        %get3A_603 = arith.index_cast %add3A_602 : i32 to index
        %get3A_604 = arith.constant 0 : index
        %get3A_605 = tpu.vector_load %arg6[%get3A_603, %get3A_604] {strides = array<i32>} : memref<512x32xf32, #tpu.memory_space<vmem>>, vector<16xf32>,
        %get3A_606 = arith.index_cast %add3A_602 : i32 to index
        %get3A_607 = arith.constant 16 : index
        %get3A_608 = tpu.vector_load %arg6[%get3A_606, %get3A_607] {strides = array<i32>} : memref<512x32xf32, #tpu.memory_space<vmem>>, vector<16xf32>,
        %add3A_609 = vector.broadcast %add3A_600 : i32 to vector<16xi32>
        %add3A_610 = arith.addi %mul3A_53, %add3A_609 : vector<16xi32>
        tpu.vector_store_idx %arg8[%broadcast_in_dim3A_316, %select_n3A, %select_n3A_48, %add3A_610], %get3A_605 : memref<4x4x8x129xf32, #tpu.memory_space<vmem>>[vector<16xi32>, vector<16xi32>, vector<16xi32>, vector<16xi32>], vector<16xf32>,
        tpu.vector_store_idx %arg8[%broadcast_in_dim3A_316, %add3A_28, %select_n3A_48, %add3A_610], %get3A_608 : memref<4x4x8x129xf32, #tpu.memory_space<vmem>>[vector<16xi32>, vector<16xi32>, vector<16xi32>, vector<16xi32>], vector<16xf32>,
        %scan3A_611 = arith.constant 2 : i32
        %scan3A_612 = arith.addi %scan3A_581, %scan3A_611 : i32
        %mul3A_613 = arith.constant 1 : i32
        %mul3A_614 = arith.muli %scan3A_612, %mul3A_613 : i32
        %add3A_615 = arith.constant 0 : i32
        %add3A_616 = arith.addi %add3A_615, %mul3A_614 : i32
        %add3A_617 = arith.constant 384 : i32
        %add3A_618 = arith.addi %add3A_617, %add3A_616 : i32
        %get3A_619 = arith.index_cast %add3A_618 : i32 to index
        %get3A_620 = arith.constant 0 : index
        %get3A_621 = tpu.vector_load %arg6[%get3A_619, %get3A_620] {strides = array<i32>} : memref<512x32xf32, #tpu.memory_space<vmem>>, vector<16xf32>,
        %get3A_622 = arith.index_cast %add3A_618 : i32 to index
        %get3A_623 = arith.constant 16 : index
        %get3A_624 = tpu.vector_load %arg6[%get3A_622, %get3A_623] {strides = array<i32>} : memref<512x32xf32, #tpu.memory_space<vmem>>, vector<16xf32>,
        %add3A_625 = vector.broadcast %add3A_616 : i32 to vector<16xi32>
        %add3A_626 = arith.addi %mul3A_53, %add3A_625 : vector<16xi32>
        tpu.vector_store_idx %arg8[%broadcast_in_dim3A_316, %select_n3A, %select_n3A_48, %add3A_626], %get3A_621 : memref<4x4x8x129xf32, #tpu.memory_space<vmem>>[vector<16xi32>, vector<16xi32>, vector<16xi32>, vector<16xi32>], vector<16xf32>,
        tpu.vector_store_idx %arg8[%broadcast_in_dim3A_316, %add3A_28, %select_n3A_48, %add3A_626], %get3A_624 : memref<4x4x8x129xf32, #tpu.memory_space<vmem>>[vector<16xi32>, vector<16xi32>, vector<16xi32>, vector<16xi32>], vector<16xf32>,
        %scan3A_627 = arith.constant 3 : i32
        %scan3A_628 = arith.addi %scan3A_581, %scan3A_627 : i32
        %mul3A_629 = arith.constant 1 : i32
        %mul3A_630 = arith.muli %scan3A_628, %mul3A_629 : i32
        %add3A_631 = arith.constant 0 : i32
        %add3A_632 = arith.addi %add3A_631, %mul3A_630 : i32
        %add3A_633 = arith.constant 384 : i32
        %add3A_634 = arith.addi %add3A_633, %add3A_632 : i32
        %get3A_635 = arith.index_cast %add3A_634 : i32 to index
        %get3A_636 = arith.constant 0 : index
        %get3A_637 = tpu.vector_load %arg6[%get3A_635, %get3A_636] {strides = array<i32>} : memref<512x32xf32, #tpu.memory_space<vmem>>, vector<16xf32>,
        %get3A_638 = arith.index_cast %add3A_634 : i32 to index
        %get3A_639 = arith.constant 16 : index
        %get3A_640 = tpu.vector_load %arg6[%get3A_638, %get3A_639] {strides = array<i32>} : memref<512x32xf32, #tpu.memory_space<vmem>>, vector<16xf32>,
        %add3A_641 = vector.broadcast %add3A_632 : i32 to vector<16xi32>
        %add3A_642 = arith.addi %mul3A_53, %add3A_641 : vector<16xi32>
        tpu.vector_store_idx %arg8[%broadcast_in_dim3A_316, %select_n3A, %select_n3A_48, %add3A_642], %get3A_637 : memref<4x4x8x129xf32, #tpu.memory_space<vmem>>[vector<16xi32>, vector<16xi32>, vector<16xi32>, vector<16xi32>], vector<16xf32>,
        tpu.vector_store_idx %arg8[%broadcast_in_dim3A_316, %add3A_28, %select_n3A_48, %add3A_642], %get3A_640 : memref<4x4x8x129xf32, #tpu.memory_space<vmem>>[vector<16xi32>, vector<16xi32>, vector<16xi32>, vector<16xi32>], vector<16xf32>,
        %scan3A_643 = arith.constant 4 : i32
        %scan3A_644 = arith.addi %scan3A_581, %scan3A_643 : i32
        %mul3A_645 = arith.constant 1 : i32
        %mul3A_646 = arith.muli %scan3A_644, %mul3A_645 : i32
        %add3A_647 = arith.constant 0 : i32
        %add3A_648 = arith.addi %add3A_647, %mul3A_646 : i32
        %add3A_649 = arith.constant 384 : i32
        %add3A_650 = arith.addi %add3A_649, %add3A_648 : i32
        %get3A_651 = arith.index_cast %add3A_650 : i32 to index
        %get3A_652 = arith.constant 0 : index
        %get3A_653 = tpu.vector_load %arg6[%get3A_651, %get3A_652] {strides = array<i32>} : memref<512x32xf32, #tpu.memory_space<vmem>>, vector<16xf32>,
        %get3A_654 = arith.index_cast %add3A_650 : i32 to index
        %get3A_655 = arith.constant 16 : index
        %get3A_656 = tpu.vector_load %arg6[%get3A_654, %get3A_655] {strides = array<i32>} : memref<512x32xf32, #tpu.memory_space<vmem>>, vector<16xf32>,
        %add3A_657 = vector.broadcast %add3A_648 : i32 to vector<16xi32>
        %add3A_658 = arith.addi %mul3A_53, %add3A_657 : vector<16xi32>
        tpu.vector_store_idx %arg8[%broadcast_in_dim3A_316, %select_n3A, %select_n3A_48, %add3A_658], %get3A_653 : memref<4x4x8x129xf32, #tpu.memory_space<vmem>>[vector<16xi32>, vector<16xi32>, vector<16xi32>, vector<16xi32>], vector<16xf32>,
        tpu.vector_store_idx %arg8[%broadcast_in_dim3A_316, %add3A_28, %select_n3A_48, %add3A_658], %get3A_656 : memref<4x4x8x129xf32, #tpu.memory_space<vmem>>[vector<16xi32>, vector<16xi32>, vector<16xi32>, vector<16xi32>], vector<16xf32>,
        %scan3A_659 = arith.constant 5 : i32
        %scan3A_660 = arith.addi %scan3A_581, %scan3A_659 : i32
        %mul3A_661 = arith.constant 1 : i32
        %mul3A_662 = arith.muli %scan3A_660, %mul3A_661 : i32
        %add3A_663 = arith.constant 0 : i32
        %add3A_664 = arith.addi %add3A_663, %mul3A_662 : i32
        %add3A_665 = arith.constant 384 : i32
        %add3A_666 = arith.addi %add3A_665, %add3A_664 : i32
        %get3A_667 = arith.index_cast %add3A_666 : i32 to index
        %get3A_668 = arith.constant 0 : index
        %get3A_669 = tpu.vector_load %arg6[%get3A_667, %get3A_668] {strides = array<i32>} : memref<512x32xf32, #tpu.memory_space<vmem>>, vector<16xf32>,
        %get3A_670 = arith.index_cast %add3A_666 : i32 to index
        %get3A_671 = arith.constant 16 : index
        %get3A_672 = tpu.vector_load %arg6[%get3A_670, %get3A_671] {strides = array<i32>} : memref<512x32xf32, #tpu.memory_space<vmem>>, vector<16xf32>,
        %add3A_673 = vector.broadcast %add3A_664 : i32 to vector<16xi32>
        %add3A_674 = arith.addi %mul3A_53, %add3A_673 : vector<16xi32>
        tpu.vector_store_idx %arg8[%broadcast_in_dim3A_316, %select_n3A, %select_n3A_48, %add3A_674], %get3A_669 : memref<4x4x8x129xf32, #tpu.memory_space<vmem>>[vector<16xi32>, vector<16xi32>, vector<16xi32>, vector<16xi32>], vector<16xf32>,
        tpu.vector_store_idx %arg8[%broadcast_in_dim3A_316, %add3A_28, %select_n3A_48, %add3A_674], %get3A_672 : memref<4x4x8x129xf32, #tpu.memory_space<vmem>>[vector<16xi32>, vector<16xi32>, vector<16xi32>, vector<16xi32>], vector<16xf32>,
        %scan3A_675 = arith.constant 6 : i32
        %scan3A_676 = arith.addi %scan3A_581, %scan3A_675 : i32
        %mul3A_677 = arith.constant 1 : i32
        %mul3A_678 = arith.muli %scan3A_676, %mul3A_677 : i32
        %add3A_679 = arith.constant 0 : i32
        %add3A_680 = arith.addi %add3A_679, %mul3A_678 : i32
        %add3A_681 = arith.constant 384 : i32
        %add3A_682 = arith.addi %add3A_681, %add3A_680 : i32
        %get3A_683 = arith.index_cast %add3A_682 : i32 to index
        %get3A_684 = arith.constant 0 : index
        %get3A_685 = tpu.vector_load %arg6[%get3A_683, %get3A_684] {strides = array<i32>} : memref<512x32xf32, #tpu.memory_space<vmem>>, vector<16xf32>,
        %get3A_686 = arith.index_cast %add3A_682 : i32 to index
        %get3A_687 = arith.constant 16 : index
        %get3A_688 = tpu.vector_load %arg6[%get3A_686, %get3A_687] {strides = array<i32>} : memref<512x32xf32, #tpu.memory_space<vmem>>, vector<16xf32>,
        %add3A_689 = vector.broadcast %add3A_680 : i32 to vector<16xi32>
        %add3A_690 = arith.addi %mul3A_53, %add3A_689 : vector<16xi32>
        tpu.vector_store_idx %arg8[%broadcast_in_dim3A_316, %select_n3A, %select_n3A_48, %add3A_690], %get3A_685 : memref<4x4x8x129xf32, #tpu.memory_space<vmem>>[vector<16xi32>, vector<16xi32>, vector<16xi32>, vector<16xi32>], vector<16xf32>,
        tpu.vector_store_idx %arg8[%broadcast_in_dim3A_316, %add3A_28, %select_n3A_48, %add3A_690], %get3A_688 : memref<4x4x8x129xf32, #tpu.memory_space<vmem>>[vector<16xi32>, vector<16xi32>, vector<16xi32>, vector<16xi32>], vector<16xf32>,
        %scan3A_691 = arith.constant 7 : i32
        %scan3A_692 = arith.addi %scan3A_581, %scan3A_691 : i32
        %mul3A_693 = arith.constant 1 : i32
        %mul3A_694 = arith.muli %scan3A_692, %mul3A_693 : i32
        %add3A_695 = arith.constant 0 : i32
        %add3A_696 = arith.addi %add3A_695, %mul3A_694 : i32
        %add3A_697 = arith.constant 384 : i32
        %add3A_698 = arith.addi %add3A_697, %add3A_696 : i32
        %get3A_699 = arith.index_cast %add3A_698 : i32 to index
        %get3A_700 = arith.constant 0 : index
        %get3A_701 = tpu.vector_load %arg6[%get3A_699, %get3A_700] {strides = array<i32>} : memref<512x32xf32, #tpu.memory_space<vmem>>, vector<16xf32>,
        %get3A_702 = arith.index_cast %add3A_698 : i32 to index
        %get3A_703 = arith.constant 16 : index
        %get3A_704 = tpu.vector_load %arg6[%get3A_702, %get3A_703] {strides = array<i32>} : memref<512x32xf32, #tpu.memory_space<vmem>>, vector<16xf32>,
        %add3A_705 = vector.broadcast %add3A_696 : i32 to vector<16xi32>
        %add3A_706 = arith.addi %mul3A_53, %add3A_705 : vector<16xi32>
        tpu.vector_store_idx %arg8[%broadcast_in_dim3A_316, %select_n3A, %select_n3A_48, %add3A_706], %get3A_701 : memref<4x4x8x129xf32, #tpu.memory_space<vmem>>[vector<16xi32>, vector<16xi32>, vector<16xi32>, vector<16xi32>], vector<16xf32>,
        tpu.vector_store_idx %arg8[%broadcast_in_dim3A_316, %add3A_28, %select_n3A_48, %add3A_706], %get3A_704 : memref<4x4x8x129xf32, #tpu.memory_space<vmem>>[vector<16xi32>, vector<16xi32>, vector<16xi32>, vector<16xi32>], vector<16xf32>,
      }
      %scan3A_321 = arith.constant 128 : i32
      %add3A_322 = arith.addi %mul3A_2, %add3A_281 : i32
      %jit3A_323 = arith.constant 2 : i32
      %div3A_324 = arith.divsi %add3A_322, %jit3A_323 : i32
      %sign3A_325 = arith.constant 0 : i32
      %sign3A_326 = arith.cmpi sgt, %add3A_322, %sign3A_325 : i32
      %sign3A_327 = arith.extui %sign3A_326 : i1 to i32
      %sign3A_328 = arith.constant 0 : i32
      %sign3A_329 = arith.cmpi slt, %add3A_322, %sign3A_328 : i32
      %sign3A_330 = arith.extui %sign3A_329 : i1 to i32
      %sign3A_331 = arith.subi %sign3A_327, %sign3A_330 : i32
      %sign3A_332 = arith.constant 0 : i32
      %sign3A_333 = arith.cmpi sgt, %jit3A_323, %sign3A_332 : i32
      %sign3A_334 = arith.extui %sign3A_333 : i1 to i32
      %sign3A_335 = arith.constant 0 : i32
      %sign3A_336 = arith.cmpi slt, %jit3A_323, %sign3A_335 : i32
      %sign3A_337 = arith.extui %sign3A_336 : i1 to i32
      %sign3A_338 = arith.subi %sign3A_334, %sign3A_337 : i32
      %ne3A_339 = arith.cmpi ne, %sign3A_331, %sign3A_338 : i32
      %rem3A_340 = arith.remsi %add3A_322, %jit3A_323 : i32
      %ne3A_341 = arith.constant 0 : i32
      %ne3A_342 = arith.cmpi ne, %rem3A_340, %ne3A_341 : i32
      %and3A_343 = arith.andi %ne3A_339, %ne3A_342 : i1
      %sub3A_344 = arith.constant 1 : i32
      %sub3A_345 = arith.subi %div3A_324, %sub3A_344 : i32
      %select_n3A_346 = arith.select %and3A_343, %sub3A_345, %div3A_324 : i32
      %jit3A_347 = arith.constant 2 : i32
      %eq3A_348 = arith.constant 0 : i32
      %eq3A_349 = arith.cmpi eq, %jit3A_347, %eq3A_348 : i32
      %jit3A_350 = arith.constant 1 : i32
      %select_n3A_351 = arith.select %eq3A_349, %jit3A_350, %jit3A_347 : i32
      %rem3A_352 = arith.remsi %add3A_322, %select_n3A_351 : i32
      %ne3A_353 = arith.constant 0 : i32
      %ne3A_354 = arith.cmpi ne, %rem3A_352, %ne3A_353 : i32
      %lt3A_355 = arith.constant 0 : i32
      %lt3A_356 = arith.cmpi slt, %rem3A_352, %lt3A_355 : i32
      %lt3A_357 = arith.constant 0 : i32
      %lt3A_358 = arith.cmpi slt, %select_n3A_351, %lt3A_357 : i32
      %ne3A_359 = arith.xori %lt3A_356, %lt3A_358 : i1
      %and3A_360 = arith.andi %ne3A_359, %ne3A_354 : i1
      %add3A_361 = arith.addi %rem3A_352, %select_n3A_351 : i32
      %select_n3A_362 = arith.select %and3A_360, %add3A_361, %rem3A_352 : i32
      %jit3A_363 = arith.constant 32 : i32
      %div3A_364 = arith.divsi %select_n3A_346, %jit3A_363 : i32
      %sign3A_365 = arith.constant 0 : i32
      %sign3A_366 = arith.cmpi sgt, %select_n3A_346, %sign3A_365 : i32
      %sign3A_367 = arith.extui %sign3A_366 : i1 to i32
      %sign3A_368 = arith.constant 0 : i32
      %sign3A_369 = arith.cmpi slt, %select_n3A_346, %sign3A_368 : i32
      %sign3A_370 = arith.extui %sign3A_369 : i1 to i32
      %sign3A_371 = arith.subi %sign3A_367, %sign3A_370 : i32
      %sign3A_372 = arith.constant 0 : i32
      %sign3A_373 = arith.cmpi sgt, %jit3A_363, %sign3A_372 : i32
      %sign3A_374 = arith.extui %sign3A_373 : i1 to i32
      %sign3A_375 = arith.constant 0 : i32
      %sign3A_376 = arith.cmpi slt, %jit3A_363, %sign3A_375 : i32
      %sign3A_377 = arith.extui %sign3A_376 : i1 to i32
      %sign3A_378 = arith.subi %sign3A_374, %sign3A_377 : i32
      %ne3A_379 = arith.cmpi ne, %sign3A_371, %sign3A_378 : i32
      %rem3A_380 = arith.remsi %select_n3A_346, %jit3A_363 : i32
      %ne3A_381 = arith.constant 0 : i32
      %ne3A_382 = arith.cmpi ne, %rem3A_380, %ne3A_381 : i32
      %and3A_383 = arith.andi %ne3A_379, %ne3A_382 : i1
      %sub3A_384 = arith.constant 1 : i32
      %sub3A_385 = arith.subi %div3A_364, %sub3A_384 : i32
      %select_n3A_386 = arith.select %and3A_383, %sub3A_385, %div3A_364 : i32
      %jit3A_387 = arith.constant 32 : i32
      %eq3A_388 = arith.constant 0 : i32
      %eq3A_389 = arith.cmpi eq, %jit3A_387, %eq3A_388 : i32
      %jit3A_390 = arith.constant 1 : i32
      %select_n3A_391 = arith.select %eq3A_389, %jit3A_390, %jit3A_387 : i32
      %rem3A_392 = arith.remsi %select_n3A_346, %select_n3A_391 : i32
      %ne3A_393 = arith.constant 0 : i32
      %ne3A_394 = arith.cmpi ne, %rem3A_392, %ne3A_393 : i32
      %lt3A_395 = arith.constant 0 : i32
      %lt3A_396 = arith.cmpi slt, %rem3A_392, %lt3A_395 : i32
      %lt3A_397 = arith.constant 0 : i32
      %lt3A_398 = arith.cmpi slt, %select_n3A_391, %lt3A_397 : i32
      %ne3A_399 = arith.xori %lt3A_396, %lt3A_398 : i1
      %and3A_400 = arith.andi %ne3A_399, %ne3A_394 : i1
      %add3A_401 = arith.addi %rem3A_392, %select_n3A_391 : i32
      %select_n3A_402 = arith.select %and3A_400, %add3A_401, %rem3A_392 : i32
      %mul3A_403 = arith.constant 8 : i32
      %mul3A_404 = arith.muli %select_n3A_386, %mul3A_403 : i32
      %mul3A_405 = arith.constant 4 : i32
      %mul3A_406 = arith.muli %select_n3A_362, %mul3A_405 : i32
      %add3A_407 = arith.addi %mul3A_404, %mul3A_406 : i32
      %dma_start3A_408 = arith.constant 0 : i32
      %dma_start3A_409 = arith.constant 0 : i32
      %dma_start3A_410 = arith.constant 0 : i32
      %dma_start3A_411 = arith.constant 0 : i32
      %dma_start3A_412 = tpu.memref_slice %arg8[%dma_start3A_408, %dma_start3A_409, %dma_start3A_410, %dma_start3A_411] : memref<4x4x8x129xf32, #tpu.memory_space<vmem>> -> memref<4x4x8x128xf32, #tpu.memory_space<vmem>>
      %dma_start3A_413 = arith.constant 0 : i32
      %dma_start3A_414 = arith.constant 0 : i32
      %dma_start3A_415 = arith.constant 0 : i32
      %dma_start3A_416 = tpu.memref_slice %arg4[%add3A_407, %dma_start3A_413, %select_n3A_402, %dma_start3A_414, %dma_start3A_415] : memref<200x4x32x8x128xf32, #tpu.memory_space<hbm>> -> memref<4x4x1x8x128xf32, #tpu.memory_space<hbm>>
      %dma_start3A_417 = tpu.memref_squeeze %dma_start3A_416 : memref<4x4x1x8x128xf32, #tpu.memory_space<hbm>> -> memref<4x4x8x128xf32, #tpu.memory_space<hbm>>
      %dma_start3A_418 = arith.constant 0 : i32
      %dma_start3A_419 = arith.constant 0 : i32
      %dma_start3A_420 = arith.constant 0 : i32
      %dma_start3A_421 = tpu.memref_slice %arg4[%add3A_407, %dma_start3A_418, %select_n3A_402, %dma_start3A_419, %dma_start3A_420] : memref<200x4x32x8x128xf32, #tpu.memory_space<hbm>> -> memref<4x4x1x8x128xf32, #tpu.memory_space<hbm>>
      %dma_start3A_422 = tpu.memref_squeeze %dma_start3A_421 : memref<4x4x1x8x128xf32, #tpu.memory_space<hbm>> -> memref<4x4x8x128xf32, #tpu.memory_space<hbm>>
      %dma_start3A_423 = arith.constant 0 : i32
      %dma_start3A_424 = arith.constant 0 : i32
      %dma_start3A_425 = arith.constant 0 : i32
      %dma_start3A_426 = arith.constant 0 : i32
      %dma_start3A_427 = tpu.memref_slice %arg8[%dma_start3A_423, %dma_start3A_424, %dma_start3A_425, %dma_start3A_426] : memref<4x4x8x129xf32, #tpu.memory_space<vmem>> -> memref<4x4x8x128xf32, #tpu.memory_space<vmem>>
      tpu.enqueue_dma source(%dma_start3A_427 : memref<4x4x8x128xf32, #tpu.memory_space<vmem>>) target(%dma_start3A_422 : memref<4x4x8x128xf32, #tpu.memory_space<hbm>>) target_semaphore(%arg12 : memref<!tpu.dma_semaphore, #tpu.memory_space<semaphore_mem>>)
      %add3A_428 = arith.constant 1 : i32
      %add3A_429 = arith.addi %add3A_279, %add3A_428 : i32
      %add3A_430 = arith.constant 1 : i32
      %add3A_431 = arith.addi %add3A_429, %add3A_430 : i32
      %le3A_432 = arith.constant 49 : i32
      %le3A_433 = arith.cmpi sle, %add3A_431, %le3A_432 : i32
      %convert_element_type3A_434 = arith.extui %le3A_433 : i1 to i32
      %cond3A_435 = arith.constant 0 : i32
      %cond3A_436 = arith.cmpi ne, %convert_element_type3A_434, %cond3A_435 : i32
      scf.if %cond3A_436 {
        %add3A_581 = arith.constant 1 : i32
        %add3A_582 = arith.addi %add3A_429, %add3A_581 : i32
        %mul3A_583 = arith.constant 512 : i32
        %mul3A_584 = arith.muli %add3A_582, %mul3A_583 : i32
        %dma_start3A_585 = tpu.memref_slice %arg5[%mul3A_584] : memref<25600xi32, #tpu.memory_space<vmem>> -> memref<512xi32, #tpu.memory_space<vmem>>
        %dma_start3A_586 = arith.constant 0 : i32
        %dma_start3A_587 = arith.constant 0 : i32
        %dma_start3A_588 = tpu.memref_slice %arg3[%dma_start3A_586, %dma_start3A_587] : memref<1000000x32xf32, #tpu.memory_space<hbm>> -> memref<1000000x32xf32, #tpu.memory_space<hbm>>
        tpu.enqueue_indirect_dma source(%dma_start3A_588 : memref<1000000x32xf32, #tpu.memory_space<hbm>>) target(%arg6 : memref<512x32xf32, #tpu.memory_space<vmem>>) offsets(%dma_start3A_585 : memref<512xi32, #tpu.memory_space<vmem>>) semaphore(%arg10 : memref<!tpu.dma_semaphore, #tpu.memory_space<semaphore_mem>>)
      } else {
      }
      %dma_wait3A_437 = arith.constant 0 : i32
      %dma_wait3A_438 = tpu.memref_slice %arg5[%dma_wait3A_437] : memref<25600xi32, #tpu.memory_space<vmem>> -> memref<512xi32, #tpu.memory_space<vmem>>
      %dma_wait3A_439 = arith.constant 0 : i32
      %dma_wait3A_440 = arith.constant 0 : i32
      %dma_wait3A_441 = tpu.memref_slice %arg3[%dma_wait3A_439, %dma_wait3A_440] : memref<1000000x32xf32, #tpu.memory_space<hbm>> -> memref<1000000x32xf32, #tpu.memory_space<hbm>>
      tpu.wait_indirect_dma semaphore(%arg11 : memref<!tpu.dma_semaphore, #tpu.memory_space<semaphore_mem>>) src(%dma_wait3A_441 : memref<1000000x32xf32, #tpu.memory_space<hbm>>) dst(%arg7 : memref<512x32xf32, #tpu.memory_space<vmem>>)
      %ge3A_442 = arith.constant 2 : i32
      %ge3A_443 = arith.cmpi sge, %add3A_429, %ge3A_442 : i32
      %convert_element_type3A_444 = arith.extui %ge3A_443 : i1 to i32
      %cond3A_445 = arith.constant 0 : i32
      %cond3A_446 = arith.cmpi ne, %convert_element_type3A_444, %cond3A_445 : i32
      scf.if %cond3A_446 {
        %add3A_581 = arith.constant 0 : i32
        %add3A_582 = arith.addi %mul3A_2, %add3A_581 : i32
        %jit3A_583 = arith.constant 2 : i32
        %div3A_584 = arith.divsi %add3A_582, %jit3A_583 : i32
        %sign3A_585 = arith.constant 0 : i32
        %sign3A_586 = arith.cmpi sgt, %add3A_582, %sign3A_585 : i32
        %sign3A_587 = arith.extui %sign3A_586 : i1 to i32
        %sign3A_588 = arith.constant 0 : i32
        %sign3A_589 = arith.cmpi slt, %add3A_582, %sign3A_588 : i32
        %sign3A_590 = arith.extui %sign3A_589 : i1 to i32
        %sign3A_591 = arith.subi %sign3A_587, %sign3A_590 : i32
        %sign3A_592 = arith.constant 0 : i32
        %sign3A_593 = arith.cmpi sgt, %jit3A_583, %sign3A_592 : i32
        %sign3A_594 = arith.extui %sign3A_593 : i1 to i32
        %sign3A_595 = arith.constant 0 : i32
        %sign3A_596 = arith.cmpi slt, %jit3A_583, %sign3A_595 : i32
        %sign3A_597 = arith.extui %sign3A_596 : i1 to i32
        %sign3A_598 = arith.subi %sign3A_594, %sign3A_597 : i32
        %ne3A_599 = arith.cmpi ne, %sign3A_591, %sign3A_598 : i32
        %rem3A_600 = arith.remsi %add3A_582, %jit3A_583 : i32
        %ne3A_601 = arith.constant 0 : i32
        %ne3A_602 = arith.cmpi ne, %rem3A_600, %ne3A_601 : i32
        %and3A_603 = arith.andi %ne3A_599, %ne3A_602 : i1
        %sub3A_604 = arith.constant 1 : i32
        %sub3A_605 = arith.subi %div3A_584, %sub3A_604 : i32
        %select_n3A_606 = arith.select %and3A_603, %sub3A_605, %div3A_584 : i32
        %jit3A_607 = arith.constant 2 : i32
        %eq3A_608 = arith.constant 0 : i32
        %eq3A_609 = arith.cmpi eq, %jit3A_607, %eq3A_608 : i32
        %jit3A_610 = arith.constant 1 : i32
        %select_n3A_611 = arith.select %eq3A_609, %jit3A_610, %jit3A_607 : i32
        %rem3A_612 = arith.remsi %add3A_582, %select_n3A_611 : i32
        %ne3A_613 = arith.constant 0 : i32
        %ne3A_614 = arith.cmpi ne, %rem3A_612, %ne3A_613 : i32
        %lt3A_615 = arith.constant 0 : i32
        %lt3A_616 = arith.cmpi slt, %rem3A_612, %lt3A_615 : i32
        %lt3A_617 = arith.constant 0 : i32
        %lt3A_618 = arith.cmpi slt, %select_n3A_611, %lt3A_617 : i32
        %ne3A_619 = arith.xori %lt3A_616, %lt3A_618 : i1
        %and3A_620 = arith.andi %ne3A_619, %ne3A_614 : i1
        %add3A_621 = arith.addi %rem3A_612, %select_n3A_611 : i32
        %select_n3A_622 = arith.select %and3A_620, %add3A_621, %rem3A_612 : i32
        %jit3A_623 = arith.constant 32 : i32
        %div3A_624 = arith.divsi %select_n3A_606, %jit3A_623 : i32
        %sign3A_625 = arith.constant 0 : i32
        %sign3A_626 = arith.cmpi sgt, %select_n3A_606, %sign3A_625 : i32
        %sign3A_627 = arith.extui %sign3A_626 : i1 to i32
        %sign3A_628 = arith.constant 0 : i32
        %sign3A_629 = arith.cmpi slt, %select_n3A_606, %sign3A_628 : i32
        %sign3A_630 = arith.extui %sign3A_629 : i1 to i32
        %sign3A_631 = arith.subi %sign3A_627, %sign3A_630 : i32
        %sign3A_632 = arith.constant 0 : i32
        %sign3A_633 = arith.cmpi sgt, %jit3A_623, %sign3A_632 : i32
        %sign3A_634 = arith.extui %sign3A_633 : i1 to i32
        %sign3A_635 = arith.constant 0 : i32
        %sign3A_636 = arith.cmpi slt, %jit3A_623, %sign3A_635 : i32
        %sign3A_637 = arith.extui %sign3A_636 : i1 to i32
        %sign3A_638 = arith.subi %sign3A_634, %sign3A_637 : i32
        %ne3A_639 = arith.cmpi ne, %sign3A_631, %sign3A_638 : i32
        %rem3A_640 = arith.remsi %select_n3A_606, %jit3A_623 : i32
        %ne3A_641 = arith.constant 0 : i32
        %ne3A_642 = arith.cmpi ne, %rem3A_640, %ne3A_641 : i32
        %and3A_643 = arith.andi %ne3A_639, %ne3A_642 : i1
        %sub3A_644 = arith.constant 1 : i32
        %sub3A_645 = arith.subi %div3A_624, %sub3A_644 : i32
        %select_n3A_646 = arith.select %and3A_643, %sub3A_645, %div3A_624 : i32
        %jit3A_647 = arith.constant 32 : i32
        %eq3A_648 = arith.constant 0 : i32
        %eq3A_649 = arith.cmpi eq, %jit3A_647, %eq3A_648 : i32
        %jit3A_650 = arith.constant 1 : i32
        %select_n3A_651 = arith.select %eq3A_649, %jit3A_650, %jit3A_647 : i32
        %rem3A_652 = arith.remsi %select_n3A_606, %select_n3A_651 : i32
        %ne3A_653 = arith.constant 0 : i32
        %ne3A_654 = arith.cmpi ne, %rem3A_652, %ne3A_653 : i32
        %lt3A_655 = arith.constant 0 : i32
        %lt3A_656 = arith.cmpi slt, %rem3A_652, %lt3A_655 : i32
        %lt3A_657 = arith.constant 0 : i32
        %lt3A_658 = arith.cmpi slt, %select_n3A_651, %lt3A_657 : i32
        %ne3A_659 = arith.xori %lt3A_656, %lt3A_658 : i1
        %and3A_660 = arith.andi %ne3A_659, %ne3A_654 : i1
        %add3A_661 = arith.addi %rem3A_652, %select_n3A_651 : i32
        %select_n3A_662 = arith.select %and3A_660, %add3A_661, %rem3A_652 : i32
        %mul3A_663 = arith.constant 8 : i32
        %mul3A_664 = arith.muli %select_n3A_646, %mul3A_663 : i32
        %mul3A_665 = arith.constant 4 : i32
        %mul3A_666 = arith.muli %select_n3A_622, %mul3A_665 : i32
        %add3A_667 = arith.addi %mul3A_664, %mul3A_666 : i32
        %dma_wait3A_668 = arith.constant 0 : i32
        %dma_wait3A_669 = arith.constant 0 : i32
        %dma_wait3A_670 = arith.constant 0 : i32
        %dma_wait3A_671 = arith.constant 0 : i32
        %dma_wait3A_672 = tpu.memref_slice %arg9[%dma_wait3A_668, %dma_wait3A_669, %dma_wait3A_670, %dma_wait3A_671] : memref<4x4x8x129xf32, #tpu.memory_space<vmem>> -> memref<4x4x8x128xf32, #tpu.memory_space<vmem>>
        %dma_wait3A_673 = arith.constant 0 : i32
        %dma_wait3A_674 = arith.constant 0 : i32
        %dma_wait3A_675 = arith.constant 0 : i32
        %dma_wait3A_676 = tpu.memref_slice %arg4[%add3A_667, %dma_wait3A_673, %select_n3A_662, %dma_wait3A_674, %dma_wait3A_675] : memref<200x4x32x8x128xf32, #tpu.memory_space<hbm>> -> memref<4x4x1x8x128xf32, #tpu.memory_space<hbm>>
        %dma_wait3A_677 = tpu.memref_squeeze %dma_wait3A_676 : memref<4x4x1x8x128xf32, #tpu.memory_space<hbm>> -> memref<4x4x8x128xf32, #tpu.memory_space<hbm>>
        %dma_wait3A_678 = arith.constant 0 : i32
        %dma_wait3A_679 = arith.constant 0 : i32
        %dma_wait3A_680 = arith.constant 0 : i32
        %dma_wait3A_681 = tpu.memref_slice %arg4[%add3A_667, %dma_wait3A_678, %select_n3A_662, %dma_wait3A_679, %dma_wait3A_680] : memref<200x4x32x8x128xf32, #tpu.memory_space<hbm>> -> memref<4x4x1x8x128xf32, #tpu.memory_space<hbm>>
        %dma_wait3A_682 = tpu.memref_squeeze %dma_wait3A_681 : memref<4x4x1x8x128xf32, #tpu.memory_space<hbm>> -> memref<4x4x8x128xf32, #tpu.memory_space<hbm>>
        %dma_wait3A_683 = arith.constant 0 : i32
        %dma_wait3A_684 = arith.constant 0 : i32
        %dma_wait3A_685 = arith.constant 0 : i32
        %dma_wait3A_686 = arith.constant 0 : i32
        %dma_wait3A_687 = tpu.memref_slice %arg9[%dma_wait3A_683, %dma_wait3A_684, %dma_wait3A_685, %dma_wait3A_686] : memref<4x4x8x129xf32, #tpu.memory_space<vmem>> -> memref<4x4x8x128xf32, #tpu.memory_space<vmem>>
        tpu.wait_dma2 semaphore(%arg13 : memref<!tpu.dma_semaphore, #tpu.memory_space<semaphore_mem>>) src(%dma_wait3A_687 : memref<4x4x8x128xf32, #tpu.memory_space<vmem>>) dst(%dma_wait3A_682 : memref<4x4x8x128xf32, #tpu.memory_space<hbm>>)
      } else {
      }
      %broadcast_in_dim3A_447 = arith.constant 0 : i32
      %broadcast_in_dim3A_448 = vector.broadcast %broadcast_in_dim3A_447 : i32 to vector<16xi32>
      %scan3A_449 = arith.constant 0 : i32
      %scan3A_450 = arith.constant 128 : i32
      %scan3A_451 = arith.addi %scan3A_449, %scan3A_450 : i32
      %scan3A_452 = arith.constant 8 : i32
      scf.for %scan3A_581 = %scan3A_449 to %scan3A_451 step %scan3A_452  : i32 {
        %mul3A_582 = arith.constant 1 : i32
        %mul3A_583 = arith.muli %scan3A_581, %mul3A_582 : i32
        %add3A_584 = arith.constant 0 : i32
        %add3A_585 = arith.addi %add3A_584, %mul3A_583 : i32
        %add3A_586 = arith.constant 0 : i32
        %add3A_587 = arith.addi %add3A_586, %add3A_585 : i32
        %get3A = arith.index_cast %add3A_587 : i32 to index
        %get3A_588 = arith.constant 0 : index
        %get3A_589 = tpu.vector_load %arg7[%get3A, %get3A_588] {strides = array<i32>} : memref<512x32xf32, #tpu.memory_space<vmem>>, vector<16xf32>,
        %get3A_590 = arith.index_cast %add3A_587 : i32 to index
        %get3A_591 = arith.constant 16 : index
        %get3A_592 = tpu.vector_load %arg7[%get3A_590, %get3A_591] {strides = array<i32>} : memref<512x32xf32, #tpu.memory_space<vmem>>, vector<16xf32>,
        %add3A_593 = vector.broadcast %add3A_585 : i32 to vector<16xi32>
        %add3A_594 = arith.addi %mul3A_53, %add3A_593 : vector<16xi32>
        tpu.vector_store_idx %arg9[%broadcast_in_dim3A_448, %select_n3A, %select_n3A_48, %add3A_594], %get3A_589 : memref<4x4x8x129xf32, #tpu.memory_space<vmem>>[vector<16xi32>, vector<16xi32>, vector<16xi32>, vector<16xi32>], vector<16xf32>,
        tpu.vector_store_idx %arg9[%broadcast_in_dim3A_448, %add3A_28, %select_n3A_48, %add3A_594], %get3A_592 : memref<4x4x8x129xf32, #tpu.memory_space<vmem>>[vector<16xi32>, vector<16xi32>, vector<16xi32>, vector<16xi32>], vector<16xf32>,
        %scan3A_595 = arith.constant 1 : i32
        %scan3A_596 = arith.addi %scan3A_581, %scan3A_595 : i32
        %mul3A_597 = arith.constant 1 : i32
        %mul3A_598 = arith.muli %scan3A_596, %mul3A_597 : i32
        %add3A_599 = arith.constant 0 : i32
        %add3A_600 = arith.addi %add3A_599, %mul3A_598 : i32
        %add3A_601 = arith.constant 0 : i32
        %add3A_602 = arith.addi %add3A_601, %add3A_600 : i32
        %get3A_603 = arith.index_cast %add3A_602 : i32 to index
        %get3A_604 = arith.constant 0 : index
        %get3A_605 = tpu.vector_load %arg7[%get3A_603, %get3A_604] {strides = array<i32>} : memref<512x32xf32, #tpu.memory_space<vmem>>, vector<16xf32>,
        %get3A_606 = arith.index_cast %add3A_602 : i32 to index
        %get3A_607 = arith.constant 16 : index
        %get3A_608 = tpu.vector_load %arg7[%get3A_606, %get3A_607] {strides = array<i32>} : memref<512x32xf32, #tpu.memory_space<vmem>>, vector<16xf32>,
        %add3A_609 = vector.broadcast %add3A_600 : i32 to vector<16xi32>
        %add3A_610 = arith.addi %mul3A_53, %add3A_609 : vector<16xi32>
        tpu.vector_store_idx %arg9[%broadcast_in_dim3A_448, %select_n3A, %select_n3A_48, %add3A_610], %get3A_605 : memref<4x4x8x129xf32, #tpu.memory_space<vmem>>[vector<16xi32>, vector<16xi32>, vector<16xi32>, vector<16xi32>], vector<16xf32>,
        tpu.vector_store_idx %arg9[%broadcast_in_dim3A_448, %add3A_28, %select_n3A_48, %add3A_610], %get3A_608 : memref<4x4x8x129xf32, #tpu.memory_space<vmem>>[vector<16xi32>, vector<16xi32>, vector<16xi32>, vector<16xi32>], vector<16xf32>,
        %scan3A_611 = arith.constant 2 : i32
        %scan3A_612 = arith.addi %scan3A_581, %scan3A_611 : i32
        %mul3A_613 = arith.constant 1 : i32
        %mul3A_614 = arith.muli %scan3A_612, %mul3A_613 : i32
        %add3A_615 = arith.constant 0 : i32
        %add3A_616 = arith.addi %add3A_615, %mul3A_614 : i32
        %add3A_617 = arith.constant 0 : i32
        %add3A_618 = arith.addi %add3A_617, %add3A_616 : i32
        %get3A_619 = arith.index_cast %add3A_618 : i32 to index
        %get3A_620 = arith.constant 0 : index
        %get3A_621 = tpu.vector_load %arg7[%get3A_619, %get3A_620] {strides = array<i32>} : memref<512x32xf32, #tpu.memory_space<vmem>>, vector<16xf32>,
        %get3A_622 = arith.index_cast %add3A_618 : i32 to index
        %get3A_623 = arith.constant 16 : index
        %get3A_624 = tpu.vector_load %arg7[%get3A_622, %get3A_623] {strides = array<i32>} : memref<512x32xf32, #tpu.memory_space<vmem>>, vector<16xf32>,
        %add3A_625 = vector.broadcast %add3A_616 : i32 to vector<16xi32>
        %add3A_626 = arith.addi %mul3A_53, %add3A_625 : vector<16xi32>
        tpu.vector_store_idx %arg9[%broadcast_in_dim3A_448, %select_n3A, %select_n3A_48, %add3A_626], %get3A_621 : memref<4x4x8x129xf32, #tpu.memory_space<vmem>>[vector<16xi32>, vector<16xi32>, vector<16xi32>, vector<16xi32>], vector<16xf32>,
        tpu.vector_store_idx %arg9[%broadcast_in_dim3A_448, %add3A_28, %select_n3A_48, %add3A_626], %get3A_624 : memref<4x4x8x129xf32, #tpu.memory_space<vmem>>[vector<16xi32>, vector<16xi32>, vector<16xi32>, vector<16xi32>], vector<16xf32>,
        %scan3A_627 = arith.constant 3 : i32
        %scan3A_628 = arith.addi %scan3A_581, %scan3A_627 : i32
        %mul3A_629 = arith.constant 1 : i32
        %mul3A_630 = arith.muli %scan3A_628, %mul3A_629 : i32
        %add3A_631 = arith.constant 0 : i32
        %add3A_632 = arith.addi %add3A_631, %mul3A_630 : i32
        %add3A_633 = arith.constant 0 : i32
        %add3A_634 = arith.addi %add3A_633, %add3A_632 : i32
        %get3A_635 = arith.index_cast %add3A_634 : i32 to index
        %get3A_636 = arith.constant 0 : index
        %get3A_637 = tpu.vector_load %arg7[%get3A_635, %get3A_636] {strides = array<i32>} : memref<512x32xf32, #tpu.memory_space<vmem>>, vector<16xf32>,
        %get3A_638 = arith.index_cast %add3A_634 : i32 to index
        %get3A_639 = arith.constant 16 : index
        %get3A_640 = tpu.vector_load %arg7[%get3A_638, %get3A_639] {strides = array<i32>} : memref<512x32xf32, #tpu.memory_space<vmem>>, vector<16xf32>,
        %add3A_641 = vector.broadcast %add3A_632 : i32 to vector<16xi32>
        %add3A_642 = arith.addi %mul3A_53, %add3A_641 : vector<16xi32>
        tpu.vector_store_idx %arg9[%broadcast_in_dim3A_448, %select_n3A, %select_n3A_48, %add3A_642], %get3A_637 : memref<4x4x8x129xf32, #tpu.memory_space<vmem>>[vector<16xi32>, vector<16xi32>, vector<16xi32>, vector<16xi32>], vector<16xf32>,
        tpu.vector_store_idx %arg9[%broadcast_in_dim3A_448, %add3A_28, %select_n3A_48, %add3A_642], %get3A_640 : memref<4x4x8x129xf32, #tpu.memory_space<vmem>>[vector<16xi32>, vector<16xi32>, vector<16xi32>, vector<16xi32>], vector<16xf32>,
        %scan3A_643 = arith.constant 4 : i32
        %scan3A_644 = arith.addi %scan3A_581, %scan3A_643 : i32
        %mul3A_645 = arith.constant 1 : i32
        %mul3A_646 = arith.muli %scan3A_644, %mul3A_645 : i32
        %add3A_647 = arith.constant 0 : i32
        %add3A_648 = arith.addi %add3A_647, %mul3A_646 : i32
        %add3A_649 = arith.constant 0 : i32
        %add3A_650 = arith.addi %add3A_649, %add3A_648 : i32
        %get3A_651 = arith.index_cast %add3A_650 : i32 to index
        %get3A_652 = arith.constant 0 : index
        %get3A_653 = tpu.vector_load %arg7[%get3A_651, %get3A_652] {strides = array<i32>} : memref<512x32xf32, #tpu.memory_space<vmem>>, vector<16xf32>,
        %get3A_654 = arith.index_cast %add3A_650 : i32 to index
        %get3A_655 = arith.constant 16 : index
        %get3A_656 = tpu.vector_load %arg7[%get3A_654, %get3A_655] {strides = array<i32>} : memref<512x32xf32, #tpu.memory_space<vmem>>, vector<16xf32>,
        %add3A_657 = vector.broadcast %add3A_648 : i32 to vector<16xi32>
        %add3A_658 = arith.addi %mul3A_53, %add3A_657 : vector<16xi32>
        tpu.vector_store_idx %arg9[%broadcast_in_dim3A_448, %select_n3A, %select_n3A_48, %add3A_658], %get3A_653 : memref<4x4x8x129xf32, #tpu.memory_space<vmem>>[vector<16xi32>, vector<16xi32>, vector<16xi32>, vector<16xi32>], vector<16xf32>,
        tpu.vector_store_idx %arg9[%broadcast_in_dim3A_448, %add3A_28, %select_n3A_48, %add3A_658], %get3A_656 : memref<4x4x8x129xf32, #tpu.memory_space<vmem>>[vector<16xi32>, vector<16xi32>, vector<16xi32>, vector<16xi32>], vector<16xf32>,
        %scan3A_659 = arith.constant 5 : i32
        %scan3A_660 = arith.addi %scan3A_581, %scan3A_659 : i32
        %mul3A_661 = arith.constant 1 : i32
        %mul3A_662 = arith.muli %scan3A_660, %mul3A_661 : i32
        %add3A_663 = arith.constant 0 : i32
        %add3A_664 = arith.addi %add3A_663, %mul3A_662 : i32
        %add3A_665 = arith.constant 0 : i32
        %add3A_666 = arith.addi %add3A_665, %add3A_664 : i32
        %get3A_667 = arith.index_cast %add3A_666 : i32 to index
        %get3A_668 = arith.constant 0 : index
        %get3A_669 = tpu.vector_load %arg7[%get3A_667, %get3A_668] {strides = array<i32>} : memref<512x32xf32, #tpu.memory_space<vmem>>, vector<16xf32>,
        %get3A_670 = arith.index_cast %add3A_666 : i32 to index
        %get3A_671 = arith.constant 16 : index
        %get3A_672 = tpu.vector_load %arg7[%get3A_670, %get3A_671] {strides = array<i32>} : memref<512x32xf32, #tpu.memory_space<vmem>>, vector<16xf32>,
        %add3A_673 = vector.broadcast %add3A_664 : i32 to vector<16xi32>
        %add3A_674 = arith.addi %mul3A_53, %add3A_673 : vector<16xi32>
        tpu.vector_store_idx %arg9[%broadcast_in_dim3A_448, %select_n3A, %select_n3A_48, %add3A_674], %get3A_669 : memref<4x4x8x129xf32, #tpu.memory_space<vmem>>[vector<16xi32>, vector<16xi32>, vector<16xi32>, vector<16xi32>], vector<16xf32>,
        tpu.vector_store_idx %arg9[%broadcast_in_dim3A_448, %add3A_28, %select_n3A_48, %add3A_674], %get3A_672 : memref<4x4x8x129xf32, #tpu.memory_space<vmem>>[vector<16xi32>, vector<16xi32>, vector<16xi32>, vector<16xi32>], vector<16xf32>,
        %scan3A_675 = arith.constant 6 : i32
        %scan3A_676 = arith.addi %scan3A_581, %scan3A_675 : i32
        %mul3A_677 = arith.constant 1 : i32
        %mul3A_678 = arith.muli %scan3A_676, %mul3A_677 : i32
        %add3A_679 = arith.constant 0 : i32
        %add3A_680 = arith.addi %add3A_679, %mul3A_678 : i32
        %add3A_681 = arith.constant 0 : i32
        %add3A_682 = arith.addi %add3A_681, %add3A_680 : i32
        %get3A_683 = arith.index_cast %add3A_682 : i32 to index
        %get3A_684 = arith.constant 0 : index
        %get3A_685 = tpu.vector_load %arg7[%get3A_683, %get3A_684] {strides = array<i32>} : memref<512x32xf32, #tpu.memory_space<vmem>>, vector<16xf32>,
        %get3A_686 = arith.index_cast %add3A_682 : i32 to index
        %get3A_687 = arith.constant 16 : index
        %get3A_688 = tpu.vector_load %arg7[%get3A_686, %get3A_687] {strides = array<i32>} : memref<512x32xf32, #tpu.memory_space<vmem>>, vector<16xf32>,
        %add3A_689 = vector.broadcast %add3A_680 : i32 to vector<16xi32>
        %add3A_690 = arith.addi %mul3A_53, %add3A_689 : vector<16xi32>
        tpu.vector_store_idx %arg9[%broadcast_in_dim3A_448, %select_n3A, %select_n3A_48, %add3A_690], %get3A_685 : memref<4x4x8x129xf32, #tpu.memory_space<vmem>>[vector<16xi32>, vector<16xi32>, vector<16xi32>, vector<16xi32>], vector<16xf32>,
        tpu.vector_store_idx %arg9[%broadcast_in_dim3A_448, %add3A_28, %select_n3A_48, %add3A_690], %get3A_688 : memref<4x4x8x129xf32, #tpu.memory_space<vmem>>[vector<16xi32>, vector<16xi32>, vector<16xi32>, vector<16xi32>], vector<16xf32>,
        %scan3A_691 = arith.constant 7 : i32
        %scan3A_692 = arith.addi %scan3A_581, %scan3A_691 : i32
        %mul3A_693 = arith.constant 1 : i32
        %mul3A_694 = arith.muli %scan3A_692, %mul3A_693 : i32
        %add3A_695 = arith.constant 0 : i32
        %add3A_696 = arith.addi %add3A_695, %mul3A_694 : i32
        %add3A_697 = arith.constant 0 : i32
        %add3A_698 = arith.addi %add3A_697, %add3A_696 : i32
        %get3A_699 = arith.index_cast %add3A_698 : i32 to index
        %get3A_700 = arith.constant 0 : index
        %get3A_701 = tpu.vector_load %arg7[%get3A_699, %get3A_700] {strides = array<i32>} : memref<512x32xf32, #tpu.memory_space<vmem>>, vector<16xf32>,
        %get3A_702 = arith.index_cast %add3A_698 : i32 to index
        %get3A_703 = arith.constant 16 : index
        %get3A_704 = tpu.vector_load %arg7[%get3A_702, %get3A_703] {strides = array<i32>} : memref<512x32xf32, #tpu.memory_space<vmem>>, vector<16xf32>,
        %add3A_705 = vector.broadcast %add3A_696 : i32 to vector<16xi32>
        %add3A_706 = arith.addi %mul3A_53, %add3A_705 : vector<16xi32>
        tpu.vector_store_idx %arg9[%broadcast_in_dim3A_448, %select_n3A, %select_n3A_48, %add3A_706], %get3A_701 : memref<4x4x8x129xf32, #tpu.memory_space<vmem>>[vector<16xi32>, vector<16xi32>, vector<16xi32>, vector<16xi32>], vector<16xf32>,
        tpu.vector_store_idx %arg9[%broadcast_in_dim3A_448, %add3A_28, %select_n3A_48, %add3A_706], %get3A_704 : memref<4x4x8x129xf32, #tpu.memory_space<vmem>>[vector<16xi32>, vector<16xi32>, vector<16xi32>, vector<16xi32>], vector<16xf32>,
      }
      %scan3A_453 = arith.constant 128 : i32
      %broadcast_in_dim3A_454 = arith.constant 1 : i32
      %broadcast_in_dim3A_455 = vector.broadcast %broadcast_in_dim3A_454 : i32 to vector<16xi32>
      %scan3A_456 = arith.constant 0 : i32
      %scan3A_457 = arith.constant 128 : i32
      %scan3A_458 = arith.addi %scan3A_456, %scan3A_457 : i32
      %scan3A_459 = arith.constant 8 : i32
      scf.for %scan3A_581 = %scan3A_456 to %scan3A_458 step %scan3A_459  : i32 {
        %mul3A_582 = arith.constant 1 : i32
        %mul3A_583 = arith.muli %scan3A_581, %mul3A_582 : i32
        %add3A_584 = arith.constant 0 : i32
        %add3A_585 = arith.addi %add3A_584, %mul3A_583 : i32
        %add3A_586 = arith.constant 128 : i32
        %add3A_587 = arith.addi %add3A_586, %add3A_585 : i32
        %get3A = arith.index_cast %add3A_587 : i32 to index
        %get3A_588 = arith.constant 0 : index
        %get3A_589 = tpu.vector_load %arg7[%get3A, %get3A_588] {strides = array<i32>} : memref<512x32xf32, #tpu.memory_space<vmem>>, vector<16xf32>,
        %get3A_590 = arith.index_cast %add3A_587 : i32 to index
        %get3A_591 = arith.constant 16 : index
        %get3A_592 = tpu.vector_load %arg7[%get3A_590, %get3A_591] {strides = array<i32>} : memref<512x32xf32, #tpu.memory_space<vmem>>, vector<16xf32>,
        %add3A_593 = vector.broadcast %add3A_585 : i32 to vector<16xi32>
        %add3A_594 = arith.addi %mul3A_53, %add3A_593 : vector<16xi32>
        tpu.vector_store_idx %arg9[%broadcast_in_dim3A_455, %select_n3A, %select_n3A_48, %add3A_594], %get3A_589 : memref<4x4x8x129xf32, #tpu.memory_space<vmem>>[vector<16xi32>, vector<16xi32>, vector<16xi32>, vector<16xi32>], vector<16xf32>,
        tpu.vector_store_idx %arg9[%broadcast_in_dim3A_455, %add3A_28, %select_n3A_48, %add3A_594], %get3A_592 : memref<4x4x8x129xf32, #tpu.memory_space<vmem>>[vector<16xi32>, vector<16xi32>, vector<16xi32>, vector<16xi32>], vector<16xf32>,
        %scan3A_595 = arith.constant 1 : i32
        %scan3A_596 = arith.addi %scan3A_581, %scan3A_595 : i32
        %mul3A_597 = arith.constant 1 : i32
        %mul3A_598 = arith.muli %scan3A_596, %mul3A_597 : i32
        %add3A_599 = arith.constant 0 : i32
        %add3A_600 = arith.addi %add3A_599, %mul3A_598 : i32
        %add3A_601 = arith.constant 128 : i32
        %add3A_602 = arith.addi %add3A_601, %add3A_600 : i32
        %get3A_603 = arith.index_cast %add3A_602 : i32 to index
        %get3A_604 = arith.constant 0 : index
        %get3A_605 = tpu.vector_load %arg7[%get3A_603, %get3A_604] {strides = array<i32>} : memref<512x32xf32, #tpu.memory_space<vmem>>, vector<16xf32>,
        %get3A_606 = arith.index_cast %add3A_602 : i32 to index
        %get3A_607 = arith.constant 16 : index
        %get3A_608 = tpu.vector_load %arg7[%get3A_606, %get3A_607] {strides = array<i32>} : memref<512x32xf32, #tpu.memory_space<vmem>>, vector<16xf32>,
        %add3A_609 = vector.broadcast %add3A_600 : i32 to vector<16xi32>
        %add3A_610 = arith.addi %mul3A_53, %add3A_609 : vector<16xi32>
        tpu.vector_store_idx %arg9[%broadcast_in_dim3A_455, %select_n3A, %select_n3A_48, %add3A_610], %get3A_605 : memref<4x4x8x129xf32, #tpu.memory_space<vmem>>[vector<16xi32>, vector<16xi32>, vector<16xi32>, vector<16xi32>], vector<16xf32>,
        tpu.vector_store_idx %arg9[%broadcast_in_dim3A_455, %add3A_28, %select_n3A_48, %add3A_610], %get3A_608 : memref<4x4x8x129xf32, #tpu.memory_space<vmem>>[vector<16xi32>, vector<16xi32>, vector<16xi32>, vector<16xi32>], vector<16xf32>,
        %scan3A_611 = arith.constant 2 : i32
        %scan3A_612 = arith.addi %scan3A_581, %scan3A_611 : i32
        %mul3A_613 = arith.constant 1 : i32
        %mul3A_614 = arith.muli %scan3A_612, %mul3A_613 : i32
        %add3A_615 = arith.constant 0 : i32
        %add3A_616 = arith.addi %add3A_615, %mul3A_614 : i32
        %add3A_617 = arith.constant 128 : i32
        %add3A_618 = arith.addi %add3A_617, %add3A_616 : i32
        %get3A_619 = arith.index_cast %add3A_618 : i32 to index
        %get3A_620 = arith.constant 0 : index
        %get3A_621 = tpu.vector_load %arg7[%get3A_619, %get3A_620] {strides = array<i32>} : memref<512x32xf32, #tpu.memory_space<vmem>>, vector<16xf32>,
        %get3A_622 = arith.index_cast %add3A_618 : i32 to index
        %get3A_623 = arith.constant 16 : index
        %get3A_624 = tpu.vector_load %arg7[%get3A_622, %get3A_623] {strides = array<i32>} : memref<512x32xf32, #tpu.memory_space<vmem>>, vector<16xf32>,
        %add3A_625 = vector.broadcast %add3A_616 : i32 to vector<16xi32>
        %add3A_626 = arith.addi %mul3A_53, %add3A_625 : vector<16xi32>
        tpu.vector_store_idx %arg9[%broadcast_in_dim3A_455, %select_n3A, %select_n3A_48, %add3A_626], %get3A_621 : memref<4x4x8x129xf32, #tpu.memory_space<vmem>>[vector<16xi32>, vector<16xi32>, vector<16xi32>, vector<16xi32>], vector<16xf32>,
        tpu.vector_store_idx %arg9[%broadcast_in_dim3A_455, %add3A_28, %select_n3A_48, %add3A_626], %get3A_624 : memref<4x4x8x129xf32, #tpu.memory_space<vmem>>[vector<16xi32>, vector<16xi32>, vector<16xi32>, vector<16xi32>], vector<16xf32>,
        %scan3A_627 = arith.constant 3 : i32
        %scan3A_628 = arith.addi %scan3A_581, %scan3A_627 : i32
        %mul3A_629 = arith.constant 1 : i32
        %mul3A_630 = arith.muli %scan3A_628, %mul3A_629 : i32
        %add3A_631 = arith.constant 0 : i32
        %add3A_632 = arith.addi %add3A_631, %mul3A_630 : i32
        %add3A_633 = arith.constant 128 : i32
        %add3A_634 = arith.addi %add3A_633, %add3A_632 : i32
        %get3A_635 = arith.index_cast %add3A_634 : i32 to index
        %get3A_636 = arith.constant 0 : index
        %get3A_637 = tpu.vector_load %arg7[%get3A_635, %get3A_636] {strides = array<i32>} : memref<512x32xf32, #tpu.memory_space<vmem>>, vector<16xf32>,
        %get3A_638 = arith.index_cast %add3A_634 : i32 to index
        %get3A_639 = arith.constant 16 : index
        %get3A_640 = tpu.vector_load %arg7[%get3A_638, %get3A_639] {strides = array<i32>} : memref<512x32xf32, #tpu.memory_space<vmem>>, vector<16xf32>,
        %add3A_641 = vector.broadcast %add3A_632 : i32 to vector<16xi32>
        %add3A_642 = arith.addi %mul3A_53, %add3A_641 : vector<16xi32>
        tpu.vector_store_idx %arg9[%broadcast_in_dim3A_455, %select_n3A, %select_n3A_48, %add3A_642], %get3A_637 : memref<4x4x8x129xf32, #tpu.memory_space<vmem>>[vector<16xi32>, vector<16xi32>, vector<16xi32>, vector<16xi32>], vector<16xf32>,
        tpu.vector_store_idx %arg9[%broadcast_in_dim3A_455, %add3A_28, %select_n3A_48, %add3A_642], %get3A_640 : memref<4x4x8x129xf32, #tpu.memory_space<vmem>>[vector<16xi32>, vector<16xi32>, vector<16xi32>, vector<16xi32>], vector<16xf32>,
        %scan3A_643 = arith.constant 4 : i32
        %scan3A_644 = arith.addi %scan3A_581, %scan3A_643 : i32
        %mul3A_645 = arith.constant 1 : i32
        %mul3A_646 = arith.muli %scan3A_644, %mul3A_645 : i32
        %add3A_647 = arith.constant 0 : i32
        %add3A_648 = arith.addi %add3A_647, %mul3A_646 : i32
        %add3A_649 = arith.constant 128 : i32
        %add3A_650 = arith.addi %add3A_649, %add3A_648 : i32
        %get3A_651 = arith.index_cast %add3A_650 : i32 to index
        %get3A_652 = arith.constant 0 : index
        %get3A_653 = tpu.vector_load %arg7[%get3A_651, %get3A_652] {strides = array<i32>} : memref<512x32xf32, #tpu.memory_space<vmem>>, vector<16xf32>,
        %get3A_654 = arith.index_cast %add3A_650 : i32 to index
        %get3A_655 = arith.constant 16 : index
        %get3A_656 = tpu.vector_load %arg7[%get3A_654, %get3A_655] {strides = array<i32>} : memref<512x32xf32, #tpu.memory_space<vmem>>, vector<16xf32>,
        %add3A_657 = vector.broadcast %add3A_648 : i32 to vector<16xi32>
        %add3A_658 = arith.addi %mul3A_53, %add3A_657 : vector<16xi32>
        tpu.vector_store_idx %arg9[%broadcast_in_dim3A_455, %select_n3A, %select_n3A_48, %add3A_658], %get3A_653 : memref<4x4x8x129xf32, #tpu.memory_space<vmem>>[vector<16xi32>, vector<16xi32>, vector<16xi32>, vector<16xi32>], vector<16xf32>,
        tpu.vector_store_idx %arg9[%broadcast_in_dim3A_455, %add3A_28, %select_n3A_48, %add3A_658], %get3A_656 : memref<4x4x8x129xf32, #tpu.memory_space<vmem>>[vector<16xi32>, vector<16xi32>, vector<16xi32>, vector<16xi32>], vector<16xf32>,
        %scan3A_659 = arith.constant 5 : i32
        %scan3A_660 = arith.addi %scan3A_581, %scan3A_659 : i32
        %mul3A_661 = arith.constant 1 : i32
        %mul3A_662 = arith.muli %scan3A_660, %mul3A_661 : i32
        %add3A_663 = arith.constant 0 : i32
        %add3A_664 = arith.addi %add3A_663, %mul3A_662 : i32
        %add3A_665 = arith.constant 128 : i32
        %add3A_666 = arith.addi %add3A_665, %add3A_664 : i32
        %get3A_667 = arith.index_cast %add3A_666 : i32 to index
        %get3A_668 = arith.constant 0 : index
        %get3A_669 = tpu.vector_load %arg7[%get3A_667, %get3A_668] {strides = array<i32>} : memref<512x32xf32, #tpu.memory_space<vmem>>, vector<16xf32>,
        %get3A_670 = arith.index_cast %add3A_666 : i32 to index
        %get3A_671 = arith.constant 16 : index
        %get3A_672 = tpu.vector_load %arg7[%get3A_670, %get3A_671] {strides = array<i32>} : memref<512x32xf32, #tpu.memory_space<vmem>>, vector<16xf32>,
        %add3A_673 = vector.broadcast %add3A_664 : i32 to vector<16xi32>
        %add3A_674 = arith.addi %mul3A_53, %add3A_673 : vector<16xi32>
        tpu.vector_store_idx %arg9[%broadcast_in_dim3A_455, %select_n3A, %select_n3A_48, %add3A_674], %get3A_669 : memref<4x4x8x129xf32, #tpu.memory_space<vmem>>[vector<16xi32>, vector<16xi32>, vector<16xi32>, vector<16xi32>], vector<16xf32>,
        tpu.vector_store_idx %arg9[%broadcast_in_dim3A_455, %add3A_28, %select_n3A_48, %add3A_674], %get3A_672 : memref<4x4x8x129xf32, #tpu.memory_space<vmem>>[vector<16xi32>, vector<16xi32>, vector<16xi32>, vector<16xi32>], vector<16xf32>,
        %scan3A_675 = arith.constant 6 : i32
        %scan3A_676 = arith.addi %scan3A_581, %scan3A_675 : i32
        %mul3A_677 = arith.constant 1 : i32
        %mul3A_678 = arith.muli %scan3A_676, %mul3A_677 : i32
        %add3A_679 = arith.constant 0 : i32
        %add3A_680 = arith.addi %add3A_679, %mul3A_678 : i32
        %add3A_681 = arith.constant 128 : i32
        %add3A_682 = arith.addi %add3A_681, %add3A_680 : i32
        %get3A_683 = arith.index_cast %add3A_682 : i32 to index
        %get3A_684 = arith.constant 0 : index
        %get3A_685 = tpu.vector_load %arg7[%get3A_683, %get3A_684] {strides = array<i32>} : memref<512x32xf32, #tpu.memory_space<vmem>>, vector<16xf32>,
        %get3A_686 = arith.index_cast %add3A_682 : i32 to index
        %get3A_687 = arith.constant 16 : index
        %get3A_688 = tpu.vector_load %arg7[%get3A_686, %get3A_687] {strides = array<i32>} : memref<512x32xf32, #tpu.memory_space<vmem>>, vector<16xf32>,
        %add3A_689 = vector.broadcast %add3A_680 : i32 to vector<16xi32>
        %add3A_690 = arith.addi %mul3A_53, %add3A_689 : vector<16xi32>
        tpu.vector_store_idx %arg9[%broadcast_in_dim3A_455, %select_n3A, %select_n3A_48, %add3A_690], %get3A_685 : memref<4x4x8x129xf32, #tpu.memory_space<vmem>>[vector<16xi32>, vector<16xi32>, vector<16xi32>, vector<16xi32>], vector<16xf32>,
        tpu.vector_store_idx %arg9[%broadcast_in_dim3A_455, %add3A_28, %select_n3A_48, %add3A_690], %get3A_688 : memref<4x4x8x129xf32, #tpu.memory_space<vmem>>[vector<16xi32>, vector<16xi32>, vector<16xi32>, vector<16xi32>], vector<16xf32>,
        %scan3A_691 = arith.constant 7 : i32
        %scan3A_692 = arith.addi %scan3A_581, %scan3A_691 : i32
        %mul3A_693 = arith.constant 1 : i32
        %mul3A_694 = arith.muli %scan3A_692, %mul3A_693 : i32
        %add3A_695 = arith.constant 0 : i32
        %add3A_696 = arith.addi %add3A_695, %mul3A_694 : i32
        %add3A_697 = arith.constant 128 : i32
        %add3A_698 = arith.addi %add3A_697, %add3A_696 : i32
        %get3A_699 = arith.index_cast %add3A_698 : i32 to index
        %get3A_700 = arith.constant 0 : index
        %get3A_701 = tpu.vector_load %arg7[%get3A_699, %get3A_700] {strides = array<i32>} : memref<512x32xf32, #tpu.memory_space<vmem>>, vector<16xf32>,
        %get3A_702 = arith.index_cast %add3A_698 : i32 to index
        %get3A_703 = arith.constant 16 : index
        %get3A_704 = tpu.vector_load %arg7[%get3A_702, %get3A_703] {strides = array<i32>} : memref<512x32xf32, #tpu.memory_space<vmem>>, vector<16xf32>,
        %add3A_705 = vector.broadcast %add3A_696 : i32 to vector<16xi32>
        %add3A_706 = arith.addi %mul3A_53, %add3A_705 : vector<16xi32>
        tpu.vector_store_idx %arg9[%broadcast_in_dim3A_455, %select_n3A, %select_n3A_48, %add3A_706], %get3A_701 : memref<4x4x8x129xf32, #tpu.memory_space<vmem>>[vector<16xi32>, vector<16xi32>, vector<16xi32>, vector<16xi32>], vector<16xf32>,
        tpu.vector_store_idx %arg9[%broadcast_in_dim3A_455, %add3A_28, %select_n3A_48, %add3A_706], %get3A_704 : memref<4x4x8x129xf32, #tpu.memory_space<vmem>>[vector<16xi32>, vector<16xi32>, vector<16xi32>, vector<16xi32>], vector<16xf32>,
      }
      %scan3A_460 = arith.constant 128 : i32
      %broadcast_in_dim3A_461 = arith.constant 2 : i32
      %broadcast_in_dim3A_462 = vector.broadcast %broadcast_in_dim3A_461 : i32 to vector<16xi32>
      %scan3A_463 = arith.constant 0 : i32
      %scan3A_464 = arith.constant 128 : i32
      %scan3A_465 = arith.addi %scan3A_463, %scan3A_464 : i32
      %scan3A_466 = arith.constant 8 : i32
      scf.for %scan3A_581 = %scan3A_463 to %scan3A_465 step %scan3A_466  : i32 {
        %mul3A_582 = arith.constant 1 : i32
        %mul3A_583 = arith.muli %scan3A_581, %mul3A_582 : i32
        %add3A_584 = arith.constant 0 : i32
        %add3A_585 = arith.addi %add3A_584, %mul3A_583 : i32
        %add3A_586 = arith.constant 256 : i32
        %add3A_587 = arith.addi %add3A_586, %add3A_585 : i32
        %get3A = arith.index_cast %add3A_587 : i32 to index
        %get3A_588 = arith.constant 0 : index
        %get3A_589 = tpu.vector_load %arg7[%get3A, %get3A_588] {strides = array<i32>} : memref<512x32xf32, #tpu.memory_space<vmem>>, vector<16xf32>,
        %get3A_590 = arith.index_cast %add3A_587 : i32 to index
        %get3A_591 = arith.constant 16 : index
        %get3A_592 = tpu.vector_load %arg7[%get3A_590, %get3A_591] {strides = array<i32>} : memref<512x32xf32, #tpu.memory_space<vmem>>, vector<16xf32>,
        %add3A_593 = vector.broadcast %add3A_585 : i32 to vector<16xi32>
        %add3A_594 = arith.addi %mul3A_53, %add3A_593 : vector<16xi32>
        tpu.vector_store_idx %arg9[%broadcast_in_dim3A_462, %select_n3A, %select_n3A_48, %add3A_594], %get3A_589 : memref<4x4x8x129xf32, #tpu.memory_space<vmem>>[vector<16xi32>, vector<16xi32>, vector<16xi32>, vector<16xi32>], vector<16xf32>,
        tpu.vector_store_idx %arg9[%broadcast_in_dim3A_462, %add3A_28, %select_n3A_48, %add3A_594], %get3A_592 : memref<4x4x8x129xf32, #tpu.memory_space<vmem>>[vector<16xi32>, vector<16xi32>, vector<16xi32>, vector<16xi32>], vector<16xf32>,
        %scan3A_595 = arith.constant 1 : i32
        %scan3A_596 = arith.addi %scan3A_581, %scan3A_595 : i32
        %mul3A_597 = arith.constant 1 : i32
        %mul3A_598 = arith.muli %scan3A_596, %mul3A_597 : i32
        %add3A_599 = arith.constant 0 : i32
        %add3A_600 = arith.addi %add3A_599, %mul3A_598 : i32
        %add3A_601 = arith.constant 256 : i32
        %add3A_602 = arith.addi %add3A_601, %add3A_600 : i32
        %get3A_603 = arith.index_cast %add3A_602 : i32 to index
        %get3A_604 = arith.constant 0 : index
        %get3A_605 = tpu.vector_load %arg7[%get3A_603, %get3A_604] {strides = array<i32>} : memref<512x32xf32, #tpu.memory_space<vmem>>, vector<16xf32>,
        %get3A_606 = arith.index_cast %add3A_602 : i32 to index
        %get3A_607 = arith.constant 16 : index
        %get3A_608 = tpu.vector_load %arg7[%get3A_606, %get3A_607] {strides = array<i32>} : memref<512x32xf32, #tpu.memory_space<vmem>>, vector<16xf32>,
        %add3A_609 = vector.broadcast %add3A_600 : i32 to vector<16xi32>
        %add3A_610 = arith.addi %mul3A_53, %add3A_609 : vector<16xi32>
        tpu.vector_store_idx %arg9[%broadcast_in_dim3A_462, %select_n3A, %select_n3A_48, %add3A_610], %get3A_605 : memref<4x4x8x129xf32, #tpu.memory_space<vmem>>[vector<16xi32>, vector<16xi32>, vector<16xi32>, vector<16xi32>], vector<16xf32>,
        tpu.vector_store_idx %arg9[%broadcast_in_dim3A_462, %add3A_28, %select_n3A_48, %add3A_610], %get3A_608 : memref<4x4x8x129xf32, #tpu.memory_space<vmem>>[vector<16xi32>, vector<16xi32>, vector<16xi32>, vector<16xi32>], vector<16xf32>,
        %scan3A_611 = arith.constant 2 : i32
        %scan3A_612 = arith.addi %scan3A_581, %scan3A_611 : i32
        %mul3A_613 = arith.constant 1 : i32
        %mul3A_614 = arith.muli %scan3A_612, %mul3A_613 : i32
        %add3A_615 = arith.constant 0 : i32
        %add3A_616 = arith.addi %add3A_615, %mul3A_614 : i32
        %add3A_617 = arith.constant 256 : i32
        %add3A_618 = arith.addi %add3A_617, %add3A_616 : i32
        %get3A_619 = arith.index_cast %add3A_618 : i32 to index
        %get3A_620 = arith.constant 0 : index
        %get3A_621 = tpu.vector_load %arg7[%get3A_619, %get3A_620] {strides = array<i32>} : memref<512x32xf32, #tpu.memory_space<vmem>>, vector<16xf32>,
        %get3A_622 = arith.index_cast %add3A_618 : i32 to index
        %get3A_623 = arith.constant 16 : index
        %get3A_624 = tpu.vector_load %arg7[%get3A_622, %get3A_623] {strides = array<i32>} : memref<512x32xf32, #tpu.memory_space<vmem>>, vector<16xf32>,
        %add3A_625 = vector.broadcast %add3A_616 : i32 to vector<16xi32>
        %add3A_626 = arith.addi %mul3A_53, %add3A_625 : vector<16xi32>
        tpu.vector_store_idx %arg9[%broadcast_in_dim3A_462, %select_n3A, %select_n3A_48, %add3A_626], %get3A_621 : memref<4x4x8x129xf32, #tpu.memory_space<vmem>>[vector<16xi32>, vector<16xi32>, vector<16xi32>, vector<16xi32>], vector<16xf32>,
        tpu.vector_store_idx %arg9[%broadcast_in_dim3A_462, %add3A_28, %select_n3A_48, %add3A_626], %get3A_624 : memref<4x4x8x129xf32, #tpu.memory_space<vmem>>[vector<16xi32>, vector<16xi32>, vector<16xi32>, vector<16xi32>], vector<16xf32>,
        %scan3A_627 = arith.constant 3 : i32
        %scan3A_628 = arith.addi %scan3A_581, %scan3A_627 : i32
        %mul3A_629 = arith.constant 1 : i32
        %mul3A_630 = arith.muli %scan3A_628, %mul3A_629 : i32
        %add3A_631 = arith.constant 0 : i32
        %add3A_632 = arith.addi %add3A_631, %mul3A_630 : i32
        %add3A_633 = arith.constant 256 : i32
        %add3A_634 = arith.addi %add3A_633, %add3A_632 : i32
        %get3A_635 = arith.index_cast %add3A_634 : i32 to index
        %get3A_636 = arith.constant 0 : index
        %get3A_637 = tpu.vector_load %arg7[%get3A_635, %get3A_636] {strides = array<i32>} : memref<512x32xf32, #tpu.memory_space<vmem>>, vector<16xf32>,
        %get3A_638 = arith.index_cast %add3A_634 : i32 to index
        %get3A_639 = arith.constant 16 : index
        %get3A_640 = tpu.vector_load %arg7[%get3A_638, %get3A_639] {strides = array<i32>} : memref<512x32xf32, #tpu.memory_space<vmem>>, vector<16xf32>,
        %add3A_641 = vector.broadcast %add3A_632 : i32 to vector<16xi32>
        %add3A_642 = arith.addi %mul3A_53, %add3A_641 : vector<16xi32>
        tpu.vector_store_idx %arg9[%broadcast_in_dim3A_462, %select_n3A, %select_n3A_48, %add3A_642], %get3A_637 : memref<4x4x8x129xf32, #tpu.memory_space<vmem>>[vector<16xi32>, vector<16xi32>, vector<16xi32>, vector<16xi32>], vector<16xf32>,
        tpu.vector_store_idx %arg9[%broadcast_in_dim3A_462, %add3A_28, %select_n3A_48, %add3A_642], %get3A_640 : memref<4x4x8x129xf32, #tpu.memory_space<vmem>>[vector<16xi32>, vector<16xi32>, vector<16xi32>, vector<16xi32>], vector<16xf32>,
        %scan3A_643 = arith.constant 4 : i32
        %scan3A_644 = arith.addi %scan3A_581, %scan3A_643 : i32
        %mul3A_645 = arith.constant 1 : i32
        %mul3A_646 = arith.muli %scan3A_644, %mul3A_645 : i32
        %add3A_647 = arith.constant 0 : i32
        %add3A_648 = arith.addi %add3A_647, %mul3A_646 : i32
        %add3A_649 = arith.constant 256 : i32
        %add3A_650 = arith.addi %add3A_649, %add3A_648 : i32
        %get3A_651 = arith.index_cast %add3A_650 : i32 to index
        %get3A_652 = arith.constant 0 : index
        %get3A_653 = tpu.vector_load %arg7[%get3A_651, %get3A_652] {strides = array<i32>} : memref<512x32xf32, #tpu.memory_space<vmem>>, vector<16xf32>,
        %get3A_654 = arith.index_cast %add3A_650 : i32 to index
        %get3A_655 = arith.constant 16 : index
        %get3A_656 = tpu.vector_load %arg7[%get3A_654, %get3A_655] {strides = array<i32>} : memref<512x32xf32, #tpu.memory_space<vmem>>, vector<16xf32>,
        %add3A_657 = vector.broadcast %add3A_648 : i32 to vector<16xi32>
        %add3A_658 = arith.addi %mul3A_53, %add3A_657 : vector<16xi32>
        tpu.vector_store_idx %arg9[%broadcast_in_dim3A_462, %select_n3A, %select_n3A_48, %add3A_658], %get3A_653 : memref<4x4x8x129xf32, #tpu.memory_space<vmem>>[vector<16xi32>, vector<16xi32>, vector<16xi32>, vector<16xi32>], vector<16xf32>,
        tpu.vector_store_idx %arg9[%broadcast_in_dim3A_462, %add3A_28, %select_n3A_48, %add3A_658], %get3A_656 : memref<4x4x8x129xf32, #tpu.memory_space<vmem>>[vector<16xi32>, vector<16xi32>, vector<16xi32>, vector<16xi32>], vector<16xf32>,
        %scan3A_659 = arith.constant 5 : i32
        %scan3A_660 = arith.addi %scan3A_581, %scan3A_659 : i32
        %mul3A_661 = arith.constant 1 : i32
        %mul3A_662 = arith.muli %scan3A_660, %mul3A_661 : i32
        %add3A_663 = arith.constant 0 : i32
        %add3A_664 = arith.addi %add3A_663, %mul3A_662 : i32
        %add3A_665 = arith.constant 256 : i32
        %add3A_666 = arith.addi %add3A_665, %add3A_664 : i32
        %get3A_667 = arith.index_cast %add3A_666 : i32 to index
        %get3A_668 = arith.constant 0 : index
        %get3A_669 = tpu.vector_load %arg7[%get3A_667, %get3A_668] {strides = array<i32>} : memref<512x32xf32, #tpu.memory_space<vmem>>, vector<16xf32>,
        %get3A_670 = arith.index_cast %add3A_666 : i32 to index
        %get3A_671 = arith.constant 16 : index
        %get3A_672 = tpu.vector_load %arg7[%get3A_670, %get3A_671] {strides = array<i32>} : memref<512x32xf32, #tpu.memory_space<vmem>>, vector<16xf32>,
        %add3A_673 = vector.broadcast %add3A_664 : i32 to vector<16xi32>
        %add3A_674 = arith.addi %mul3A_53, %add3A_673 : vector<16xi32>
        tpu.vector_store_idx %arg9[%broadcast_in_dim3A_462, %select_n3A, %select_n3A_48, %add3A_674], %get3A_669 : memref<4x4x8x129xf32, #tpu.memory_space<vmem>>[vector<16xi32>, vector<16xi32>, vector<16xi32>, vector<16xi32>], vector<16xf32>,
        tpu.vector_store_idx %arg9[%broadcast_in_dim3A_462, %add3A_28, %select_n3A_48, %add3A_674], %get3A_672 : memref<4x4x8x129xf32, #tpu.memory_space<vmem>>[vector<16xi32>, vector<16xi32>, vector<16xi32>, vector<16xi32>], vector<16xf32>,
        %scan3A_675 = arith.constant 6 : i32
        %scan3A_676 = arith.addi %scan3A_581, %scan3A_675 : i32
        %mul3A_677 = arith.constant 1 : i32
        %mul3A_678 = arith.muli %scan3A_676, %mul3A_677 : i32
        %add3A_679 = arith.constant 0 : i32
        %add3A_680 = arith.addi %add3A_679, %mul3A_678 : i32
        %add3A_681 = arith.constant 256 : i32
        %add3A_682 = arith.addi %add3A_681, %add3A_680 : i32
        %get3A_683 = arith.index_cast %add3A_682 : i32 to index
        %get3A_684 = arith.constant 0 : index
        %get3A_685 = tpu.vector_load %arg7[%get3A_683, %get3A_684] {strides = array<i32>} : memref<512x32xf32, #tpu.memory_space<vmem>>, vector<16xf32>,
        %get3A_686 = arith.index_cast %add3A_682 : i32 to index
        %get3A_687 = arith.constant 16 : index
        %get3A_688 = tpu.vector_load %arg7[%get3A_686, %get3A_687] {strides = array<i32>} : memref<512x32xf32, #tpu.memory_space<vmem>>, vector<16xf32>,
        %add3A_689 = vector.broadcast %add3A_680 : i32 to vector<16xi32>
        %add3A_690 = arith.addi %mul3A_53, %add3A_689 : vector<16xi32>
        tpu.vector_store_idx %arg9[%broadcast_in_dim3A_462, %select_n3A, %select_n3A_48, %add3A_690], %get3A_685 : memref<4x4x8x129xf32, #tpu.memory_space<vmem>>[vector<16xi32>, vector<16xi32>, vector<16xi32>, vector<16xi32>], vector<16xf32>,
        tpu.vector_store_idx %arg9[%broadcast_in_dim3A_462, %add3A_28, %select_n3A_48, %add3A_690], %get3A_688 : memref<4x4x8x129xf32, #tpu.memory_space<vmem>>[vector<16xi32>, vector<16xi32>, vector<16xi32>, vector<16xi32>], vector<16xf32>,
        %scan3A_691 = arith.constant 7 : i32
        %scan3A_692 = arith.addi %scan3A_581, %scan3A_691 : i32
        %mul3A_693 = arith.constant 1 : i32
        %mul3A_694 = arith.muli %scan3A_692, %mul3A_693 : i32
        %add3A_695 = arith.constant 0 : i32
        %add3A_696 = arith.addi %add3A_695, %mul3A_694 : i32
        %add3A_697 = arith.constant 256 : i32
        %add3A_698 = arith.addi %add3A_697, %add3A_696 : i32
        %get3A_699 = arith.index_cast %add3A_698 : i32 to index
        %get3A_700 = arith.constant 0 : index
        %get3A_701 = tpu.vector_load %arg7[%get3A_699, %get3A_700] {strides = array<i32>} : memref<512x32xf32, #tpu.memory_space<vmem>>, vector<16xf32>,
        %get3A_702 = arith.index_cast %add3A_698 : i32 to index
        %get3A_703 = arith.constant 16 : index
        %get3A_704 = tpu.vector_load %arg7[%get3A_702, %get3A_703] {strides = array<i32>} : memref<512x32xf32, #tpu.memory_space<vmem>>, vector<16xf32>,
        %add3A_705 = vector.broadcast %add3A_696 : i32 to vector<16xi32>
        %add3A_706 = arith.addi %mul3A_53, %add3A_705 : vector<16xi32>
        tpu.vector_store_idx %arg9[%broadcast_in_dim3A_462, %select_n3A, %select_n3A_48, %add3A_706], %get3A_701 : memref<4x4x8x129xf32, #tpu.memory_space<vmem>>[vector<16xi32>, vector<16xi32>, vector<16xi32>, vector<16xi32>], vector<16xf32>,
        tpu.vector_store_idx %arg9[%broadcast_in_dim3A_462, %add3A_28, %select_n3A_48, %add3A_706], %get3A_704 : memref<4x4x8x129xf32, #tpu.memory_space<vmem>>[vector<16xi32>, vector<16xi32>, vector<16xi32>, vector<16xi32>], vector<16xf32>,
      }
      %scan3A_467 = arith.constant 128 : i32
      %broadcast_in_dim3A_468 = arith.constant 3 : i32
      %broadcast_in_dim3A_469 = vector.broadcast %broadcast_in_dim3A_468 : i32 to vector<16xi32>
      %scan3A_470 = arith.constant 0 : i32
      %scan3A_471 = arith.constant 128 : i32
      %scan3A_472 = arith.addi %scan3A_470, %scan3A_471 : i32
      %scan3A_473 = arith.constant 8 : i32
      scf.for %scan3A_581 = %scan3A_470 to %scan3A_472 step %scan3A_473  : i32 {
        %mul3A_582 = arith.constant 1 : i32
        %mul3A_583 = arith.muli %scan3A_581, %mul3A_582 : i32
        %add3A_584 = arith.constant 0 : i32
        %add3A_585 = arith.addi %add3A_584, %mul3A_583 : i32
        %add3A_586 = arith.constant 384 : i32
        %add3A_587 = arith.addi %add3A_586, %add3A_585 : i32
        %get3A = arith.index_cast %add3A_587 : i32 to index
        %get3A_588 = arith.constant 0 : index
        %get3A_589 = tpu.vector_load %arg7[%get3A, %get3A_588] {strides = array<i32>} : memref<512x32xf32, #tpu.memory_space<vmem>>, vector<16xf32>,
        %get3A_590 = arith.index_cast %add3A_587 : i32 to index
        %get3A_591 = arith.constant 16 : index
        %get3A_592 = tpu.vector_load %arg7[%get3A_590, %get3A_591] {strides = array<i32>} : memref<512x32xf32, #tpu.memory_space<vmem>>, vector<16xf32>,
        %add3A_593 = vector.broadcast %add3A_585 : i32 to vector<16xi32>
        %add3A_594 = arith.addi %mul3A_53, %add3A_593 : vector<16xi32>
        tpu.vector_store_idx %arg9[%broadcast_in_dim3A_469, %select_n3A, %select_n3A_48, %add3A_594], %get3A_589 : memref<4x4x8x129xf32, #tpu.memory_space<vmem>>[vector<16xi32>, vector<16xi32>, vector<16xi32>, vector<16xi32>], vector<16xf32>,
        tpu.vector_store_idx %arg9[%broadcast_in_dim3A_469, %add3A_28, %select_n3A_48, %add3A_594], %get3A_592 : memref<4x4x8x129xf32, #tpu.memory_space<vmem>>[vector<16xi32>, vector<16xi32>, vector<16xi32>, vector<16xi32>], vector<16xf32>,
        %scan3A_595 = arith.constant 1 : i32
        %scan3A_596 = arith.addi %scan3A_581, %scan3A_595 : i32
        %mul3A_597 = arith.constant 1 : i32
        %mul3A_598 = arith.muli %scan3A_596, %mul3A_597 : i32
        %add3A_599 = arith.constant 0 : i32
        %add3A_600 = arith.addi %add3A_599, %mul3A_598 : i32
        %add3A_601 = arith.constant 384 : i32
        %add3A_602 = arith.addi %add3A_601, %add3A_600 : i32
        %get3A_603 = arith.index_cast %add3A_602 : i32 to index
        %get3A_604 = arith.constant 0 : index
        %get3A_605 = tpu.vector_load %arg7[%get3A_603, %get3A_604] {strides = array<i32>} : memref<512x32xf32, #tpu.memory_space<vmem>>, vector<16xf32>,
        %get3A_606 = arith.index_cast %add3A_602 : i32 to index
        %get3A_607 = arith.constant 16 : index
        %get3A_608 = tpu.vector_load %arg7[%get3A_606, %get3A_607] {strides = array<i32>} : memref<512x32xf32, #tpu.memory_space<vmem>>, vector<16xf32>,
        %add3A_609 = vector.broadcast %add3A_600 : i32 to vector<16xi32>
        %add3A_610 = arith.addi %mul3A_53, %add3A_609 : vector<16xi32>
        tpu.vector_store_idx %arg9[%broadcast_in_dim3A_469, %select_n3A, %select_n3A_48, %add3A_610], %get3A_605 : memref<4x4x8x129xf32, #tpu.memory_space<vmem>>[vector<16xi32>, vector<16xi32>, vector<16xi32>, vector<16xi32>], vector<16xf32>,
        tpu.vector_store_idx %arg9[%broadcast_in_dim3A_469, %add3A_28, %select_n3A_48, %add3A_610], %get3A_608 : memref<4x4x8x129xf32, #tpu.memory_space<vmem>>[vector<16xi32>, vector<16xi32>, vector<16xi32>, vector<16xi32>], vector<16xf32>,
        %scan3A_611 = arith.constant 2 : i32
        %scan3A_612 = arith.addi %scan3A_581, %scan3A_611 : i32
        %mul3A_613 = arith.constant 1 : i32
        %mul3A_614 = arith.muli %scan3A_612, %mul3A_613 : i32
        %add3A_615 = arith.constant 0 : i32
        %add3A_616 = arith.addi %add3A_615, %mul3A_614 : i32
        %add3A_617 = arith.constant 384 : i32
        %add3A_618 = arith.addi %add3A_617, %add3A_616 : i32
        %get3A_619 = arith.index_cast %add3A_618 : i32 to index
        %get3A_620 = arith.constant 0 : index
        %get3A_621 = tpu.vector_load %arg7[%get3A_619, %get3A_620] {strides = array<i32>} : memref<512x32xf32, #tpu.memory_space<vmem>>, vector<16xf32>,
        %get3A_622 = arith.index_cast %add3A_618 : i32 to index
        %get3A_623 = arith.constant 16 : index
        %get3A_624 = tpu.vector_load %arg7[%get3A_622, %get3A_623] {strides = array<i32>} : memref<512x32xf32, #tpu.memory_space<vmem>>, vector<16xf32>,
        %add3A_625 = vector.broadcast %add3A_616 : i32 to vector<16xi32>
        %add3A_626 = arith.addi %mul3A_53, %add3A_625 : vector<16xi32>
        tpu.vector_store_idx %arg9[%broadcast_in_dim3A_469, %select_n3A, %select_n3A_48, %add3A_626], %get3A_621 : memref<4x4x8x129xf32, #tpu.memory_space<vmem>>[vector<16xi32>, vector<16xi32>, vector<16xi32>, vector<16xi32>], vector<16xf32>,
        tpu.vector_store_idx %arg9[%broadcast_in_dim3A_469, %add3A_28, %select_n3A_48, %add3A_626], %get3A_624 : memref<4x4x8x129xf32, #tpu.memory_space<vmem>>[vector<16xi32>, vector<16xi32>, vector<16xi32>, vector<16xi32>], vector<16xf32>,
        %scan3A_627 = arith.constant 3 : i32
        %scan3A_628 = arith.addi %scan3A_581, %scan3A_627 : i32
        %mul3A_629 = arith.constant 1 : i32
        %mul3A_630 = arith.muli %scan3A_628, %mul3A_629 : i32
        %add3A_631 = arith.constant 0 : i32
        %add3A_632 = arith.addi %add3A_631, %mul3A_630 : i32
        %add3A_633 = arith.constant 384 : i32
        %add3A_634 = arith.addi %add3A_633, %add3A_632 : i32
        %get3A_635 = arith.index_cast %add3A_634 : i32 to index
        %get3A_636 = arith.constant 0 : index
        %get3A_637 = tpu.vector_load %arg7[%get3A_635, %get3A_636] {strides = array<i32>} : memref<512x32xf32, #tpu.memory_space<vmem>>, vector<16xf32>,
        %get3A_638 = arith.index_cast %add3A_634 : i32 to index
        %get3A_639 = arith.constant 16 : index
        %get3A_640 = tpu.vector_load %arg7[%get3A_638, %get3A_639] {strides = array<i32>} : memref<512x32xf32, #tpu.memory_space<vmem>>, vector<16xf32>,
        %add3A_641 = vector.broadcast %add3A_632 : i32 to vector<16xi32>
        %add3A_642 = arith.addi %mul3A_53, %add3A_641 : vector<16xi32>
        tpu.vector_store_idx %arg9[%broadcast_in_dim3A_469, %select_n3A, %select_n3A_48, %add3A_642], %get3A_637 : memref<4x4x8x129xf32, #tpu.memory_space<vmem>>[vector<16xi32>, vector<16xi32>, vector<16xi32>, vector<16xi32>], vector<16xf32>,
        tpu.vector_store_idx %arg9[%broadcast_in_dim3A_469, %add3A_28, %select_n3A_48, %add3A_642], %get3A_640 : memref<4x4x8x129xf32, #tpu.memory_space<vmem>>[vector<16xi32>, vector<16xi32>, vector<16xi32>, vector<16xi32>], vector<16xf32>,
        %scan3A_643 = arith.constant 4 : i32
        %scan3A_644 = arith.addi %scan3A_581, %scan3A_643 : i32
        %mul3A_645 = arith.constant 1 : i32
        %mul3A_646 = arith.muli %scan3A_644, %mul3A_645 : i32
        %add3A_647 = arith.constant 0 : i32
        %add3A_648 = arith.addi %add3A_647, %mul3A_646 : i32
        %add3A_649 = arith.constant 384 : i32
        %add3A_650 = arith.addi %add3A_649, %add3A_648 : i32
        %get3A_651 = arith.index_cast %add3A_650 : i32 to index
        %get3A_652 = arith.constant 0 : index
        %get3A_653 = tpu.vector_load %arg7[%get3A_651, %get3A_652] {strides = array<i32>} : memref<512x32xf32, #tpu.memory_space<vmem>>, vector<16xf32>,
        %get3A_654 = arith.index_cast %add3A_650 : i32 to index
        %get3A_655 = arith.constant 16 : index
        %get3A_656 = tpu.vector_load %arg7[%get3A_654, %get3A_655] {strides = array<i32>} : memref<512x32xf32, #tpu.memory_space<vmem>>, vector<16xf32>,
        %add3A_657 = vector.broadcast %add3A_648 : i32 to vector<16xi32>
        %add3A_658 = arith.addi %mul3A_53, %add3A_657 : vector<16xi32>
        tpu.vector_store_idx %arg9[%broadcast_in_dim3A_469, %select_n3A, %select_n3A_48, %add3A_658], %get3A_653 : memref<4x4x8x129xf32, #tpu.memory_space<vmem>>[vector<16xi32>, vector<16xi32>, vector<16xi32>, vector<16xi32>], vector<16xf32>,
        tpu.vector_store_idx %arg9[%broadcast_in_dim3A_469, %add3A_28, %select_n3A_48, %add3A_658], %get3A_656 : memref<4x4x8x129xf32, #tpu.memory_space<vmem>>[vector<16xi32>, vector<16xi32>, vector<16xi32>, vector<16xi32>], vector<16xf32>,
        %scan3A_659 = arith.constant 5 : i32
        %scan3A_660 = arith.addi %scan3A_581, %scan3A_659 : i32
        %mul3A_661 = arith.constant 1 : i32
        %mul3A_662 = arith.muli %scan3A_660, %mul3A_661 : i32
        %add3A_663 = arith.constant 0 : i32
        %add3A_664 = arith.addi %add3A_663, %mul3A_662 : i32
        %add3A_665 = arith.constant 384 : i32
        %add3A_666 = arith.addi %add3A_665, %add3A_664 : i32
        %get3A_667 = arith.index_cast %add3A_666 : i32 to index
        %get3A_668 = arith.constant 0 : index
        %get3A_669 = tpu.vector_load %arg7[%get3A_667, %get3A_668] {strides = array<i32>} : memref<512x32xf32, #tpu.memory_space<vmem>>, vector<16xf32>,
        %get3A_670 = arith.index_cast %add3A_666 : i32 to index
        %get3A_671 = arith.constant 16 : index
        %get3A_672 = tpu.vector_load %arg7[%get3A_670, %get3A_671] {strides = array<i32>} : memref<512x32xf32, #tpu.memory_space<vmem>>, vector<16xf32>,
        %add3A_673 = vector.broadcast %add3A_664 : i32 to vector<16xi32>
        %add3A_674 = arith.addi %mul3A_53, %add3A_673 : vector<16xi32>
        tpu.vector_store_idx %arg9[%broadcast_in_dim3A_469, %select_n3A, %select_n3A_48, %add3A_674], %get3A_669 : memref<4x4x8x129xf32, #tpu.memory_space<vmem>>[vector<16xi32>, vector<16xi32>, vector<16xi32>, vector<16xi32>], vector<16xf32>,
        tpu.vector_store_idx %arg9[%broadcast_in_dim3A_469, %add3A_28, %select_n3A_48, %add3A_674], %get3A_672 : memref<4x4x8x129xf32, #tpu.memory_space<vmem>>[vector<16xi32>, vector<16xi32>, vector<16xi32>, vector<16xi32>], vector<16xf32>,
        %scan3A_675 = arith.constant 6 : i32
        %scan3A_676 = arith.addi %scan3A_581, %scan3A_675 : i32
        %mul3A_677 = arith.constant 1 : i32
        %mul3A_678 = arith.muli %scan3A_676, %mul3A_677 : i32
        %add3A_679 = arith.constant 0 : i32
        %add3A_680 = arith.addi %add3A_679, %mul3A_678 : i32
        %add3A_681 = arith.constant 384 : i32
        %add3A_682 = arith.addi %add3A_681, %add3A_680 : i32
        %get3A_683 = arith.index_cast %add3A_682 : i32 to index
        %get3A_684 = arith.constant 0 : index
        %get3A_685 = tpu.vector_load %arg7[%get3A_683, %get3A_684] {strides = array<i32>} : memref<512x32xf32, #tpu.memory_space<vmem>>, vector<16xf32>,
        %get3A_686 = arith.index_cast %add3A_682 : i32 to index
        %get3A_687 = arith.constant 16 : index
        %get3A_688 = tpu.vector_load %arg7[%get3A_686, %get3A_687] {strides = array<i32>} : memref<512x32xf32, #tpu.memory_space<vmem>>, vector<16xf32>,
        %add3A_689 = vector.broadcast %add3A_680 : i32 to vector<16xi32>
        %add3A_690 = arith.addi %mul3A_53, %add3A_689 : vector<16xi32>
        tpu.vector_store_idx %arg9[%broadcast_in_dim3A_469, %select_n3A, %select_n3A_48, %add3A_690], %get3A_685 : memref<4x4x8x129xf32, #tpu.memory_space<vmem>>[vector<16xi32>, vector<16xi32>, vector<16xi32>, vector<16xi32>], vector<16xf32>,
        tpu.vector_store_idx %arg9[%broadcast_in_dim3A_469, %add3A_28, %select_n3A_48, %add3A_690], %get3A_688 : memref<4x4x8x129xf32, #tpu.memory_space<vmem>>[vector<16xi32>, vector<16xi32>, vector<16xi32>, vector<16xi32>], vector<16xf32>,
        %scan3A_691 = arith.constant 7 : i32
        %scan3A_692 = arith.addi %scan3A_581, %scan3A_691 : i32
        %mul3A_693 = arith.constant 1 : i32
        %mul3A_694 = arith.muli %scan3A_692, %mul3A_693 : i32
        %add3A_695 = arith.constant 0 : i32
        %add3A_696 = arith.addi %add3A_695, %mul3A_694 : i32
        %add3A_697 = arith.constant 384 : i32
        %add3A_698 = arith.addi %add3A_697, %add3A_696 : i32
        %get3A_699 = arith.index_cast %add3A_698 : i32 to index
        %get3A_700 = arith.constant 0 : index
        %get3A_701 = tpu.vector_load %arg7[%get3A_699, %get3A_700] {strides = array<i32>} : memref<512x32xf32, #tpu.memory_space<vmem>>, vector<16xf32>,
        %get3A_702 = arith.index_cast %add3A_698 : i32 to index
        %get3A_703 = arith.constant 16 : index
        %get3A_704 = tpu.vector_load %arg7[%get3A_702, %get3A_703] {strides = array<i32>} : memref<512x32xf32, #tpu.memory_space<vmem>>, vector<16xf32>,
        %add3A_705 = vector.broadcast %add3A_696 : i32 to vector<16xi32>
        %add3A_706 = arith.addi %mul3A_53, %add3A_705 : vector<16xi32>
        tpu.vector_store_idx %arg9[%broadcast_in_dim3A_469, %select_n3A, %select_n3A_48, %add3A_706], %get3A_701 : memref<4x4x8x129xf32, #tpu.memory_space<vmem>>[vector<16xi32>, vector<16xi32>, vector<16xi32>, vector<16xi32>], vector<16xf32>,
        tpu.vector_store_idx %arg9[%broadcast_in_dim3A_469, %add3A_28, %select_n3A_48, %add3A_706], %get3A_704 : memref<4x4x8x129xf32, #tpu.memory_space<vmem>>[vector<16xi32>, vector<16xi32>, vector<16xi32>, vector<16xi32>], vector<16xf32>,
      }
      %scan3A_474 = arith.constant 128 : i32
      %add3A_475 = arith.addi %mul3A_2, %add3A_429 : i32
      %jit3A_476 = arith.constant 2 : i32
      %div3A_477 = arith.divsi %add3A_475, %jit3A_476 : i32
      %sign3A_478 = arith.constant 0 : i32
      %sign3A_479 = arith.cmpi sgt, %add3A_475, %sign3A_478 : i32
      %sign3A_480 = arith.extui %sign3A_479 : i1 to i32
      %sign3A_481 = arith.constant 0 : i32
      %sign3A_482 = arith.cmpi slt, %add3A_475, %sign3A_481 : i32
      %sign3A_483 = arith.extui %sign3A_482 : i1 to i32
      %sign3A_484 = arith.subi %sign3A_480, %sign3A_483 : i32
      %sign3A_485 = arith.constant 0 : i32
      %sign3A_486 = arith.cmpi sgt, %jit3A_476, %sign3A_485 : i32
      %sign3A_487 = arith.extui %sign3A_486 : i1 to i32
      %sign3A_488 = arith.constant 0 : i32
      %sign3A_489 = arith.cmpi slt, %jit3A_476, %sign3A_488 : i32
      %sign3A_490 = arith.extui %sign3A_489 : i1 to i32
      %sign3A_491 = arith.subi %sign3A_487, %sign3A_490 : i32
      %ne3A_492 = arith.cmpi ne, %sign3A_484, %sign3A_491 : i32
      %rem3A_493 = arith.remsi %add3A_475, %jit3A_476 : i32
      %ne3A_494 = arith.constant 0 : i32
      %ne3A_495 = arith.cmpi ne, %rem3A_493, %ne3A_494 : i32
      %and3A_496 = arith.andi %ne3A_492, %ne3A_495 : i1
      %sub3A_497 = arith.constant 1 : i32
      %sub3A_498 = arith.subi %div3A_477, %sub3A_497 : i32
      %select_n3A_499 = arith.select %and3A_496, %sub3A_498, %div3A_477 : i32
      %jit3A_500 = arith.constant 2 : i32
      %eq3A_501 = arith.constant 0 : i32
      %eq3A_502 = arith.cmpi eq, %jit3A_500, %eq3A_501 : i32
      %jit3A_503 = arith.constant 1 : i32
      %select_n3A_504 = arith.select %eq3A_502, %jit3A_503, %jit3A_500 : i32
      %rem3A_505 = arith.remsi %add3A_475, %select_n3A_504 : i32
      %ne3A_506 = arith.constant 0 : i32
      %ne3A_507 = arith.cmpi ne, %rem3A_505, %ne3A_506 : i32
      %lt3A_508 = arith.constant 0 : i32
      %lt3A_509 = arith.cmpi slt, %rem3A_505, %lt3A_508 : i32
      %lt3A_510 = arith.constant 0 : i32
      %lt3A_511 = arith.cmpi slt, %select_n3A_504, %lt3A_510 : i32
      %ne3A_512 = arith.xori %lt3A_509, %lt3A_511 : i1
      %and3A_513 = arith.andi %ne3A_512, %ne3A_507 : i1
      %add3A_514 = arith.addi %rem3A_505, %select_n3A_504 : i32
      %select_n3A_515 = arith.select %and3A_513, %add3A_514, %rem3A_505 : i32
      %jit3A_516 = arith.constant 32 : i32
      %div3A_517 = arith.divsi %select_n3A_499, %jit3A_516 : i32
      %sign3A_518 = arith.constant 0 : i32
      %sign3A_519 = arith.cmpi sgt, %select_n3A_499, %sign3A_518 : i32
      %sign3A_520 = arith.extui %sign3A_519 : i1 to i32
      %sign3A_521 = arith.constant 0 : i32
      %sign3A_522 = arith.cmpi slt, %select_n3A_499, %sign3A_521 : i32
      %sign3A_523 = arith.extui %sign3A_522 : i1 to i32
      %sign3A_524 = arith.subi %sign3A_520, %sign3A_523 : i32
      %sign3A_525 = arith.constant 0 : i32
      %sign3A_526 = arith.cmpi sgt, %jit3A_516, %sign3A_525 : i32
      %sign3A_527 = arith.extui %sign3A_526 : i1 to i32
      %sign3A_528 = arith.constant 0 : i32
      %sign3A_529 = arith.cmpi slt, %jit3A_516, %sign3A_528 : i32
      %sign3A_530 = arith.extui %sign3A_529 : i1 to i32
      %sign3A_531 = arith.subi %sign3A_527, %sign3A_530 : i32
      %ne3A_532 = arith.cmpi ne, %sign3A_524, %sign3A_531 : i32
      %rem3A_533 = arith.remsi %select_n3A_499, %jit3A_516 : i32
      %ne3A_534 = arith.constant 0 : i32
      %ne3A_535 = arith.cmpi ne, %rem3A_533, %ne3A_534 : i32
      %and3A_536 = arith.andi %ne3A_532, %ne3A_535 : i1
      %sub3A_537 = arith.constant 1 : i32
      %sub3A_538 = arith.subi %div3A_517, %sub3A_537 : i32
      %select_n3A_539 = arith.select %and3A_536, %sub3A_538, %div3A_517 : i32
      %jit3A_540 = arith.constant 32 : i32
      %eq3A_541 = arith.constant 0 : i32
      %eq3A_542 = arith.cmpi eq, %jit3A_540, %eq3A_541 : i32
      %jit3A_543 = arith.constant 1 : i32
      %select_n3A_544 = arith.select %eq3A_542, %jit3A_543, %jit3A_540 : i32
      %rem3A_545 = arith.remsi %select_n3A_499, %select_n3A_544 : i32
      %ne3A_546 = arith.constant 0 : i32
      %ne3A_547 = arith.cmpi ne, %rem3A_545, %ne3A_546 : i32
      %lt3A_548 = arith.constant 0 : i32
      %lt3A_549 = arith.cmpi slt, %rem3A_545, %lt3A_548 : i32
      %lt3A_550 = arith.constant 0 : i32
      %lt3A_551 = arith.cmpi slt, %select_n3A_544, %lt3A_550 : i32
      %ne3A_552 = arith.xori %lt3A_549, %lt3A_551 : i1
      %and3A_553 = arith.andi %ne3A_552, %ne3A_547 : i1
      %add3A_554 = arith.addi %rem3A_545, %select_n3A_544 : i32
      %select_n3A_555 = arith.select %and3A_553, %add3A_554, %rem3A_545 : i32
      %mul3A_556 = arith.constant 8 : i32
      %mul3A_557 = arith.muli %select_n3A_539, %mul3A_556 : i32
      %mul3A_558 = arith.constant 4 : i32
      %mul3A_559 = arith.muli %select_n3A_515, %mul3A_558 : i32
      %add3A_560 = arith.addi %mul3A_557, %mul3A_559 : i32
      %dma_start3A_561 = arith.constant 0 : i32
      %dma_start3A_562 = arith.constant 0 : i32
      %dma_start3A_563 = arith.constant 0 : i32
      %dma_start3A_564 = arith.constant 0 : i32
      %dma_start3A_565 = tpu.memref_slice %arg9[%dma_start3A_561, %dma_start3A_562, %dma_start3A_563, %dma_start3A_564] : memref<4x4x8x129xf32, #tpu.memory_space<vmem>> -> memref<4x4x8x128xf32, #tpu.memory_space<vmem>>
      %dma_start3A_566 = arith.constant 0 : i32
      %dma_start3A_567 = arith.constant 0 : i32
      %dma_start3A_568 = arith.constant 0 : i32
      %dma_start3A_569 = tpu.memref_slice %arg4[%add3A_560, %dma_start3A_566, %select_n3A_555, %dma_start3A_567, %dma_start3A_568] : memref<200x4x32x8x128xf32, #tpu.memory_space<hbm>> -> memref<4x4x1x8x128xf32, #tpu.memory_space<hbm>>
      %dma_start3A_570 = tpu.memref_squeeze %dma_start3A_569 : memref<4x4x1x8x128xf32, #tpu.memory_space<hbm>> -> memref<4x4x8x128xf32, #tpu.memory_space<hbm>>
      %dma_start3A_571 = arith.constant 0 : i32
      %dma_start3A_572 = arith.constant 0 : i32
      %dma_start3A_573 = arith.constant 0 : i32
      %dma_start3A_574 = tpu.memref_slice %arg4[%add3A_560, %dma_start3A_571, %select_n3A_555, %dma_start3A_572, %dma_start3A_573] : memref<200x4x32x8x128xf32, #tpu.memory_space<hbm>> -> memref<4x4x1x8x128xf32, #tpu.memory_space<hbm>>
      %dma_start3A_575 = tpu.memref_squeeze %dma_start3A_574 : memref<4x4x1x8x128xf32, #tpu.memory_space<hbm>> -> memref<4x4x8x128xf32, #tpu.memory_space<hbm>>
      %dma_start3A_576 = arith.constant 0 : i32
      %dma_start3A_577 = arith.constant 0 : i32
      %dma_start3A_578 = arith.constant 0 : i32
      %dma_start3A_579 = arith.constant 0 : i32
      %dma_start3A_580 = tpu.memref_slice %arg9[%dma_start3A_576, %dma_start3A_577, %dma_start3A_578, %dma_start3A_579] : memref<4x4x8x129xf32, #tpu.memory_space<vmem>> -> memref<4x4x8x128xf32, #tpu.memory_space<vmem>>
      tpu.enqueue_dma source(%dma_start3A_580 : memref<4x4x8x128xf32, #tpu.memory_space<vmem>>) target(%dma_start3A_575 : memref<4x4x8x128xf32, #tpu.memory_space<hbm>>) target_semaphore(%arg13 : memref<!tpu.dma_semaphore, #tpu.memory_space<semaphore_mem>>)
    }
    %scan3A_61 = arith.constant 25 : i32
    %add3A_62 = arith.constant 0 : i32
    %add3A_63 = arith.addi %mul3A_2, %add3A_62 : i32
    %jit3A_64 = arith.constant 2 : i32
    %div3A_65 = arith.divsi %add3A_63, %jit3A_64 : i32
    %sign3A_66 = arith.constant 0 : i32
    %sign3A_67 = arith.cmpi sgt, %add3A_63, %sign3A_66 : i32
    %sign3A_68 = arith.extui %sign3A_67 : i1 to i32
    %sign3A_69 = arith.constant 0 : i32
    %sign3A_70 = arith.cmpi slt, %add3A_63, %sign3A_69 : i32
    %sign3A_71 = arith.extui %sign3A_70 : i1 to i32
    %sign3A_72 = arith.subi %sign3A_68, %sign3A_71 : i32
    %sign3A_73 = arith.constant 0 : i32
    %sign3A_74 = arith.cmpi sgt, %jit3A_64, %sign3A_73 : i32
    %sign3A_75 = arith.extui %sign3A_74 : i1 to i32
    %sign3A_76 = arith.constant 0 : i32
    %sign3A_77 = arith.cmpi slt, %jit3A_64, %sign3A_76 : i32
    %sign3A_78 = arith.extui %sign3A_77 : i1 to i32
    %sign3A_79 = arith.subi %sign3A_75, %sign3A_78 : i32
    %ne3A_80 = arith.cmpi ne, %sign3A_72, %sign3A_79 : i32
    %rem3A_81 = arith.remsi %add3A_63, %jit3A_64 : i32
    %ne3A_82 = arith.constant 0 : i32
    %ne3A_83 = arith.cmpi ne, %rem3A_81, %ne3A_82 : i32
    %and3A_84 = arith.andi %ne3A_80, %ne3A_83 : i1
    %sub3A_85 = arith.constant 1 : i32
    %sub3A_86 = arith.subi %div3A_65, %sub3A_85 : i32
    %select_n3A_87 = arith.select %and3A_84, %sub3A_86, %div3A_65 : i32
    %jit3A_88 = arith.constant 2 : i32
    %eq3A_89 = arith.constant 0 : i32
    %eq3A_90 = arith.cmpi eq, %jit3A_88, %eq3A_89 : i32
    %jit3A_91 = arith.constant 1 : i32
    %select_n3A_92 = arith.select %eq3A_90, %jit3A_91, %jit3A_88 : i32
    %rem3A_93 = arith.remsi %add3A_63, %select_n3A_92 : i32
    %ne3A_94 = arith.constant 0 : i32
    %ne3A_95 = arith.cmpi ne, %rem3A_93, %ne3A_94 : i32
    %lt3A_96 = arith.constant 0 : i32
    %lt3A_97 = arith.cmpi slt, %rem3A_93, %lt3A_96 : i32
    %lt3A_98 = arith.constant 0 : i32
    %lt3A_99 = arith.cmpi slt, %select_n3A_92, %lt3A_98 : i32
    %ne3A_100 = arith.xori %lt3A_97, %lt3A_99 : i1
    %and3A_101 = arith.andi %ne3A_100, %ne3A_95 : i1
    %add3A_102 = arith.addi %rem3A_93, %select_n3A_92 : i32
    %select_n3A_103 = arith.select %and3A_101, %add3A_102, %rem3A_93 : i32
    %jit3A_104 = arith.constant 32 : i32
    %div3A_105 = arith.divsi %select_n3A_87, %jit3A_104 : i32
    %sign3A_106 = arith.constant 0 : i32
    %sign3A_107 = arith.cmpi sgt, %select_n3A_87, %sign3A_106 : i32
    %sign3A_108 = arith.extui %sign3A_107 : i1 to i32
    %sign3A_109 = arith.constant 0 : i32
    %sign3A_110 = arith.cmpi slt, %select_n3A_87, %sign3A_109 : i32
    %sign3A_111 = arith.extui %sign3A_110 : i1 to i32
    %sign3A_112 = arith.subi %sign3A_108, %sign3A_111 : i32
    %sign3A_113 = arith.constant 0 : i32
    %sign3A_114 = arith.cmpi sgt, %jit3A_104, %sign3A_113 : i32
    %sign3A_115 = arith.extui %sign3A_114 : i1 to i32
    %sign3A_116 = arith.constant 0 : i32
    %sign3A_117 = arith.cmpi slt, %jit3A_104, %sign3A_116 : i32
    %sign3A_118 = arith.extui %sign3A_117 : i1 to i32
    %sign3A_119 = arith.subi %sign3A_115, %sign3A_118 : i32
    %ne3A_120 = arith.cmpi ne, %sign3A_112, %sign3A_119 : i32
    %rem3A_121 = arith.remsi %select_n3A_87, %jit3A_104 : i32
    %ne3A_122 = arith.constant 0 : i32
    %ne3A_123 = arith.cmpi ne, %rem3A_121, %ne3A_122 : i32
    %and3A_124 = arith.andi %ne3A_120, %ne3A_123 : i1
    %sub3A_125 = arith.constant 1 : i32
    %sub3A_126 = arith.subi %div3A_105, %sub3A_125 : i32
    %select_n3A_127 = arith.select %and3A_124, %sub3A_126, %div3A_105 : i32
    %jit3A_128 = arith.constant 32 : i32
    %eq3A_129 = arith.constant 0 : i32
    %eq3A_130 = arith.cmpi eq, %jit3A_128, %eq3A_129 : i32
    %jit3A_131 = arith.constant 1 : i32
    %select_n3A_132 = arith.select %eq3A_130, %jit3A_131, %jit3A_128 : i32
    %rem3A_133 = arith.remsi %select_n3A_87, %select_n3A_132 : i32
    %ne3A_134 = arith.constant 0 : i32
    %ne3A_135 = arith.cmpi ne, %rem3A_133, %ne3A_134 : i32
    %lt3A_136 = arith.constant 0 : i32
    %lt3A_137 = arith.cmpi slt, %rem3A_133, %lt3A_136 : i32
    %lt3A_138 = arith.constant 0 : i32
    %lt3A_139 = arith.cmpi slt, %select_n3A_132, %lt3A_138 : i32
    %ne3A_140 = arith.xori %lt3A_137, %lt3A_139 : i1
    %and3A_141 = arith.andi %ne3A_140, %ne3A_135 : i1
    %add3A_142 = arith.addi %rem3A_133, %select_n3A_132 : i32
    %select_n3A_143 = arith.select %and3A_141, %add3A_142, %rem3A_133 : i32
    %mul3A_144 = arith.constant 8 : i32
    %mul3A_145 = arith.muli %select_n3A_127, %mul3A_144 : i32
    %mul3A_146 = arith.constant 4 : i32
    %mul3A_147 = arith.muli %select_n3A_103, %mul3A_146 : i32
    %add3A_148 = arith.addi %mul3A_145, %mul3A_147 : i32
    %dma_wait3A = arith.constant 0 : i32
    %dma_wait3A_149 = arith.constant 0 : i32
    %dma_wait3A_150 = arith.constant 0 : i32
    %dma_wait3A_151 = arith.constant 0 : i32
    %dma_wait3A_152 = tpu.memref_slice %arg8[%dma_wait3A, %dma_wait3A_149, %dma_wait3A_150, %dma_wait3A_151] : memref<4x4x8x129xf32, #tpu.memory_space<vmem>> -> memref<4x4x8x128xf32, #tpu.memory_space<vmem>>
    %dma_wait3A_153 = arith.constant 0 : i32
    %dma_wait3A_154 = arith.constant 0 : i32
    %dma_wait3A_155 = arith.constant 0 : i32
    %dma_wait3A_156 = tpu.memref_slice %arg4[%add3A_148, %dma_wait3A_153, %select_n3A_143, %dma_wait3A_154, %dma_wait3A_155] : memref<200x4x32x8x128xf32, #tpu.memory_space<hbm>> -> memref<4x4x1x8x128xf32, #tpu.memory_space<hbm>>
    %dma_wait3A_157 = tpu.memref_squeeze %dma_wait3A_156 : memref<4x4x1x8x128xf32, #tpu.memory_space<hbm>> -> memref<4x4x8x128xf32, #tpu.memory_space<hbm>>
    %dma_wait3A_158 = arith.constant 0 : i32
    %dma_wait3A_159 = arith.constant 0 : i32
    %dma_wait3A_160 = arith.constant 0 : i32
    %dma_wait3A_161 = tpu.memref_slice %arg4[%add3A_148, %dma_wait3A_158, %select_n3A_143, %dma_wait3A_159, %dma_wait3A_160] : memref<200x4x32x8x128xf32, #tpu.memory_space<hbm>> -> memref<4x4x1x8x128xf32, #tpu.memory_space<hbm>>
    %dma_wait3A_162 = tpu.memref_squeeze %dma_wait3A_161 : memref<4x4x1x8x128xf32, #tpu.memory_space<hbm>> -> memref<4x4x8x128xf32, #tpu.memory_space<hbm>>
    %dma_wait3A_163 = arith.constant 0 : i32
    %dma_wait3A_164 = arith.constant 0 : i32
    %dma_wait3A_165 = arith.constant 0 : i32
    %dma_wait3A_166 = arith.constant 0 : i32
    %dma_wait3A_167 = tpu.memref_slice %arg8[%dma_wait3A_163, %dma_wait3A_164, %dma_wait3A_165, %dma_wait3A_166] : memref<4x4x8x129xf32, #tpu.memory_space<vmem>> -> memref<4x4x8x128xf32, #tpu.memory_space<vmem>>
    tpu.wait_dma2 semaphore(%arg12 : memref<!tpu.dma_semaphore, #tpu.memory_space<semaphore_mem>>) src(%dma_wait3A_167 : memref<4x4x8x128xf32, #tpu.memory_space<vmem>>) dst(%dma_wait3A_162 : memref<4x4x8x128xf32, #tpu.memory_space<hbm>>)
    %add3A_168 = arith.constant 0 : i32
    %add3A_169 = arith.addi %mul3A_2, %add3A_168 : i32
    %jit3A_170 = arith.constant 2 : i32
    %div3A_171 = arith.divsi %add3A_169, %jit3A_170 : i32
    %sign3A_172 = arith.constant 0 : i32
    %sign3A_173 = arith.cmpi sgt, %add3A_169, %sign3A_172 : i32
    %sign3A_174 = arith.extui %sign3A_173 : i1 to i32
    %sign3A_175 = arith.constant 0 : i32
    %sign3A_176 = arith.cmpi slt, %add3A_169, %sign3A_175 : i32
    %sign3A_177 = arith.extui %sign3A_176 : i1 to i32
    %sign3A_178 = arith.subi %sign3A_174, %sign3A_177 : i32
    %sign3A_179 = arith.constant 0 : i32
    %sign3A_180 = arith.cmpi sgt, %jit3A_170, %sign3A_179 : i32
    %sign3A_181 = arith.extui %sign3A_180 : i1 to i32
    %sign3A_182 = arith.constant 0 : i32
    %sign3A_183 = arith.cmpi slt, %jit3A_170, %sign3A_182 : i32
    %sign3A_184 = arith.extui %sign3A_183 : i1 to i32
    %sign3A_185 = arith.subi %sign3A_181, %sign3A_184 : i32
    %ne3A_186 = arith.cmpi ne, %sign3A_178, %sign3A_185 : i32
    %rem3A_187 = arith.remsi %add3A_169, %jit3A_170 : i32
    %ne3A_188 = arith.constant 0 : i32
    %ne3A_189 = arith.cmpi ne, %rem3A_187, %ne3A_188 : i32
    %and3A_190 = arith.andi %ne3A_186, %ne3A_189 : i1
    %sub3A_191 = arith.constant 1 : i32
    %sub3A_192 = arith.subi %div3A_171, %sub3A_191 : i32
    %select_n3A_193 = arith.select %and3A_190, %sub3A_192, %div3A_171 : i32
    %jit3A_194 = arith.constant 2 : i32
    %eq3A_195 = arith.constant 0 : i32
    %eq3A_196 = arith.cmpi eq, %jit3A_194, %eq3A_195 : i32
    %jit3A_197 = arith.constant 1 : i32
    %select_n3A_198 = arith.select %eq3A_196, %jit3A_197, %jit3A_194 : i32
    %rem3A_199 = arith.remsi %add3A_169, %select_n3A_198 : i32
    %ne3A_200 = arith.constant 0 : i32
    %ne3A_201 = arith.cmpi ne, %rem3A_199, %ne3A_200 : i32
    %lt3A_202 = arith.constant 0 : i32
    %lt3A_203 = arith.cmpi slt, %rem3A_199, %lt3A_202 : i32
    %lt3A_204 = arith.constant 0 : i32
    %lt3A_205 = arith.cmpi slt, %select_n3A_198, %lt3A_204 : i32
    %ne3A_206 = arith.xori %lt3A_203, %lt3A_205 : i1
    %and3A_207 = arith.andi %ne3A_206, %ne3A_201 : i1
    %add3A_208 = arith.addi %rem3A_199, %select_n3A_198 : i32
    %select_n3A_209 = arith.select %and3A_207, %add3A_208, %rem3A_199 : i32
    %jit3A_210 = arith.constant 32 : i32
    %div3A_211 = arith.divsi %select_n3A_193, %jit3A_210 : i32
    %sign3A_212 = arith.constant 0 : i32
    %sign3A_213 = arith.cmpi sgt, %select_n3A_193, %sign3A_212 : i32
    %sign3A_214 = arith.extui %sign3A_213 : i1 to i32
    %sign3A_215 = arith.constant 0 : i32
    %sign3A_216 = arith.cmpi slt, %select_n3A_193, %sign3A_215 : i32
    %sign3A_217 = arith.extui %sign3A_216 : i1 to i32
    %sign3A_218 = arith.subi %sign3A_214, %sign3A_217 : i32
    %sign3A_219 = arith.constant 0 : i32
    %sign3A_220 = arith.cmpi sgt, %jit3A_210, %sign3A_219 : i32
    %sign3A_221 = arith.extui %sign3A_220 : i1 to i32
    %sign3A_222 = arith.constant 0 : i32
    %sign3A_223 = arith.cmpi slt, %jit3A_210, %sign3A_222 : i32
    %sign3A_224 = arith.extui %sign3A_223 : i1 to i32
    %sign3A_225 = arith.subi %sign3A_221, %sign3A_224 : i32
    %ne3A_226 = arith.cmpi ne, %sign3A_218, %sign3A_225 : i32
    %rem3A_227 = arith.remsi %select_n3A_193, %jit3A_210 : i32
    %ne3A_228 = arith.constant 0 : i32
    %ne3A_229 = arith.cmpi ne, %rem3A_227, %ne3A_228 : i32
    %and3A_230 = arith.andi %ne3A_226, %ne3A_229 : i1
    %sub3A_231 = arith.constant 1 : i32
    %sub3A_232 = arith.subi %div3A_211, %sub3A_231 : i32
    %select_n3A_233 = arith.select %and3A_230, %sub3A_232, %div3A_211 : i32
    %jit3A_234 = arith.constant 32 : i32
    %eq3A_235 = arith.constant 0 : i32
    %eq3A_236 = arith.cmpi eq, %jit3A_234, %eq3A_235 : i32
    %jit3A_237 = arith.constant 1 : i32
    %select_n3A_238 = arith.select %eq3A_236, %jit3A_237, %jit3A_234 : i32
    %rem3A_239 = arith.remsi %select_n3A_193, %select_n3A_238 : i32
    %ne3A_240 = arith.constant 0 : i32
    %ne3A_241 = arith.cmpi ne, %rem3A_239, %ne3A_240 : i32
    %lt3A_242 = arith.constant 0 : i32
    %lt3A_243 = arith.cmpi slt, %rem3A_239, %lt3A_242 : i32
    %lt3A_244 = arith.constant 0 : i32
    %lt3A_245 = arith.cmpi slt, %select_n3A_238, %lt3A_244 : i32
    %ne3A_246 = arith.xori %lt3A_243, %lt3A_245 : i1
    %and3A_247 = arith.andi %ne3A_246, %ne3A_241 : i1
    %add3A_248 = arith.addi %rem3A_239, %select_n3A_238 : i32
    %select_n3A_249 = arith.select %and3A_247, %add3A_248, %rem3A_239 : i32
    %mul3A_250 = arith.constant 8 : i32
    %mul3A_251 = arith.muli %select_n3A_233, %mul3A_250 : i32
    %mul3A_252 = arith.constant 4 : i32
    %mul3A_253 = arith.muli %select_n3A_209, %mul3A_252 : i32
    %add3A_254 = arith.addi %mul3A_251, %mul3A_253 : i32
    %dma_wait3A_255 = arith.constant 0 : i32
    %dma_wait3A_256 = arith.constant 0 : i32
    %dma_wait3A_257 = arith.constant 0 : i32
    %dma_wait3A_258 = arith.constant 0 : i32
    %dma_wait3A_259 = tpu.memref_slice %arg9[%dma_wait3A_255, %dma_wait3A_256, %dma_wait3A_257, %dma_wait3A_258] : memref<4x4x8x129xf32, #tpu.memory_space<vmem>> -> memref<4x4x8x128xf32, #tpu.memory_space<vmem>>
    %dma_wait3A_260 = arith.constant 0 : i32
    %dma_wait3A_261 = arith.constant 0 : i32
    %dma_wait3A_262 = arith.constant 0 : i32
    %dma_wait3A_263 = tpu.memref_slice %arg4[%add3A_254, %dma_wait3A_260, %select_n3A_249, %dma_wait3A_261, %dma_wait3A_262] : memref<200x4x32x8x128xf32, #tpu.memory_space<hbm>> -> memref<4x4x1x8x128xf32, #tpu.memory_space<hbm>>
    %dma_wait3A_264 = tpu.memref_squeeze %dma_wait3A_263 : memref<4x4x1x8x128xf32, #tpu.memory_space<hbm>> -> memref<4x4x8x128xf32, #tpu.memory_space<hbm>>
    %dma_wait3A_265 = arith.constant 0 : i32
    %dma_wait3A_266 = arith.constant 0 : i32
    %dma_wait3A_267 = arith.constant 0 : i32
    %dma_wait3A_268 = tpu.memref_slice %arg4[%add3A_254, %dma_wait3A_265, %select_n3A_249, %dma_wait3A_266, %dma_wait3A_267] : memref<200x4x32x8x128xf32, #tpu.memory_space<hbm>> -> memref<4x4x1x8x128xf32, #tpu.memory_space<hbm>>
    %dma_wait3A_269 = tpu.memref_squeeze %dma_wait3A_268 : memref<4x4x1x8x128xf32, #tpu.memory_space<hbm>> -> memref<4x4x8x128xf32, #tpu.memory_space<hbm>>
    %dma_wait3A_270 = arith.constant 0 : i32
    %dma_wait3A_271 = arith.constant 0 : i32
    %dma_wait3A_272 = arith.constant 0 : i32
    %dma_wait3A_273 = arith.constant 0 : i32
    %dma_wait3A_274 = tpu.memref_slice %arg9[%dma_wait3A_270, %dma_wait3A_271, %dma_wait3A_272, %dma_wait3A_273] : memref<4x4x8x129xf32, #tpu.memory_space<vmem>> -> memref<4x4x8x128xf32, #tpu.memory_space<vmem>>
    tpu.wait_dma2 semaphore(%arg13 : memref<!tpu.dma_semaphore, #tpu.memory_space<semaphore_mem>>) src(%dma_wait3A_274 : memref<4x4x8x128xf32, #tpu.memory_space<vmem>>) dst(%dma_wait3A_269 : memref<4x4x8x128xf32, #tpu.memory_space<hbm>>)
    return
  }
}

</mosaic_0001>

<sc_bundles>
// kernel: _embedding_lookup.3.cloned.1.call-start
scs
__scs_entry_jumppad:
0x0: {  	(pc) =	sbr.rel $0x88, $3  }
0x1: {  	(tag) =	ssettag $0x0;
	lr =	simm.s32 $0x1  }
0x2: {  	[smem:$0x3F9F] =	sst lr;
	_ =	strace $0xD0000000  }
0x3: {  	_ = 	snop  }
0x4: {  	_ = 	snop  }
0x5: {  	_ = 	snop  }
0x6: {  	_ = 	snop  }
0x7: {  	_ = 	snop  }
__scs_overlays_trampoline_lowered:
0x8: {  	[smem:$0x3FAE] =	sst s0  }
0x9: {  	[smem:$0x3FAF] =	sst s1  }
0xa: {  	[smem:$0x3FB0] =	sst s2  }
0xb: {  	[smem:$0x3FB1] =	sst s3  }
0xc: {  	[smem:$0x3FB2] =	sst s4  }
0xd: {  	[smem:$0x3FB3] =	sst s5  }
0xe: {  	[smem:$0x3FB4] =	sst s6  }
0xf: {  	[smem:$0x3FB5] =	sst s7  }
0x10: {  	[smem:$0x3FB6] =	sst s8  }
0x11: {  	[smem:$0x3FB7] =	sst s9;
	s0 =	simm.s32 @!p0 $0x0  }
0x12: {  	s1 =	sld [smem:$0x3F9D];
	s0 =	simm.s32 @p0 $0x1  }
0x13: {  	[smem:$0x3FB8] =	sst s0;
	s0 =	simm.s32 @!p1 $0x0  }
0x14: {  	s2 =	sld [smem:$0x3F9C];
	s0 =	simm.s32 @p1 $0x1  }
0x15: {  	[smem:$0x3FB9] =	sst s0;
	s0 =	simm.s32 @!p2 $0x0  }
0x16: {  	s3 =	sld [smem:$0x3FDB];
	s0 =	simm.s32 @p2 $0x1  }
0x17: {  	s4 =	simm.s32 $0x1BF5;
	[smem:$0x3FBB] =	sst s0  }
0x18: {  	s0 =	sld [smem:$0x3F9E];
	_ =	swait.ge [sflag:s4], $0x0  }
0x19: {  	s7 =	sld [smem:$0x3F9F]  }
0x1a: {  	s8 =	sadd.s32 $0xFFFFE003, lr  }
0x1b: {  	s9 =	sadd.s32 $0xFFFFFEF7, lr;
	s5 =	simm.s32 $0xFFFFFFFF;
	p2 =	slt.u32 s8, $0xFFFFF086  }
0x1c: {  	p1 =	slt.u32 s9, $0xF7A;
	s5 =	simm.s32 @!p2 $0x0  }
0x1d: {  	s5 =	simm.s32 @p1 $0x1;
	p0 =	seq.s32 s7, s2  }
0x1e: {  	s7 =	smul.u32 @!p0 $0xF7A, s2;
	p2 =	seq.s32 @!p0 s5, $0x0  }
0x1f: {  	s9 =	smul.u32 $0xF7A, s1;
	s8 =	simm.s32 @!p0 $0x1BF5;
	p2 =	por !p2, p0  }
0x20: {  	[sflag:s8] =	ssyncset.s32 @!p0 $0xFFFFF086;
	s6 =	sadd.s32 @!p0 s3, s7;
	s7 =	simm.s32 @!p0 $0x108  }
0x21: {  	s3 =	sadd.s32 s3, s9;
	s6 =	sadd.s32 @!p0 $0x88, s6;
	s7 =	simm.s32 @p2 $0x1082  }
0x22: {  	[simem:s7], [sflag:s8] =	dma.local @!p0 [hbm:s6], $0xF7A  }
0x23: {  	s9 =	sor.u32 $0xD0000000, s2;
	s6 =	simm.s32 $0x108;
	_ =	swait.ge @!p0 [sflag:s8], $0x0  }
0x24: {  	s3 =	sadd.s32 $0x88, s3;
	s6 =	simm.s32 @!p1 $0x1082;
	[sflag:s4] =	ssyncset.s32 $0xFFFFF086  }
0x25: {  	[simem:s6], [sflag:s4] =	dma.local [hbm:s3], $0xF7A  }
0x26: {  	[smem:$0x3F9F] =	sst s1;
	(tag) =	ssettag s2;
	_ =	strace s9  }
0x27: {  	s1 =	sld [smem:$0x3FAF]  }
0x28: {  	s2 =	sld [smem:$0x3FB0]  }
0x29: {  	s4 =	sld [smem:$0x3FB2]  }
0x2a: {  	p0 =	seq.s32 s5, $0x0;
	s5 =	sld [smem:$0x3FB3]  }
0x2b: {  	s6 =	sld [smem:$0x3FB4]  }
0x2c: {  	s7 =	sld [smem:$0x3FB5]  }
0x2d: {  	s3 =	simm.s32 $0x108;
	s8 =	sld [smem:$0x3FB6]  }
0x2e: {  	s3 =	simm.s32 @!p0 $0x1082;
	s9 =	sld [smem:$0x3FB7]  }
0x2f: {  	lr =	sadd.s32 s0, s3;
	s0 =	sld [smem:$0x3FAE]  }
0x30: {  	s3 =	sld [smem:$0x3FB1]  }
0x31: {  	[smem:$0x3FBA] =	sst s10  }
0x32: {  	s10 =	sld [smem:$0x3FB8];
	_ =	sdelay $0x3  }
0x33: {  	p0 =	seq.s32 s10, $0x1;
	s10 =	sld [smem:$0x3FBA];
	_ =	sdelay $0x3  }
0x34: {  	[smem:$0x3FBA] =	sst s10  }
0x35: {  	s10 =	sld [smem:$0x3FB9];
	_ =	sdelay $0x3  }
0x36: {  	p1 =	seq.s32 s10, $0x1;
	s10 =	sld [smem:$0x3FBA];
	_ =	sdelay $0x3  }
0x37: {  	[smem:$0x3FBA] =	sst s10  }
0x38: {  	s10 =	sld [smem:$0x3FBB]  }
0x39: {  	_ = 	snop;
	(pc) =	sbr.ind lr, $3  }
0x3a: {  	_ = 	snop  }
0x3b: {  	_ = 	snop  }
0x3c: {  	p2 =	seq.s32 s10, $0x1;
	s10 =	sld [smem:$0x3FBA]  }
0x3d: {  	_ =	shalt  }
0x3e: {  	_ =	shalt  }
0x3f: {  	_ =	shalt  }
0x40: {  	_ =	shalt  }
0x41: {  	_ =	shalt  }
0x42: {  	_ =	shalt  }
0x43: {  	_ =	shalt  }
0x44: {  	_ =	shalt  }
0x45: {  	_ =	shalt  }
0x46: {  	_ =	shalt  }
0x47: {  	_ =	shalt  }
0x48: {  	_ =	shalt  }
0x49: {  	_ =	shalt  }
0x4a: {  	_ =	shalt  }
0x4b: {  	_ =	shalt  }
0x4c: {  	_ =	shalt  }
0x4d: {  	_ =	shalt  }
0x4e: {  	_ =	shalt  }
0x4f: {  	_ =	shalt  }
0x50: {  	_ =	shalt  }
0x51: {  	_ =	shalt  }
0x52: {  	_ =	shalt  }
0x53: {  	_ =	shalt  }
0x54: {  	_ =	shalt  }
0x55: {  	_ =	shalt  }
0x56: {  	_ =	shalt  }
0x57: {  	_ =	shalt  }
0x58: {  	_ =	shalt  }
0x59: {  	_ =	shalt  }
0x5a: {  	_ =	shalt  }
0x5b: {  	_ =	shalt  }
0x5c: {  	_ =	shalt  }
0x5d: {  	_ =	shalt  }
0x5e: {  	_ =	shalt  }
0x5f: {  	_ =	shalt  }
0x60: {  	_ =	shalt  }
0x61: {  	_ =	shalt  }
0x62: {  	_ =	shalt  }
0x63: {  	_ =	shalt  }
0x64: {  	_ =	shalt  }
0x65: {  	_ =	shalt  }
0x66: {  	_ =	shalt  }
0x67: {  	_ =	shalt  }
0x68: {  	_ =	shalt  }
0x69: {  	_ =	shalt  }
0x6a: {  	_ =	shalt  }
0x6b: {  	_ =	shalt  }
0x6c: {  	_ =	shalt  }
0x6d: {  	_ =	shalt  }
0x6e: {  	_ =	shalt  }
0x6f: {  	_ =	shalt  }
0x70: {  	_ =	shalt  }
0x71: {  	_ =	shalt  }
0x72: {  	_ =	shalt  }
0x73: {  	_ =	shalt  }
0x74: {  	_ =	shalt  }
0x75: {  	_ =	shalt  }
0x76: {  	_ =	shalt  }
0x77: {  	_ =	shalt  }
0x78: {  	_ =	shalt  }
0x79: {  	_ =	shalt  }
0x7a: {  	_ =	shalt  }
0x7b: {  	_ =	shalt  }
0x7c: {  	_ =	shalt  }
0x7d: {  	_ =	shalt  }
0x7e: {  	_ =	shalt  }
0x7f: {  	_ =	shalt  }
0x80: {  	_ =	shalt  }
0x81: {  	_ =	shalt  }
0x82: {  	_ =	shalt  }
0x83: {  	_ =	shalt  }
0x84: {  	_ =	shalt  }
0x85: {  	_ =	shalt  }
0x86: {  	_ =	shalt  }
0x87: {  	_ =	shalt  }
.Lfunc_end0:
.L_simem_size_0:
called_computation_lowered:
.L_overlay_start_0:
0x88: {  	s2 =	sld [smem:$0x3FD9]  }
0x89: {  	s3 =	sld [smem:$0x3FFE];
	_ =	sdelay $0x1  }
0x8a: {  	s1 =	srdreg.scid  }
0x8b: {  	s0 =	sand.u32 $0x1, s1  }
0x8c: {  	s17 =	sshll.u32 s0, $0xA;
	s2 =	sadd.s32 s3, s2  }
0x8d: {  	s2 =	sadd.s32 s2, s17  }
0x8e: {  	[smem:$0x3FC6] =	sst s2  }
0x8f: {  	_ = 	snop  }
0x90: {  	s2 =	sld [smem:$0x3FC9]  }
0x91: {  	s18 =	sld [smem:$0x3FD0];
	(tm) =	ssettm $0x1  }
0x92: {  	s4 =	sld [smem:$0x3FFB];
	_ =	sdelay $0x3  }
0x93: {  	_ =	strace s4  }
0x94: {  	s4 =	sld [smem:$0x3FFC];
	_ =	sdelay $0x3  }
0x95: {  	_ =	strace s4  }
0x96: {  	s4 =	sld [smem:$0x3FFD];
	_ =	sdelay $0x3  }
0x97: {  	_ =	strace s4  }
0x98: {  	_ =	strace $0x8FFFFFFF  }
0x99: {  	s19 =	sld [smem:$0x3FDB];
	_ =	sdelay $0x1  }
0x9a: {  	s5 =	simm.s32 $_scs_section_size  }
0x9b: {  	s6 =	simm.s32 $_size__tile_overlayer_lowered;
	s7 =	simm.s32 $_tile_overlayer_lowered  }
0x9c: {  	s22 =	simm.s32 $0x1BFF;
	s21 =	sshll.u32 s7, $0x1;
	s4 =	sadd.s32 s5, s19  }
0x9d: {  	s8 =	simm.s32 $0x0;
	s20 =	sshll.u32 s6, $0x1;
	s6 =	sadd.s32 s21, s4  }
0x9e: {  	[timem:s8], [sflag:s22] =	dma.local [hbm:s6], s20  }
0x9f: {  	_ =	swait.ge [sflag:s22], s20  }
0xa0: {  	s5 =	ssub.s32 $0x0, s20;
	[sflag:s22] =	ssyncset.done $0x0  }
0xa1: {  	[sflag:s22] =	ssyncadd.s32 s5;
	_ =	sdelay $0x1  }
0xa2: {  	s23 =	simm.s32 $0x1B8B  }
0xa3: {  	_ =	swait.ge [sflag:s23], $0x1  }
0xa4: {  	[sflag:s23] =	ssyncset.done $0x0  }
0xa5: {  	s25 =	simm.s32 $0x1B8E;
	s24 =	sld [smem:$0x3FFE];
	[sflag:s23] =	ssyncadd.s32 $0xFFFFFFFF  }
0xa6: {  	s26 =	simm.s32 $execute0_lowered;
	[smem:$0x3FD2] =	sst s25  }
0xa7: {  	s6 =	sshll.u32 s26, $0x1;
	_ =	strace $0x80000046;
	[dreg:$0x1] =	wrdreg $0xFFFFFFFF  }
0xa8: {  	s28 =	simm.s32 $_size_execute0_lowered;
	s4 =	sadd.s32 s4, s6;
	[dreg:$0x0] =	wrdreg $0x0  }
0xa9: {  	s6 =	sshll.u32 s28, $0x1;
	[dreg:$0x2] =	wrdreg s4  }
0xaa: {  	[dreg:$0x3] =	wrdreg s6  }
0xab: {  	[dreg:$0x4] =	wrdreg $0xC0  }
0xac: {  	_ =	task [dreg:s8], $0x5FFFF  }
0xad: {  	[dreg:$0x1] =	wrdreg $0xFFFFFFFF  }
0xae: {  	[dreg:$0x0] =	wrdreg $0x60  }
0xaf: {  	[dreg:$0x2] =	wrdreg s2  }
0xb0: {  	[dreg:$0x3] =	wrdreg s24  }
0xb1: {  	[dreg:$0x4] =	wrdreg s18  }
0xb2: {  	[dreg:$0x5] =	wrdreg $0x9  }
0xb3: {  	_ =	task.clear_ibuf [dreg:s8], $0x6FFFF;
	_ =	strace $0x90000046  }
0xb4: {  	s29 =	simm.s32 $0x9;
	_ =	strace $0x80000048  }
0xb5: {  	_ =	swait.ge [sflag:s29], $0x1  }
0xb6: {  	[sflag:s29] =	ssyncadd.s32 $0xFFFFFFFF  }
0xb7: {  	_ =	strace $0x90000048  }
0xb8: {  	_ =	sfence  }
0xb9: {  	s30 =	sld [smem:$0x0];
	_ =	sdelay $0x2  }
0xba: {  	s31 =	sshll.u32 s1, $0xD;
	s1 =	sshrl.u32 s1, $0x2  }
0xbb: {  	s3 =	sand.u32 $0x4000, s31;
	s1 =	sadd.s32 s1, s30  }
0xbc: {  	s0 =	sor.u32 s3, s0;
	s1 =	sshll.u32 s1, $0x11  }
0xbd: {  	s0 =	sor.u32 s1, s0  }
0xbe: {  	s0 =	sadd.s32 $0x8F2B, s0  }
0xbf: {  	[sflag:s0] =	ssyncadd.remote.s32 $0x1  }
0xc0: {  	_ =	sfence.sel $0xFFFF  }
0xc1: {  	[dreg:$0x0] =	wrdreg $0xFFFFFFFF;
	(pc) =	sbr.abs _section_cstart, $3  }
0xc2: {  	[dreg:$0x1] =	wrdreg $0xFFFFFFFF  }
0xc3: {  	_ =	task.clear_ibuf [dreg:s8], $0x2FFFF;
	_ =	strace $0x9FFFFFFF  }
0xc4: {  	(tm) =	ssettm $0x7FFFFFFF  }
0xc5: {  	_ =	shalt  }
tec
execute0_lowered:
.L_overlay_start_1:
0x0: {  	(tag) =	ssettag $0x1  }
0x1: {  	v0 =	vlaneseq.u32  }
0x2: {  	v7 =	vmul.u32 $0x88, v0  }
0x3: {  	vm0 =	vcmask $0x300;
	v0 =	vimm.s32 $0x0  }
0x4: {  	v1 =	vsel vm0, $0x3, v0;
	v0 =	vadd.s32 $0x1980, v7  }
0x5: {  	[tilespmem:$0x1FEB0] =	vst v0;
	v0 =	vadd.s32 $0x1101, v7  }
0x6: {  	s6 =	rddreg [dreg:$0x0];
	v6 =	vadd.s32 $0x880, v7;
	v8 =	vor.u32 $0x1, v7;
	[tilespmem:$0x1FEC0] =	vst v0;
	v0 =	vadd.s32 $0x1981, v7  }
0x7: {  	s4 =	rddreg [dreg:$0x1];
	v9 =	vadd.s32 $0x881, v7;
	v10 =	vor.u32 $0x2, v7;
	[tilespmem:$0x1FED0] =	vst v0;
	v0 =	vadd.s32 $0x1102, v7  }
0x8: {  	s1 =	rddreg [dreg:$0x2];
	s3 =	simm.s32 $0x0;
	v11 =	vadd.s32 $0x882, v7;
	v12 =	vor.u32 $0x3, v7;
	[tilespmem:$0x1FEE0] =	vst v0;
	v0 =	vadd.s32 $0x1982, v7  }
0x9: {  	[smem:$0x7FF] =	sst s3;
	v17 =	vadd.s32 $0x883, v7;
	v13 =	vor.u32 $0x4, v7;
	v18 =	vadd.s32 $0x884, v7;
	[tilespmem:$0x1FEF0] =	vst v0  }
0xa: {  	s0 =	rddreg [dreg:$0x3];
	v14 =	vor.u32 $0x5, v7;
	v19 =	vadd.s32 $0x885, v7;
	v15 =	vor.u32 $0x6, v7;
	_ =	strace $0x80000047;
	[tilespmem:$0x1FF00] =	vst v10  }
0xb: {  	v20 =	vadd.s32 $0x886, v7;
	v16 =	vor.u32 $0x7, v7;
	v21 =	vadd.s32 $0x887, v7;
	[tilespmem:$0x1FF10] =	vst v11  }
0xc: {  	v22 =	vadd.s32 $0x1100, v7;
	v23 =	vadd.s32 $0x1103, v7;
	v24 =	vadd.s32 $0x1983, v7;
	[tilespmem:$0x1FF20] =	vst v12  }
0xd: {  	v25 =	vadd.s32 $0x1104, v7;
	v26 =	vadd.s32 $0x1984, v7;
	v27 =	vadd.s32 $0x1105, v7;
	[tilespmem:$0x1FF30] =	vst v17  }
0xe: {  	v28 =	vadd.s32 $0x1985, v7;
	v29 =	vadd.s32 $0x1106, v7;
	v30 =	vadd.s32 $0x1986, v7;
	[tilespmem:$0x1FF40] =	vst v13  }
0xf: {  	v31 =	vadd.s32 $0x1107, v7;
	v32 =	vadd.s32 $0x1987, v7;
	v33 =	vadd.s32 $0x2200, v7;
	[tilespmem:$0x1FF50] =	vst v18  }
0x10: {  	v34 =	vadd.s32 $0x2A80, v7;
	v35 =	vadd.s32 $0x2201, v7;
	v36 =	vadd.s32 $0x2A81, v7;
	[tilespmem:$0x1FF60] =	vst v14  }
0x11: {  	s5 =	srdreg.scid;
	v37 =	vadd.s32 $0x2202, v7;
	v38 =	vadd.s32 $0x2A82, v7;
	v39 =	vadd.s32 $0x2203, v7;
	[tilespmem:$0x1FF70] =	vst v19  }
0x12: {  	s2 =	stileid.u32;
	s10 =	simm.s32 $0x200;
	s11 =	simm.s32 $0x6400;
	v40 =	vadd.s32 $0x2A83, v7;
	v41 =	vadd.s32 $0x2204, v7;
	v42 =	vadd.s32 $0x2A84, v7;
	[tilespmem:$0x1FF80] =	vst v15  }
0x13: {  	s12 =	simm.s32 $0xA400;
	s13 =	simm.s32 $0x1;
	s14 =	simm.s32 $0xE400;
	v43 =	vadd.s32 $0x2205, v7;
	v44 =	vadd.s32 $0x2A85, v7;
	v45 =	vadd.s32 $0x2206, v7;
	[tilespmem:$0x1FF90] =	vst v20  }
0x14: {  	s15 =	simm.s32 $0x2;
	s16 =	simm.s32 $0x4;
	s17 =	simm.s32 $0x12800;
	v46 =	vadd.s32 $0x2A86, v7;
	v47 =	vadd.s32 $0x2207, v7;
	v48 =	vadd.s32 $0x2A87, v7;
	[tilespmem:$0x1FFA0] =	vst v16  }
0x15: {  	s18 =	simm.s32 $0x3;
	s5 =	sand.u32 $0x1, s5;
	s7 =	sshll.u32 s2, $0x1;
	v49 =	vadd.s32 $0x3300, v7;
	v50 =	vadd.s32 $0x3B80, v7;
	v51 =	vadd.s32 $0x3301, v7;
	[tilespmem:$0x1FFB0] =	vst v21  }
0x16: {  	s4 =	sadd.s32 $0xF42800, s4;
	s8 =	ssub.s32 $0x2, s5;
	s5 =	sor.u32 s5, s7;
	v52 =	vadd.s32 $0x3B81, v7;
	v53 =	vadd.s32 $0x3302, v7;
	v54 =	vadd.s32 $0x3B82, v7;
	[tilespmem:$0x1FFC0] =	vst v22  }
0x17: {  	s19 =	simm.s32 $0x0;
	s31 =	sshrl.u32 s8, $0x1;
	s9 =	smul.u32 $0xC80, s5;
	v55 =	vadd.s32 $0x3303, v7;
	v56 =	vadd.s32 $0x3B83, v7;
	v57 =	vadd.s32 $0x3304, v7;
	[tilespmem:$0x1FFD0] =	vst v7  }
0x18: {  	s7 =	sadd.s32 $0x10000, s1;
	s5 =	smul.u32 $0x32, s5;
	v58 =	vadd.s32 $0x3B84, v7;
	v59 =	vadd.s32 $0x3305, v7;
	v60 =	vadd.s32 $0x3B85, v7;
	s8 =	ssub.s32 s8, s31;
	[tilespmem:$0x1FFE0] =	vst v6  }
0x19: {  	v61 =	vadd.s32 $0x3306, v7;
	v62 =	vadd.s32 $0x3B86, v7;
	v63 =	vadd.s32 $0x3307, v7;
	s6 =	sadd.s32 s6, s9;
	s8 =	smax.u32 s8, $0x1;
	s9 =	simm.s32 $0x5;
	[tilespmem:$0x1FFF0] =	vst v9  }
.LBB2_1:
0x1a: {  	[tilespmem:s3], [sflag:$0x5] =	stream.linear.gather [hbm4b:s6+s3], $0x6400, $0x38;
	[tilespmem:$0x16C00] =	vst v63  }
0x1b: {  	_ =	swait.ge [sflag:s9], $0x6400  }
0x1c: {  	[sflag:s9] =	ssyncset.done $0x0  }
0x1d: {  	s20 =	simm.s32 $0x0;
	[sflag:s9] =	ssyncadd.s32 $0xFFFF9C00  }
0x1e: {  	[tilespmem:s11], [sflag:$0x1] =	stream.indirect.gather [hbm4b:s4+s10], $0x20, s3, s10, $0xb8;
	[tilespmem:$0x16C00] =	vst v63  }
.LBB2_2:
0x1f: {  	s21 =	sshllo.u32 s20, $0x1  }
0x20: {  	s22 =	sshll.u32 s21, $0x9  }
0x21: {  	s22 =	sand.u32 $0x3FFFFE00, s22  }
0x22: {  	[tilespmem:s12], [sflag:$0x2] =	stream.indirect.gather [hbm4b:s4+s10], $0x20, s22, s10, $0xb8;
	[tilespmem:$0x16C00] =	vst v63  }
0x23: {  	s23 =	simm.s32 $0x0;
	_ =	swait.ge [sflag:s13], $0x4000  }
0x24: {  	p0 =	seq.s32 s20, $0x0;
	v0 =	vmov s23;
	[sflag:s13] =	ssyncset.done $0x0  }
0x25: {  	v0 =	vshrl.u32 v0, $0x3;
	s22 =	simm.s32 @!p0 $0x3;
	[sflag:s13] =	ssyncadd.s32 $0xFFFFC000  }
0x26: {  	v0 =	vshll.u32 v0, v1;
	_ =	swait.ge @!p0 [sflag:s22], $0x4000  }
0x27: {  	v0 =	vbroadcast v0, $0x0;
	[sflag:s22] =	ssyncset.done @!p0 $0x0  }
0x28: {  	s23 =	simm.s32 $0x6480;
	[sflag:s22] =	ssyncadd.s32 @!p0 $0xFFFFC000  }
0x29: {  	v3 =	vadd.s32 v7, v0;
	v5 =	vld [tilespmem:s23+$0xFFFFFF80]  }
0x2a: {  	s24 =	simm.s32 $0x1;
	v0 =	vadd.s32 v6, v0;
	v4 =	vld [tilespmem:s23+$0xFFFFFF90]  }
0x2b: {  	v2 =	vmov s24  }
0x2c: {  	v2 =	vshrl.u32 v2, $0x3  }
0x2d: {  	v2 =	vshll.u32 v2, v1  }
0x2e: {  	v2 =	vbroadcast v2, $0x0;
	[tilespmem:v3+s14+$0x0] =	vst.idx.msk $0xffff, v5  }
0x2f: {  	[tilespmem:v0+s14+$0x0] =	vst.idx.msk $0xffff, v4  }
0x30: {  	v3 =	vadd.s32 v8, v2;
	v5 =	vld [tilespmem:s23+$0xFFFFFFA0]  }
0x31: {  	s25 =	simm.s32 $0x2;
	v2 =	vadd.s32 v9, v2;
	v4 =	vld [tilespmem:s23+$0xFFFFFFB0]  }
0x32: {  	v0 =	vmov s25  }
0x33: {  	v0 =	vshrl.u32 v0, $0x3  }
0x34: {  	v0 =	vshll.u32 v0, v1  }
0x35: {  	v0 =	vbroadcast v0, $0x0;
	[tilespmem:v3+s14+$0x0] =	vst.idx.msk $0xffff, v5  }
0x36: {  	[tilespmem:v2+s14+$0x0] =	vst.idx.msk $0xffff, v4  }
0x37: {  	v3 =	vadd.s32 v10, v0;
	v5 =	vld [tilespmem:s23+$0xFFFFFFC0]  }
0x38: {  	s26 =	simm.s32 $0x3;
	v0 =	vadd.s32 v11, v0;
	v4 =	vld [tilespmem:s23+$0xFFFFFFD0]  }
0x39: {  	v2 =	vmov s26  }
0x3a: {  	v2 =	vshrl.u32 v2, $0x3  }
0x3b: {  	v2 =	vshll.u32 v2, v1  }
0x3c: {  	v2 =	vbroadcast v2, $0x0;
	[tilespmem:v3+s14+$0x0] =	vst.idx.msk $0xffff, v5  }
0x3d: {  	[tilespmem:v0+s14+$0x0] =	vst.idx.msk $0xffff, v4  }
0x3e: {  	v3 =	vadd.s32 v12, v2;
	v5 =	vld [tilespmem:s23+$0xFFFFFFE0]  }
0x3f: {  	s28 =	simm.s32 $0x4;
	v2 =	vadd.s32 v17, v2;
	v4 =	vld [tilespmem:s23+$0xFFFFFFF0]  }
0x40: {  	v0 =	vmov s28  }
0x41: {  	v0 =	vshrl.u32 v0, $0x3  }
0x42: {  	v0 =	vshll.u32 v0, v1  }
0x43: {  	v0 =	vbroadcast v0, $0x0;
	[tilespmem:v3+s14+$0x0] =	vst.idx.msk $0xffff, v5  }
0x44: {  	[tilespmem:v2+s14+$0x0] =	vst.idx.msk $0xffff, v4  }
0x45: {  	v3 =	vadd.s32 v13, v0;
	v5 =	vld [tilespmem:s23+$0x0]  }
0x46: {  	s29 =	simm.s32 $0x5;
	v0 =	vadd.s32 v18, v0;
	v4 =	vld [tilespmem:s23+$0x10]  }
0x47: {  	v2 =	vmov s29  }
0x48: {  	v2 =	vshrl.u32 v2, $0x3  }
0x49: {  	v2 =	vshll.u32 v2, v1  }
0x4a: {  	v2 =	vbroadcast v2, $0x0;
	[tilespmem:v3+s14+$0x0] =	vst.idx.msk $0xffff, v5  }
0x4b: {  	[tilespmem:v0+s14+$0x0] =	vst.idx.msk $0xffff, v4  }
0x4c: {  	v3 =	vadd.s32 v14, v2;
	v5 =	vld [tilespmem:s23+$0x20]  }
0x4d: {  	s30 =	simm.s32 $0x6;
	v2 =	vadd.s32 v19, v2;
	v4 =	vld [tilespmem:s23+$0x30]  }
0x4e: {  	v0 =	vmov s30  }
0x4f: {  	v0 =	vshrl.u32 v0, $0x3  }
0x50: {  	v0 =	vshll.u32 v0, v1  }
0x51: {  	v0 =	vbroadcast v0, $0x0;
	[tilespmem:v3+s14+$0x0] =	vst.idx.msk $0xffff, v5  }
0x52: {  	[tilespmem:v2+s14+$0x0] =	vst.idx.msk $0xffff, v4  }
0x53: {  	s31 =	simm.s32 $0x7;
	v3 =	vadd.s32 v15, v0;
	v5 =	vld [tilespmem:s23+$0x40]  }
0x54: {  	v0 =	vadd.s32 v20, v0;
	v2 =	vmov s31;
	v4 =	vld [tilespmem:s23+$0x50]  }
0x55: {  	v2 =	vshrl.u32 v2, $0x3  }
0x56: {  	v2 =	vshll.u32 v2, v1  }
0x57: {  	v2 =	vbroadcast v2, $0x0  }
0x58: {  	[tilespmem:v3+s14+$0x0] =	vst.idx.msk $0xffff, v5  }
0x59: {  	s24 =	simm.s32 $0x8;
	[tilespmem:v0+s14+$0x0] =	vst.idx.msk $0xffff, v4;
	v0 =	vadd.s32 v16, v2  }
0x5a: {  	[tilespmem:$0x1FEA0] =	vst v0;
	v0 =	vmov s24  }
0x5b: {  	v3 =	vshrl.u32 v0, $0x3  }
0x5c: {  	v4 =	vshll.u32 v3, v1  }
0x5d: {  	v3 =	vadd.s32 v21, v2;
	v2 =	vbroadcast v4, $0x0;
	v4 =	vld [tilespmem:$0x1FEA0];
	_ =	sdelay $0x2  }
0x5e: {  	v5 =	vld [tilespmem:s23+$0x60];
	_ =	sdelay $0x1  }
0x5f: {  	v0 =	vld [tilespmem:s23+$0x70];
	_ =	sdelay $0x2  }
0x60: {  	s22 =	sshll.u32 s20, $0x1;
	s25 =	simm.s32 $0x10;
	[tilespmem:v4+s14+$0x0] =	vst.idx.msk $0xffff, v5  }
.LBB2_3:
0x61: {  	p1 =	slt.u32 s25, $0x78  }
0x62: {  	[tilespmem:v3+s14+$0x0] =	vst.idx.msk $0xffff, v0;
	s23 =	sadd.s32 $0x100, s23;
	s26 =	smov.u32 s25;
	s25 =	sadd.s32 $0x8, s25  }
0x63: {  	v0 =	vld [tilespmem:s23+$0xFFFFFF80];
	v3 =	vadd.s32 v7, v2  }
0x64: {  	s28 =	sadd.s32 $0x1, s24;
	v2 =	vadd.s32 v6, v2;
	v4 =	vld [tilespmem:s23+$0xFFFFFF90]  }
0x65: {  	v5 =	vmov s28  }
0x66: {  	v5 =	vshrl.u32 v5, $0x3  }
0x67: {  	v5 =	vshll.u32 v5, v1  }
0x68: {  	[tilespmem:v3+s14+$0x0] =	vst.idx.msk $0xffff, v0;
	v0 =	vbroadcast v5, $0x0  }
0x69: {  	[tilespmem:v2+s14+$0x0] =	vst.idx.msk $0xffff, v4  }
0x6a: {  	v2 =	vld [tilespmem:s23+$0xFFFFFFA0];
	v3 =	vadd.s32 v8, v0  }
0x6b: {  	s28 =	sadd.s32 $0x2, s24;
	v0 =	vadd.s32 v9, v0;
	v4 =	vld [tilespmem:s23+$0xFFFFFFB0]  }
0x6c: {  	v5 =	vmov s28  }
0x6d: {  	v5 =	vshrl.u32 v5, $0x3  }
0x6e: {  	v5 =	vshll.u32 v5, v1  }
0x6f: {  	[tilespmem:v3+s14+$0x0] =	vst.idx.msk $0xffff, v2;
	v2 =	vbroadcast v5, $0x0  }
0x70: {  	[tilespmem:v0+s14+$0x0] =	vst.idx.msk $0xffff, v4  }
0x71: {  	v0 =	vld [tilespmem:s23+$0xFFFFFFC0];
	v3 =	vadd.s32 v10, v2  }
0x72: {  	s28 =	sadd.s32 $0x3, s24;
	v2 =	vadd.s32 v11, v2;
	v4 =	vld [tilespmem:s23+$0xFFFFFFD0]  }
0x73: {  	v5 =	vmov s28  }
0x74: {  	v5 =	vshrl.u32 v5, $0x3  }
0x75: {  	v5 =	vshll.u32 v5, v1  }
0x76: {  	[tilespmem:v3+s14+$0x0] =	vst.idx.msk $0xffff, v0;
	v0 =	vbroadcast v5, $0x0  }
0x77: {  	[tilespmem:v2+s14+$0x0] =	vst.idx.msk $0xffff, v4  }
0x78: {  	v2 =	vld [tilespmem:s23+$0xFFFFFFE0];
	v3 =	vadd.s32 v12, v0  }
0x79: {  	s28 =	sadd.s32 $0x4, s24;
	v0 =	vadd.s32 v17, v0;
	v4 =	vld [tilespmem:s23+$0xFFFFFFF0]  }
0x7a: {  	v5 =	vmov s28  }
0x7b: {  	v5 =	vshrl.u32 v5, $0x3  }
0x7c: {  	v5 =	vshll.u32 v5, v1  }
0x7d: {  	[tilespmem:v3+s14+$0x0] =	vst.idx.msk $0xffff, v2;
	v2 =	vbroadcast v5, $0x0  }
0x7e: {  	[tilespmem:v0+s14+$0x0] =	vst.idx.msk $0xffff, v4  }
0x7f: {  	v0 =	vld [tilespmem:s23+$0x0];
	v3 =	vadd.s32 v13, v2  }
0x80: {  	s28 =	sadd.s32 $0x5, s24;
	v2 =	vadd.s32 v18, v2;
	v4 =	vld [tilespmem:s23+$0x10]  }
0x81: {  	v5 =	vmov s28  }
0x82: {  	v5 =	vshrl.u32 v5, $0x3  }
0x83: {  	v5 =	vshll.u32 v5, v1  }
0x84: {  	[tilespmem:v3+s14+$0x0] =	vst.idx.msk $0xffff, v0;
	v0 =	vbroadcast v5, $0x0  }
0x85: {  	[tilespmem:v2+s14+$0x0] =	vst.idx.msk $0xffff, v4  }
0x86: {  	v2 =	vld [tilespmem:s23+$0x20];
	v3 =	vadd.s32 v14, v0  }
0x87: {  	s28 =	sadd.s32 $0x6, s24;
	v0 =	vadd.s32 v19, v0;
	v4 =	vld [tilespmem:s23+$0x30]  }
0x88: {  	v5 =	vmov s28  }
0x89: {  	v5 =	vshrl.u32 v5, $0x3  }
0x8a: {  	v5 =	vshll.u32 v5, v1  }
0x8b: {  	[tilespmem:v3+s14+$0x0] =	vst.idx.msk $0xffff, v2;
	v2 =	vbroadcast v5, $0x0  }
0x8c: {  	[tilespmem:v0+s14+$0x0] =	vst.idx.msk $0xffff, v4  }
0x8d: {  	v0 =	vld [tilespmem:s23+$0x40];
	v3 =	vadd.s32 v15, v2  }
0x8e: {  	s28 =	sadd.s32 $0x7, s24;
	s24 =	smov.u32 s26;
	v2 =	vadd.s32 v20, v2;
	v4 =	vld [tilespmem:s23+$0x50]  }
0x8f: {  	v5 =	vmov s28  }
0x90: {  	v5 =	vshrl.u32 v5, $0x3  }
0x91: {  	v5 =	vshll.u32 v5, v1  }
0x92: {  	[tilespmem:v3+s14+$0x0] =	vst.idx.msk $0xffff, v0;
	v3 =	vbroadcast v5, $0x0  }
0x93: {  	[tilespmem:v2+s14+$0x0] =	vst.idx.msk $0xffff, v4  }
0x94: {  	v4 =	vld [tilespmem:s23+$0x60];
	v5 =	vadd.s32 v16, v3  }
.Ltmp0:
0x95: {  	v3 =	vadd.s32 v21, v3;
	v0 =	vld [tilespmem:s23+$0x70];
	(pc) =	sbr.rel @p1 .LBB2_3-.Ltmp0, $4  }
0x96: {  	v2 =	vmov s24  }
0x97: {  	v2 =	vshrl.u32 v2, $0x3  }
0x98: {  	v2 =	vshll.u32 v2, v1  }
0x99: {  	v2 =	vbroadcast v2, $0x0;
	[tilespmem:v5+s14+$0x0] =	vst.idx.msk $0xffff, v4  }
0x9a: {  	_ =	sdelay $0x3  }
0x9b: {  	[tilespmem:v3+s14+$0x0] =	vst.idx.msk $0xffff, v0;
	s23 =	sadd.s32 $0x100, s23  }
0x9c: {  	v0 =	vld [tilespmem:s23+$0xFFFFFF80];
	v3 =	vadd.s32 v7, v2  }
0x9d: {  	s25 =	sadd.s32 $0x1, s24;
	v4 =	vld [tilespmem:s23+$0xFFFFFF90];
	v2 =	vadd.s32 v6, v2  }
0x9e: {  	v5 =	vmov s25  }
0x9f: {  	v5 =	vshrl.u32 v5, $0x3  }
0xa0: {  	v5 =	vshll.u32 v5, v1  }
0xa1: {  	[tilespmem:v3+s14+$0x0] =	vst.idx.msk $0xffff, v0;
	v0 =	vbroadcast v5, $0x0  }
0xa2: {  	[tilespmem:v2+s14+$0x0] =	vst.idx.msk $0xffff, v4  }
0xa3: {  	v2 =	vld [tilespmem:s23+$0xFFFFFFA0];
	v3 =	vadd.s32 v8, v0  }
0xa4: {  	s30 =	sadd.s32 $0x2, s24;
	v4 =	vld [tilespmem:s23+$0xFFFFFFB0];
	v0 =	vadd.s32 v9, v0  }
0xa5: {  	v5 =	vmov s30  }
0xa6: {  	v5 =	vshrl.u32 v5, $0x3  }
0xa7: {  	v5 =	vshll.u32 v5, v1  }
0xa8: {  	[tilespmem:v3+s14+$0x0] =	vst.idx.msk $0xffff, v2;
	v2 =	vbroadcast v5, $0x0  }
0xa9: {  	[tilespmem:v0+s14+$0x0] =	vst.idx.msk $0xffff, v4  }
0xaa: {  	v0 =	vld [tilespmem:s23+$0xFFFFFFC0];
	v3 =	vadd.s32 v10, v2  }
0xab: {  	s31 =	sadd.s32 $0x3, s24;
	v4 =	vld [tilespmem:s23+$0xFFFFFFD0];
	v2 =	vadd.s32 v11, v2  }
0xac: {  	v5 =	vmov s31  }
0xad: {  	v5 =	vshrl.u32 v5, $0x3  }
0xae: {  	v5 =	vshll.u32 v5, v1  }
0xaf: {  	[tilespmem:v3+s14+$0x0] =	vst.idx.msk $0xffff, v0;
	v0 =	vbroadcast v5, $0x0  }
0xb0: {  	[tilespmem:v2+s14+$0x0] =	vst.idx.msk $0xffff, v4  }
0xb1: {  	v2 =	vld [tilespmem:s23+$0xFFFFFFE0];
	v3 =	vadd.s32 v12, v0  }
0xb2: {  	s26 =	sadd.s32 $0x4, s24;
	v4 =	vld [tilespmem:s23+$0xFFFFFFF0];
	v0 =	vadd.s32 v17, v0  }
0xb3: {  	v5 =	vmov s26  }
0xb4: {  	v5 =	vshrl.u32 v5, $0x3  }
0xb5: {  	v5 =	vshll.u32 v5, v1  }
0xb6: {  	[tilespmem:v3+s14+$0x0] =	vst.idx.msk $0xffff, v2;
	v2 =	vbroadcast v5, $0x0  }
0xb7: {  	[tilespmem:v0+s14+$0x0] =	vst.idx.msk $0xffff, v4  }
0xb8: {  	v0 =	vld [tilespmem:s23+$0x0];
	v3 =	vadd.s32 v13, v2  }
0xb9: {  	s28 =	sadd.s32 $0x5, s24;
	v4 =	vld [tilespmem:s23+$0x10];
	v2 =	vadd.s32 v18, v2  }
0xba: {  	v5 =	vmov s28  }
0xbb: {  	v5 =	vshrl.u32 v5, $0x3  }
0xbc: {  	v5 =	vshll.u32 v5, v1  }
0xbd: {  	[tilespmem:v3+s14+$0x0] =	vst.idx.msk $0xffff, v0;
	v0 =	vbroadcast v5, $0x0  }
0xbe: {  	[tilespmem:v2+s14+$0x0] =	vst.idx.msk $0xffff, v4  }
0xbf: {  	v2 =	vld [tilespmem:s23+$0x20];
	v3 =	vadd.s32 v14, v0  }
0xc0: {  	s29 =	sadd.s32 $0x6, s24;
	v4 =	vld [tilespmem:s23+$0x30];
	v0 =	vadd.s32 v19, v0  }
0xc1: {  	v5 =	vmov s29  }
0xc2: {  	v5 =	vshrl.u32 v5, $0x3  }
0xc3: {  	v5 =	vshll.u32 v5, v1  }
0xc4: {  	[tilespmem:v3+s14+$0x0] =	vst.idx.msk $0xffff, v2;
	v2 =	vbroadcast v5, $0x0  }
0xc5: {  	[tilespmem:v0+s14+$0x0] =	vst.idx.msk $0xffff, v4  }
0xc6: {  	v0 =	vld [tilespmem:s23+$0x40];
	v3 =	vadd.s32 v15, v2  }
0xc7: {  	s30 =	sadd.s32 $0x7, s24;
	v4 =	vld [tilespmem:s23+$0x50];
	v2 =	vadd.s32 v20, v2  }
0xc8: {  	v5 =	vmov s30  }
0xc9: {  	v5 =	vshrl.u32 v5, $0x3  }
0xca: {  	v5 =	vshll.u32 v5, v1  }
0xcb: {  	[tilespmem:v3+s14+$0x0] =	vst.idx.msk $0xffff, v0;
	v0 =	vbroadcast v5, $0x0  }
0xcc: {  	[tilespmem:v2+s14+$0x0] =	vst.idx.msk $0xffff, v4  }
0xcd: {  	v2 =	vld [tilespmem:s23+$0x60];
	v3 =	vadd.s32 v16, v0  }
0xce: {  	s31 =	simm.s32 $0x0;
	v4 =	vld [tilespmem:s23+$0x70];
	v0 =	vadd.s32 v21, v0  }
0xcf: {  	v5 =	vmov s31  }
0xd0: {  	v10 =	vld [tilespmem:$0x1FEB0];
	v5 =	vshrl.u32 v5, $0x3  }
0xd1: {  	v5 =	vshll.u32 v5, $0x3  }
0xd2: {  	v15 =	vbroadcast v5, $0x0;
	[tilespmem:v3+s14+$0x0] =	vst.idx.msk $0xffff, v2  }
0xd3: {  	s23 =	simm.s32 $0x74F0;
	[tilespmem:v0+s14+$0x0] =	vst.idx.msk $0xffff, v4  }
0xd4: {  	v2 =	vadd.s32 v22, v15;
	v0 =	vld [tilespmem:s23+$0xFFFFFF10]  }
0xd5: {  	v4 =	vadd.s32 v10, v15;
	v3 =	vld [tilespmem:s23+$0xFFFFFF20]  }
0xd6: {  	v11 =	vld [tilespmem:$0x1FEC0]  }
0xd7: {  	v12 =	vld [tilespmem:$0x1FED0];
	_ =	sdelay $0x1  }
0xd8: {  	[tilespmem:v2+s14+$0x0] =	vst.idx.msk $0xffff, v0  }
0xd9: {  	[tilespmem:v4+s14+$0x0] =	vst.idx.msk $0xffff, v3  }
0xda: {  	v2 =	vadd.s32 v11, v15;
	v0 =	vld [tilespmem:s23+$0xFFFFFF30]  }
0xdb: {  	v4 =	vadd.s32 v12, v15;
	v3 =	vld [tilespmem:s23+$0xFFFFFF40]  }
0xdc: {  	v13 =	vld [tilespmem:$0x1FEE0]  }
0xdd: {  	v14 =	vld [tilespmem:$0x1FEF0];
	_ =	sdelay $0x1  }
0xde: {  	[tilespmem:v2+s14+$0x0] =	vst.idx.msk $0xffff, v0  }
0xdf: {  	[tilespmem:v4+s14+$0x0] =	vst.idx.msk $0xffff, v3  }
0xe0: {  	v2 =	vadd.s32 v13, v15;
	v0 =	vld [tilespmem:s23+$0xFFFFFF50]  }
0xe1: {  	v4 =	vadd.s32 v14, v15;
	v3 =	vld [tilespmem:s23+$0xFFFFFF60];
	_ =	sdelay $0x3  }
0xe2: {  	[tilespmem:v2+s14+$0x0] =	vst.idx.msk $0xffff, v0  }
0xe3: {  	[tilespmem:v4+s14+$0x0] =	vst.idx.msk $0xffff, v3  }
0xe4: {  	v2 =	vadd.s32 v23, v15;
	v0 =	vld [tilespmem:s23+$0xFFFFFF70]  }
0xe5: {  	v4 =	vadd.s32 v24, v15;
	v3 =	vld [tilespmem:s23+$0xFFFFFF80];
	_ =	sdelay $0x3  }
0xe6: {  	[tilespmem:v2+s14+$0x0] =	vst.idx.msk $0xffff, v0  }
0xe7: {  	[tilespmem:v4+s14+$0x0] =	vst.idx.msk $0xffff, v3  }
0xe8: {  	v2 =	vadd.s32 v25, v15;
	v0 =	vld [tilespmem:s23+$0xFFFFFF90]  }
0xe9: {  	v4 =	vadd.s32 v26, v15;
	v3 =	vld [tilespmem:s23+$0xFFFFFFA0];
	_ =	sdelay $0x3  }
0xea: {  	[tilespmem:v2+s14+$0x0] =	vst.idx.msk $0xffff, v0  }
0xeb: {  	[tilespmem:v4+s14+$0x0] =	vst.idx.msk $0xffff, v3  }
0xec: {  	v2 =	vadd.s32 v27, v15;
	v0 =	vld [tilespmem:s23+$0xFFFFFFB0]  }
0xed: {  	v4 =	vadd.s32 v28, v15;
	v3 =	vld [tilespmem:s23+$0xFFFFFFC0];
	_ =	sdelay $0x3  }
0xee: {  	[tilespmem:v2+s14+$0x0] =	vst.idx.msk $0xffff, v0  }
0xef: {  	[tilespmem:v4+s14+$0x0] =	vst.idx.msk $0xffff, v3  }
0xf0: {  	v2 =	vadd.s32 v29, v15;
	v0 =	vld [tilespmem:s23+$0xFFFFFFD0]  }
0xf1: {  	v4 =	vadd.s32 v30, v15;
	v3 =	vld [tilespmem:s23+$0xFFFFFFE0]  }
0xf2: {  	p1 =	por $0x1, $0x1  }
.Ltmp1:
0xf3: {  	_ = 	snop;
	(pc) =	sbr.rel @!p1 .LBB2_7-.Ltmp1, $4  }
0xf4: {  	_ = 	snop  }
0xf5: {  	[tilespmem:v2+s14+$0x0] =	vst.idx.msk $0xffff, v0  }
0xf6: {  	[tilespmem:v4+s14+$0x0] =	vst.idx.msk $0xffff, v3  }
0xf7: {  	v0 =	vadd.s32 v32, v15;
	v3 =	vadd.s32 v31, v15;
	v2 =	vld [tilespmem:s23+$0xFFFFFFF0]  }
0xf8: {  	s24 =	simm.s32 $0x8;
	v4 =	vld [tilespmem:s23+$0x0]  }
0xf9: {  	v5 =	vmov s24  }
0xfa: {  	v5 =	vshrl.u32 v5, $0x3  }
0xfb: {  	v5 =	vshll.u32 v5, $0x3  }
0xfc: {  	v5 =	vbroadcast v5, $0x0;
	[tilespmem:v3+s14+$0x0] =	vst.idx.msk $0xffff, v2  }
0xfd: {  	s23 =	simm.s32 $0x75F0;
	[tilespmem:v0+s14+$0x0] =	vst.idx.msk $0xffff, v4  }
0xfe: {  	v0 =	vld [tilespmem:s23+$0xFFFFFF10];
	v2 =	vadd.s32 v22, v5  }
0xff: {  	v3 =	vld [tilespmem:s23+$0xFFFFFF20];
	v4 =	vadd.s32 v10, v5;
	_ =	sdelay $0x3  }
0x100: {  	[tilespmem:v2+s14+$0x0] =	vst.idx.msk $0xffff, v0  }
0x101: {  	[tilespmem:v4+s14+$0x0] =	vst.idx.msk $0xffff, v3  }
0x102: {  	v2 =	vadd.s32 v11, v5;
	v0 =	vld [tilespmem:s23+$0xFFFFFF30]  }
0x103: {  	v4 =	vadd.s32 v12, v5;
	v3 =	vld [tilespmem:s23+$0xFFFFFF40];
	_ =	sdelay $0x3  }
0x104: {  	[tilespmem:v2+s14+$0x0] =	vst.idx.msk $0xffff, v0  }
0x105: {  	[tilespmem:v4+s14+$0x0] =	vst.idx.msk $0xffff, v3  }
0x106: {  	v2 =	vadd.s32 v13, v5;
	v0 =	vld [tilespmem:s23+$0xFFFFFF50]  }
0x107: {  	v4 =	vadd.s32 v14, v5;
	v3 =	vld [tilespmem:s23+$0xFFFFFF60];
	_ =	sdelay $0x3  }
0x108: {  	[tilespmem:v2+s14+$0x0] =	vst.idx.msk $0xffff, v0  }
0x109: {  	[tilespmem:v4+s14+$0x0] =	vst.idx.msk $0xffff, v3  }
0x10a: {  	v2 =	vadd.s32 v23, v5;
	v0 =	vld [tilespmem:s23+$0xFFFFFF70]  }
0x10b: {  	v4 =	vadd.s32 v24, v5;
	v3 =	vld [tilespmem:s23+$0xFFFFFF80];
	_ =	sdelay $0x3  }
0x10c: {  	[tilespmem:v2+s14+$0x0] =	vst.idx.msk $0xffff, v0  }
0x10d: {  	[tilespmem:v4+s14+$0x0] =	vst.idx.msk $0xffff, v3  }
0x10e: {  	v2 =	vadd.s32 v25, v5;
	v0 =	vld [tilespmem:s23+$0xFFFFFF90]  }
0x10f: {  	v4 =	vadd.s32 v26, v5;
	v3 =	vld [tilespmem:s23+$0xFFFFFFA0];
	_ =	sdelay $0x3  }
0x110: {  	[tilespmem:v2+s14+$0x0] =	vst.idx.msk $0xffff, v0  }
0x111: {  	[tilespmem:v4+s14+$0x0] =	vst.idx.msk $0xffff, v3  }
0x112: {  	v2 =	vadd.s32 v27, v5;
	v0 =	vld [tilespmem:s23+$0xFFFFFFB0]  }
0x113: {  	v4 =	vadd.s32 v28, v5;
	v3 =	vld [tilespmem:s23+$0xFFFFFFC0];
	_ =	sdelay $0x3  }
0x114: {  	[tilespmem:v2+s14+$0x0] =	vst.idx.msk $0xffff, v0  }
0x115: {  	[tilespmem:v4+s14+$0x0] =	vst.idx.msk $0xffff, v3  }
0x116: {  	v2 =	vadd.s32 v29, v5;
	v0 =	vld [tilespmem:s23+$0xFFFFFFD0]  }
0x117: {  	v4 =	vadd.s32 v30, v5;
	v3 =	vld [tilespmem:s23+$0xFFFFFFE0]  }
0x118: {  	p2 =	por $0x1, $0x1  }
.Ltmp2:
0x119: {  	_ = 	snop;
	(pc) =	sbr.rel @!p2 .LBB2_7-.Ltmp2, $4  }
0x11a: {  	_ = 	snop  }
0x11b: {  	[tilespmem:v2+s14+$0x0] =	vst.idx.msk $0xffff, v0  }
0x11c: {  	[tilespmem:v4+s14+$0x0] =	vst.idx.msk $0xffff, v3  }
0x11d: {  	v0 =	vadd.s32 v32, v5;
	v3 =	vadd.s32 v31, v5;
	v2 =	vld [tilespmem:s23+$0xFFFFFFF0]  }
.LBB2_6:
0x11e: {  	s24 =	sadd.s32 $0x8, s24;
	v4 =	vld [tilespmem:s23+$0x0]  }
0x11f: {  	v5 =	vmov s24;
	p2 =	slt.u32 s24, $0x78  }
0x120: {  	v5 =	vshrl.u32 v5, $0x3  }
0x121: {  	v5 =	vshll.u32 v5, $0x3  }
0x122: {  	v5 =	vbroadcast v5, $0x0;
	[tilespmem:v3+s14+$0x0] =	vst.idx.msk $0xffff, v2  }
0x123: {  	s23 =	sadd.s32 $0x100, s23;
	[tilespmem:v0+s14+$0x0] =	vst.idx.msk $0xffff, v4  }
0x124: {  	v2 =	vld [tilespmem:s23+$0xFFFFFF10];
	v3 =	vadd.s32 v22, v5;
	v0 =	vadd.s32 v32, v5  }
0x125: {  	v6 =	vadd.s32 v10, v5;
	v4 =	vld [tilespmem:s23+$0xFFFFFF20];
	_ =	sdelay $0x3  }
0x126: {  	[tilespmem:v3+s14+$0x0] =	vst.idx.msk $0xffff, v2  }
0x127: {  	[tilespmem:v6+s14+$0x0] =	vst.idx.msk $0xffff, v4  }
0x128: {  	v3 =	vadd.s32 v11, v5;
	v2 =	vld [tilespmem:s23+$0xFFFFFF30]  }
0x129: {  	v6 =	vadd.s32 v12, v5;
	v4 =	vld [tilespmem:s23+$0xFFFFFF40];
	_ =	sdelay $0x3  }
0x12a: {  	[tilespmem:v3+s14+$0x0] =	vst.idx.msk $0xffff, v2  }
0x12b: {  	[tilespmem:v6+s14+$0x0] =	vst.idx.msk $0xffff, v4  }
0x12c: {  	v3 =	vadd.s32 v13, v5;
	v2 =	vld [tilespmem:s23+$0xFFFFFF50]  }
0x12d: {  	v6 =	vadd.s32 v14, v5;
	v4 =	vld [tilespmem:s23+$0xFFFFFF60];
	_ =	sdelay $0x3  }
0x12e: {  	[tilespmem:v3+s14+$0x0] =	vst.idx.msk $0xffff, v2  }
0x12f: {  	[tilespmem:v6+s14+$0x0] =	vst.idx.msk $0xffff, v4  }
0x130: {  	v3 =	vadd.s32 v23, v5;
	v2 =	vld [tilespmem:s23+$0xFFFFFF70]  }
0x131: {  	v6 =	vadd.s32 v24, v5;
	v4 =	vld [tilespmem:s23+$0xFFFFFF80];
	_ =	sdelay $0x3  }
0x132: {  	[tilespmem:v3+s14+$0x0] =	vst.idx.msk $0xffff, v2  }
0x133: {  	[tilespmem:v6+s14+$0x0] =	vst.idx.msk $0xffff, v4  }
0x134: {  	v3 =	vadd.s32 v25, v5;
	v2 =	vld [tilespmem:s23+$0xFFFFFF90]  }
0x135: {  	v6 =	vadd.s32 v26, v5;
	v4 =	vld [tilespmem:s23+$0xFFFFFFA0];
	_ =	sdelay $0x3  }
0x136: {  	[tilespmem:v3+s14+$0x0] =	vst.idx.msk $0xffff, v2  }
0x137: {  	[tilespmem:v6+s14+$0x0] =	vst.idx.msk $0xffff, v4  }
0x138: {  	v3 =	vadd.s32 v27, v5;
	v2 =	vld [tilespmem:s23+$0xFFFFFFB0]  }
0x139: {  	v6 =	vadd.s32 v28, v5;
	v4 =	vld [tilespmem:s23+$0xFFFFFFC0];
	_ =	sdelay $0x3  }
0x13a: {  	[tilespmem:v3+s14+$0x0] =	vst.idx.msk $0xffff, v2  }
0x13b: {  	[tilespmem:v6+s14+$0x0] =	vst.idx.msk $0xffff, v4  }
0x13c: {  	v3 =	vadd.s32 v29, v5;
	v2 =	vld [tilespmem:s23+$0xFFFFFFD0]  }
0x13d: {  	v6 =	vadd.s32 v30, v5;
	v4 =	vld [tilespmem:s23+$0xFFFFFFE0];
	_ =	sdelay $0x1  }
.Ltmp3:
0x13e: {  	(pc) =	sbr.rel @p2 .LBB2_6-.Ltmp3, $4  }
0x13f: {  	_ = 	snop  }
0x140: {  	[tilespmem:v3+s14+$0x0] =	vst.idx.msk $0xffff, v2  }
0x141: {  	[tilespmem:v6+s14+$0x0] =	vst.idx.msk $0xffff, v4  }
0x142: {  	v3 =	vadd.s32 v31, v5;
	v2 =	vld [tilespmem:s23+$0xFFFFFFF0]  }
.LBB2_7:
0x143: {  	v4 =	vld [tilespmem:s23+$0x0];
	_ =	sdelay $0x3  }
0x144: {  	[tilespmem:v3+s14+$0x0] =	vst.idx.msk $0xffff, v2  }
0x145: {  	s23 =	simm.s32 $0x84F0;
	[tilespmem:v0+s14+$0x0] =	vst.idx.msk $0xffff, v4  }
0x146: {  	v2 =	vadd.s32 v33, v15;
	v0 =	vld [tilespmem:s23+$0xFFFFFF10]  }
0x147: {  	v4 =	vadd.s32 v34, v15;
	v3 =	vld [tilespmem:s23+$0xFFFFFF20];
	_ =	sdelay $0x3  }
0x148: {  	[tilespmem:v2+s14+$0x0] =	vst.idx.msk $0xffff, v0  }
0x149: {  	[tilespmem:v4+s14+$0x0] =	vst.idx.msk $0xffff, v3  }
0x14a: {  	v2 =	vadd.s32 v35, v15;
	v0 =	vld [tilespmem:s23+$0xFFFFFF30]  }
0x14b: {  	v4 =	vadd.s32 v36, v15;
	v3 =	vld [tilespmem:s23+$0xFFFFFF40];
	_ =	sdelay $0x3  }
0x14c: {  	[tilespmem:v2+s14+$0x0] =	vst.idx.msk $0xffff, v0  }
0x14d: {  	[tilespmem:v4+s14+$0x0] =	vst.idx.msk $0xffff, v3  }
0x14e: {  	v2 =	vadd.s32 v37, v15;
	v0 =	vld [tilespmem:s23+$0xFFFFFF50]  }
0x14f: {  	v4 =	vadd.s32 v38, v15;
	v3 =	vld [tilespmem:s23+$0xFFFFFF60];
	_ =	sdelay $0x3  }
0x150: {  	[tilespmem:v2+s14+$0x0] =	vst.idx.msk $0xffff, v0  }
0x151: {  	[tilespmem:v4+s14+$0x0] =	vst.idx.msk $0xffff, v3  }
0x152: {  	v2 =	vadd.s32 v39, v15;
	v0 =	vld [tilespmem:s23+$0xFFFFFF70]  }
0x153: {  	v4 =	vadd.s32 v40, v15;
	v3 =	vld [tilespmem:s23+$0xFFFFFF80];
	_ =	sdelay $0x3  }
0x154: {  	[tilespmem:v2+s14+$0x0] =	vst.idx.msk $0xffff, v0  }
0x155: {  	[tilespmem:v4+s14+$0x0] =	vst.idx.msk $0xffff, v3  }
0x156: {  	v2 =	vadd.s32 v41, v15;
	v0 =	vld [tilespmem:s23+$0xFFFFFF90]  }
0x157: {  	v4 =	vadd.s32 v42, v15;
	v3 =	vld [tilespmem:s23+$0xFFFFFFA0];
	_ =	sdelay $0x3  }
0x158: {  	[tilespmem:v2+s14+$0x0] =	vst.idx.msk $0xffff, v0  }
0x159: {  	[tilespmem:v4+s14+$0x0] =	vst.idx.msk $0xffff, v3  }
0x15a: {  	v2 =	vadd.s32 v43, v15;
	v0 =	vld [tilespmem:s23+$0xFFFFFFB0]  }
0x15b: {  	v4 =	vadd.s32 v44, v15;
	v3 =	vld [tilespmem:s23+$0xFFFFFFC0];
	_ =	sdelay $0x3  }
0x15c: {  	[tilespmem:v2+s14+$0x0] =	vst.idx.msk $0xffff, v0  }
0x15d: {  	[tilespmem:v4+s14+$0x0] =	vst.idx.msk $0xffff, v3  }
0x15e: {  	v2 =	vadd.s32 v45, v15;
	v0 =	vld [tilespmem:s23+$0xFFFFFFD0]  }
0x15f: {  	v4 =	vadd.s32 v46, v15;
	v3 =	vld [tilespmem:s23+$0xFFFFFFE0];
	_ =	sdelay $0x1  }
.Ltmp4:
0x160: {  	_ = 	snop;
	(pc) =	sbr.rel @!p1 .LBB2_10-.Ltmp4, $4  }
0x161: {  	_ = 	snop  }
0x162: {  	[tilespmem:v2+s14+$0x0] =	vst.idx.msk $0xffff, v0  }
0x163: {  	[tilespmem:v4+s14+$0x0] =	vst.idx.msk $0xffff, v3  }
0x164: {  	v0 =	vadd.s32 v48, v15;
	v3 =	vadd.s32 v47, v15;
	v2 =	vld [tilespmem:s23+$0xFFFFFFF0]  }
0x165: {  	s24 =	simm.s32 $0x8;
	v4 =	vld [tilespmem:s23+$0x0]  }
0x166: {  	v5 =	vmov s24  }
0x167: {  	v5 =	vshrl.u32 v5, $0x3  }
0x168: {  	v5 =	vshll.u32 v5, $0x3  }
0x169: {  	v5 =	vbroadcast v5, $0x0;
	[tilespmem:v3+s14+$0x0] =	vst.idx.msk $0xffff, v2  }
0x16a: {  	s23 =	simm.s32 $0x85F0;
	[tilespmem:v0+s14+$0x0] =	vst.idx.msk $0xffff, v4  }
0x16b: {  	v0 =	vld [tilespmem:s23+$0xFFFFFF10];
	v2 =	vadd.s32 v33, v5  }
0x16c: {  	v3 =	vld [tilespmem:s23+$0xFFFFFF20];
	v4 =	vadd.s32 v34, v5;
	_ =	sdelay $0x3  }
0x16d: {  	[tilespmem:v2+s14+$0x0] =	vst.idx.msk $0xffff, v0  }
0x16e: {  	[tilespmem:v4+s14+$0x0] =	vst.idx.msk $0xffff, v3  }
0x16f: {  	v2 =	vadd.s32 v35, v5;
	v0 =	vld [tilespmem:s23+$0xFFFFFF30]  }
0x170: {  	v4 =	vadd.s32 v36, v5;
	v3 =	vld [tilespmem:s23+$0xFFFFFF40];
	_ =	sdelay $0x3  }
0x171: {  	[tilespmem:v2+s14+$0x0] =	vst.idx.msk $0xffff, v0  }
0x172: {  	[tilespmem:v4+s14+$0x0] =	vst.idx.msk $0xffff, v3  }
0x173: {  	v2 =	vadd.s32 v37, v5;
	v0 =	vld [tilespmem:s23+$0xFFFFFF50]  }
0x174: {  	v4 =	vadd.s32 v38, v5;
	v3 =	vld [tilespmem:s23+$0xFFFFFF60];
	_ =	sdelay $0x3  }
0x175: {  	[tilespmem:v2+s14+$0x0] =	vst.idx.msk $0xffff, v0  }
0x176: {  	[tilespmem:v4+s14+$0x0] =	vst.idx.msk $0xffff, v3  }
0x177: {  	v2 =	vadd.s32 v39, v5;
	v0 =	vld [tilespmem:s23+$0xFFFFFF70]  }
0x178: {  	v4 =	vadd.s32 v40, v5;
	v3 =	vld [tilespmem:s23+$0xFFFFFF80];
	_ =	sdelay $0x3  }
0x179: {  	[tilespmem:v2+s14+$0x0] =	vst.idx.msk $0xffff, v0  }
0x17a: {  	[tilespmem:v4+s14+$0x0] =	vst.idx.msk $0xffff, v3  }
0x17b: {  	v2 =	vadd.s32 v41, v5;
	v0 =	vld [tilespmem:s23+$0xFFFFFF90]  }
0x17c: {  	v4 =	vadd.s32 v42, v5;
	v3 =	vld [tilespmem:s23+$0xFFFFFFA0];
	_ =	sdelay $0x3  }
0x17d: {  	[tilespmem:v2+s14+$0x0] =	vst.idx.msk $0xffff, v0  }
0x17e: {  	[tilespmem:v4+s14+$0x0] =	vst.idx.msk $0xffff, v3  }
0x17f: {  	v2 =	vadd.s32 v43, v5;
	v0 =	vld [tilespmem:s23+$0xFFFFFFB0]  }
0x180: {  	v4 =	vadd.s32 v44, v5;
	v3 =	vld [tilespmem:s23+$0xFFFFFFC0];
	_ =	sdelay $0x3  }
0x181: {  	[tilespmem:v2+s14+$0x0] =	vst.idx.msk $0xffff, v0  }
0x182: {  	[tilespmem:v4+s14+$0x0] =	vst.idx.msk $0xffff, v3  }
0x183: {  	v2 =	vadd.s32 v45, v5;
	v0 =	vld [tilespmem:s23+$0xFFFFFFD0]  }
0x184: {  	v4 =	vadd.s32 v46, v5;
	v3 =	vld [tilespmem:s23+$0xFFFFFFE0]  }
0x185: {  	p1 =	por $0x1, $0x1  }
.Ltmp5:
0x186: {  	_ = 	snop;
	(pc) =	sbr.rel @!p1 .LBB2_10-.Ltmp5, $4  }
0x187: {  	_ = 	snop  }
0x188: {  	[tilespmem:v2+s14+$0x0] =	vst.idx.msk $0xffff, v0  }
0x189: {  	[tilespmem:v4+s14+$0x0] =	vst.idx.msk $0xffff, v3  }
0x18a: {  	v0 =	vadd.s32 v48, v5;
	v3 =	vadd.s32 v47, v5;
	v2 =	vld [tilespmem:s23+$0xFFFFFFF0]  }
.LBB2_9:
0x18b: {  	s24 =	sadd.s32 $0x8, s24;
	v4 =	vld [tilespmem:s23+$0x0]  }
0x18c: {  	v5 =	vmov s24;
	p1 =	slt.u32 s24, $0x78  }
0x18d: {  	v5 =	vshrl.u32 v5, $0x3  }
0x18e: {  	v5 =	vshll.u32 v5, $0x3  }
0x18f: {  	v5 =	vbroadcast v5, $0x0;
	[tilespmem:v3+s14+$0x0] =	vst.idx.msk $0xffff, v2  }
0x190: {  	s23 =	sadd.s32 $0x100, s23;
	[tilespmem:v0+s14+$0x0] =	vst.idx.msk $0xffff, v4  }
0x191: {  	v2 =	vld [tilespmem:s23+$0xFFFFFF10];
	v3 =	vadd.s32 v33, v5;
	v0 =	vadd.s32 v48, v5  }
0x192: {  	v6 =	vadd.s32 v34, v5;
	v4 =	vld [tilespmem:s23+$0xFFFFFF20];
	_ =	sdelay $0x3  }
0x193: {  	[tilespmem:v3+s14+$0x0] =	vst.idx.msk $0xffff, v2  }
0x194: {  	[tilespmem:v6+s14+$0x0] =	vst.idx.msk $0xffff, v4  }
0x195: {  	v3 =	vadd.s32 v35, v5;
	v2 =	vld [tilespmem:s23+$0xFFFFFF30]  }
0x196: {  	v6 =	vadd.s32 v36, v5;
	v4 =	vld [tilespmem:s23+$0xFFFFFF40];
	_ =	sdelay $0x3  }
0x197: {  	[tilespmem:v3+s14+$0x0] =	vst.idx.msk $0xffff, v2  }
0x198: {  	[tilespmem:v6+s14+$0x0] =	vst.idx.msk $0xffff, v4  }
0x199: {  	v3 =	vadd.s32 v37, v5;
	v2 =	vld [tilespmem:s23+$0xFFFFFF50]  }
0x19a: {  	v6 =	vadd.s32 v38, v5;
	v4 =	vld [tilespmem:s23+$0xFFFFFF60];
	_ =	sdelay $0x3  }
0x19b: {  	[tilespmem:v3+s14+$0x0] =	vst.idx.msk $0xffff, v2  }
0x19c: {  	[tilespmem:v6+s14+$0x0] =	vst.idx.msk $0xffff, v4  }
0x19d: {  	v3 =	vadd.s32 v39, v5;
	v2 =	vld [tilespmem:s23+$0xFFFFFF70]  }
0x19e: {  	v6 =	vadd.s32 v40, v5;
	v4 =	vld [tilespmem:s23+$0xFFFFFF80];
	_ =	sdelay $0x3  }
0x19f: {  	[tilespmem:v3+s14+$0x0] =	vst.idx.msk $0xffff, v2  }
0x1a0: {  	[tilespmem:v6+s14+$0x0] =	vst.idx.msk $0xffff, v4  }
0x1a1: {  	v3 =	vadd.s32 v41, v5;
	v2 =	vld [tilespmem:s23+$0xFFFFFF90]  }
0x1a2: {  	v6 =	vadd.s32 v42, v5;
	v4 =	vld [tilespmem:s23+$0xFFFFFFA0];
	_ =	sdelay $0x3  }
0x1a3: {  	[tilespmem:v3+s14+$0x0] =	vst.idx.msk $0xffff, v2  }
0x1a4: {  	[tilespmem:v6+s14+$0x0] =	vst.idx.msk $0xffff, v4  }
0x1a5: {  	v3 =	vadd.s32 v43, v5;
	v2 =	vld [tilespmem:s23+$0xFFFFFFB0]  }
0x1a6: {  	v6 =	vadd.s32 v44, v5;
	v4 =	vld [tilespmem:s23+$0xFFFFFFC0];
	_ =	sdelay $0x3  }
0x1a7: {  	[tilespmem:v3+s14+$0x0] =	vst.idx.msk $0xffff, v2  }
0x1a8: {  	[tilespmem:v6+s14+$0x0] =	vst.idx.msk $0xffff, v4  }
0x1a9: {  	v3 =	vadd.s32 v45, v5;
	v2 =	vld [tilespmem:s23+$0xFFFFFFD0]  }
0x1aa: {  	v6 =	vadd.s32 v46, v5;
	v4 =	vld [tilespmem:s23+$0xFFFFFFE0];
	_ =	sdelay $0x1  }
.Ltmp6:
0x1ab: {  	(pc) =	sbr.rel @p1 .LBB2_9-.Ltmp6, $4  }
0x1ac: {  	_ = 	snop  }
0x1ad: {  	[tilespmem:v3+s14+$0x0] =	vst.idx.msk $0xffff, v2  }
0x1ae: {  	[tilespmem:v6+s14+$0x0] =	vst.idx.msk $0xffff, v4  }
0x1af: {  	v3 =	vadd.s32 v47, v5;
	v2 =	vld [tilespmem:s23+$0xFFFFFFF0]  }
.LBB2_10:
0x1b0: {  	v4 =	vld [tilespmem:s23+$0x0];
	s23 =	simm.s32 $0x0  }
0x1b1: {  	v5 =	vmov s23  }
0x1b2: {  	v5 =	vshrl.u32 v5, $0x3  }
0x1b3: {  	v5 =	vshll.u32 v5, $0x3  }
0x1b4: {  	[tilespmem:v3+s14+$0x0] =	vst.idx.msk $0xffff, v2;
	v5 =	vbroadcast v5, $0x0  }
0x1b5: {  	s24 =	simm.s32 $0x94F0;
	[tilespmem:v0+s14+$0x0] =	vst.idx.msk $0xffff, v4  }
0x1b6: {  	v0 =	vld [tilespmem:s24+$0xFFFFFF10];
	v2 =	vadd.s32 v49, v5  }
0x1b7: {  	v3 =	vld [tilespmem:s24+$0xFFFFFF20];
	v4 =	vadd.s32 v50, v5;
	_ =	sdelay $0x3  }
0x1b8: {  	[tilespmem:v2+s14+$0x0] =	vst.idx.msk $0xffff, v0  }
0x1b9: {  	[tilespmem:v4+s14+$0x0] =	vst.idx.msk $0xffff, v3  }
0x1ba: {  	v2 =	vadd.s32 v51, v5;
	v0 =	vld [tilespmem:s24+$0xFFFFFF30]  }
0x1bb: {  	v4 =	vadd.s32 v52, v5;
	v3 =	vld [tilespmem:s24+$0xFFFFFF40];
	_ =	sdelay $0x3  }
0x1bc: {  	[tilespmem:v2+s14+$0x0] =	vst.idx.msk $0xffff, v0  }
0x1bd: {  	[tilespmem:v4+s14+$0x0] =	vst.idx.msk $0xffff, v3  }
0x1be: {  	v2 =	vadd.s32 v53, v5;
	v0 =	vld [tilespmem:s24+$0xFFFFFF50]  }
0x1bf: {  	v4 =	vadd.s32 v54, v5;
	v3 =	vld [tilespmem:s24+$0xFFFFFF60];
	_ =	sdelay $0x3  }
0x1c0: {  	[tilespmem:v2+s14+$0x0] =	vst.idx.msk $0xffff, v0  }
0x1c1: {  	[tilespmem:v4+s14+$0x0] =	vst.idx.msk $0xffff, v3  }
0x1c2: {  	v2 =	vadd.s32 v55, v5;
	v0 =	vld [tilespmem:s24+$0xFFFFFF70]  }
0x1c3: {  	v4 =	vadd.s32 v56, v5;
	v3 =	vld [tilespmem:s24+$0xFFFFFF80];
	_ =	sdelay $0x3  }
0x1c4: {  	[tilespmem:v2+s14+$0x0] =	vst.idx.msk $0xffff, v0  }
0x1c5: {  	[tilespmem:v4+s14+$0x0] =	vst.idx.msk $0xffff, v3  }
0x1c6: {  	v2 =	vadd.s32 v57, v5;
	v0 =	vld [tilespmem:s24+$0xFFFFFF90]  }
0x1c7: {  	v4 =	vadd.s32 v58, v5;
	v3 =	vld [tilespmem:s24+$0xFFFFFFA0];
	_ =	sdelay $0x3  }
0x1c8: {  	[tilespmem:v2+s14+$0x0] =	vst.idx.msk $0xffff, v0  }
0x1c9: {  	[tilespmem:v4+s14+$0x0] =	vst.idx.msk $0xffff, v3  }
0x1ca: {  	v2 =	vadd.s32 v59, v5;
	v0 =	vld [tilespmem:s24+$0xFFFFFFB0]  }
0x1cb: {  	v4 =	vadd.s32 v60, v5;
	v3 =	vld [tilespmem:s24+$0xFFFFFFC0];
	_ =	sdelay $0x3  }
0x1cc: {  	[tilespmem:v2+s14+$0x0] =	vst.idx.msk $0xffff, v0  }
0x1cd: {  	[tilespmem:v4+s14+$0x0] =	vst.idx.msk $0xffff, v3  }
0x1ce: {  	v2 =	vadd.s32 v61, v5;
	v0 =	vld [tilespmem:s24+$0xFFFFFFD0]  }
0x1cf: {  	v4 =	vadd.s32 v62, v5;
	v3 =	vld [tilespmem:s24+$0xFFFFFFE0];
	_ =	sdelay $0x3  }
0x1d0: {  	[tilespmem:v2+s14+$0x0] =	vst.idx.msk $0xffff, v0  }
0x1d1: {  	v0 =	vadd.s32 $0x3B87, v7;
	[tilespmem:v4+s14+$0x0] =	vst.idx.msk $0xffff, v3  }
0x1d2: {  	v2 =	vadd.s32 v0, v5;
	v4 =	vadd.s32 v63, v5;
	v3 =	vld [tilespmem:s24+$0xFFFFFFF0]  }
.LBB2_11:
0x1d3: {  	s23 =	sadd.s32 $0x8, s23;
	v5 =	vld [tilespmem:s24+$0x0]  }
0x1d4: {  	v6 =	vmov s23;
	p1 =	slt.u32 s23, $0x78  }
0x1d5: {  	v6 =	vshrl.u32 v6, $0x3  }
0x1d6: {  	v6 =	vshll.u32 v6, $0x3  }
0x1d7: {  	v6 =	vbroadcast v6, $0x0;
	[tilespmem:v4+s14+$0x0] =	vst.idx.msk $0xffff, v3  }
0x1d8: {  	s24 =	sadd.s32 $0x100, s24;
	[tilespmem:v2+s14+$0x0] =	vst.idx.msk $0xffff, v5  }
0x1d9: {  	v3 =	vld [tilespmem:s24+$0xFFFFFF10];
	v4 =	vadd.s32 v49, v6;
	v2 =	vadd.s32 v0, v6  }
0x1da: {  	v7 =	vadd.s32 v50, v6;
	v5 =	vld [tilespmem:s24+$0xFFFFFF20];
	_ =	sdelay $0x3  }
0x1db: {  	[tilespmem:v4+s14+$0x0] =	vst.idx.msk $0xffff, v3  }
0x1dc: {  	[tilespmem:v7+s14+$0x0] =	vst.idx.msk $0xffff, v5  }
0x1dd: {  	v4 =	vadd.s32 v51, v6;
	v3 =	vld [tilespmem:s24+$0xFFFFFF30]  }
0x1de: {  	v7 =	vadd.s32 v52, v6;
	v5 =	vld [tilespmem:s24+$0xFFFFFF40];
	_ =	sdelay $0x3  }
0x1df: {  	[tilespmem:v4+s14+$0x0] =	vst.idx.msk $0xffff, v3  }
0x1e0: {  	[tilespmem:v7+s14+$0x0] =	vst.idx.msk $0xffff, v5  }
0x1e1: {  	v4 =	vadd.s32 v53, v6;
	v3 =	vld [tilespmem:s24+$0xFFFFFF50]  }
0x1e2: {  	v7 =	vadd.s32 v54, v6;
	v5 =	vld [tilespmem:s24+$0xFFFFFF60];
	_ =	sdelay $0x3  }
0x1e3: {  	[tilespmem:v4+s14+$0x0] =	vst.idx.msk $0xffff, v3  }
0x1e4: {  	[tilespmem:v7+s14+$0x0] =	vst.idx.msk $0xffff, v5  }
0x1e5: {  	v4 =	vadd.s32 v55, v6;
	v3 =	vld [tilespmem:s24+$0xFFFFFF70]  }
0x1e6: {  	v7 =	vadd.s32 v56, v6;
	v5 =	vld [tilespmem:s24+$0xFFFFFF80];
	_ =	sdelay $0x3  }
0x1e7: {  	[tilespmem:v4+s14+$0x0] =	vst.idx.msk $0xffff, v3  }
0x1e8: {  	[tilespmem:v7+s14+$0x0] =	vst.idx.msk $0xffff, v5  }
0x1e9: {  	v4 =	vadd.s32 v57, v6;
	v3 =	vld [tilespmem:s24+$0xFFFFFF90]  }
0x1ea: {  	v7 =	vadd.s32 v58, v6;
	v5 =	vld [tilespmem:s24+$0xFFFFFFA0];
	_ =	sdelay $0x3  }
0x1eb: {  	[tilespmem:v4+s14+$0x0] =	vst.idx.msk $0xffff, v3  }
0x1ec: {  	[tilespmem:v7+s14+$0x0] =	vst.idx.msk $0xffff, v5  }
0x1ed: {  	v4 =	vadd.s32 v59, v6;
	v3 =	vld [tilespmem:s24+$0xFFFFFFB0]  }
0x1ee: {  	v7 =	vadd.s32 v60, v6;
	v5 =	vld [tilespmem:s24+$0xFFFFFFC0];
	_ =	sdelay $0x3  }
0x1ef: {  	[tilespmem:v4+s14+$0x0] =	vst.idx.msk $0xffff, v3  }
0x1f0: {  	[tilespmem:v7+s14+$0x0] =	vst.idx.msk $0xffff, v5  }
0x1f1: {  	v4 =	vadd.s32 v61, v6;
	v3 =	vld [tilespmem:s24+$0xFFFFFFD0]  }
0x1f2: {  	v7 =	vadd.s32 v62, v6;
	v5 =	vld [tilespmem:s24+$0xFFFFFFE0];
	_ =	sdelay $0x1  }
.Ltmp7:
0x1f3: {  	(pc) =	sbr.rel @p1 .LBB2_11-.Ltmp7, $4  }
0x1f4: {  	_ = 	snop  }
0x1f5: {  	[tilespmem:v4+s14+$0x0] =	vst.idx.msk $0xffff, v3  }
0x1f6: {  	[tilespmem:v7+s14+$0x0] =	vst.idx.msk $0xffff, v5  }
0x1f7: {  	v4 =	vadd.s32 v63, v6;
	v3 =	vld [tilespmem:s24+$0xFFFFFFF0]  }
0x1f8: {  	v5 =	vld [tilespmem:s24+$0x0]  }
0x1f9: {  	s22 =	sadd.s32 s5, s22  }
0x1fa: {  	s23 =	sshll.u32 s22, $0x6  }
0x1fb: {  	s22 =	sshll.u32 s22, $0xB;
	s23 =	sand.u32 $0xF80, s23  }
0x1fc: {  	s22 =	sand.u32 $0xFFE0000, s22;
	s23 =	sadd.s32 s1, s23;
	[tilespmem:v4+s14+$0x0] =	vst.idx.msk $0xffff, v3  }
0x1fd: {  	s24 =	simm.s32 $0xE400;
	s23 =	sadd.s32 s22, s23;
	[tilespmem:v2+s14+$0x0] =	vst.idx.msk $0xffff, v5  }
0x1fe: {  	[hbm4b:s23+s3] =	stream.linear.scatter [tilespmem:s24], [sflag:$0x3], $0x80, $0x38;
	[tilespmem:$0x16C00] =	vst v63  }
0x1ff: {  	s25 =	simm.s32 $0xE488;
	s26 =	sadd.s32 $0x10, s23  }
0x200: {  	[hbm4b:s26+s3] =	stream.linear.scatter [tilespmem:s25], [sflag:$0x3], $0x80, $0x38;
	[tilespmem:$0x16C00] =	vst v63  }
0x201: {  	s28 =	simm.s32 $0xE510;
	s30 =	simm.s32 $0xE598;
	s29 =	sadd.s32 $0x20, s23  }
0x202: {  	[hbm4b:s29+s3] =	stream.linear.scatter [tilespmem:s28], [sflag:$0x3], $0x80, $0x38;
	[tilespmem:$0x16C00] =	vst v63  }
0x203: {  	s22 =	simm.s32 $0x440;
	s31 =	sadd.s32 $0x30, s23;
	s24 =	simm.s32 $0x2200  }
0x204: {  	[hbm4b:s31+s3] =	stream.linear.scatter [tilespmem:s30], [sflag:$0x3], $0x80, $0x38;
	[tilespmem:$0x16C00] =	vst v63  }
0x205: {  	s25 =	simm.s32 $0xE620;
	s26 =	sadd.s32 $0x40, s23;
	s28 =	simm.s32 $0xE6A8  }
0x206: {  	[hbm4b:s26+s3] =	stream.linear.scatter [tilespmem:s25], [sflag:$0x3], $0x80, $0x38;
	[tilespmem:$0x16C00] =	vst v63  }
0x207: {  	s29 =	sadd.s32 $0x50, s23;
	s30 =	simm.s32 $0xE730;
	s31 =	sadd.s32 $0x60, s23  }
0x208: {  	[hbm4b:s29+s3] =	stream.linear.scatter [tilespmem:s28], [sflag:$0x3], $0x80, $0x38;
	[tilespmem:$0x16C00] =	vst v63  }
0x209: {  	s25 =	simm.s32 $0xE7B8;
	s26 =	sadd.s32 $0x70, s23;
	s23 =	sadd.s32 $0x1000, s23  }
0x20a: {  	v9 =	vmov v8;
	[hbm4b:s31+s3] =	stream.linear.scatter [tilespmem:s30], [sflag:$0x3], $0x80, $0x38;
	[tilespmem:$0x16C00] =	vst v63  }
.LBB2_13:
0x20b: {  	[hbm4b:s26+s3] =	stream.linear.scatter [tilespmem:s25], [sflag:$0x3], $0x80, $0x38;
	[tilespmem:$0x16C00] =	vst v63  }
0x20c: {  	s25 =	smov.u32 s22;
	s22 =	smov.u32 s24  }
0x20d: {  	s28 =	sadd.s32 $0x1100, s24;
	s22 =	sshra.s32 s22, $0x2;
	s26 =	sadd.s32 $0xE400, s25  }
0x20e: {  	[hbm4b:s23+s3] =	stream.linear.scatter [tilespmem:s26], [sflag:$0x3], $0x80, $0x38;
	[tilespmem:$0x16C00] =	vst v63  }
0x20f: {  	p1 =	sne.s32 s24, $0xFF00;
	s24 =	sadd.s32 $0xE488, s25;
	s26 =	sadd.s32 $0x10, s23  }
0x210: {  	[hbm4b:s26+s3] =	stream.linear.scatter [tilespmem:s24], [sflag:$0x3], $0x80, $0x38;
	[tilespmem:$0x16C00] =	vst v63  }
0x211: {  	s24 =	sadd.s32 $0xE510, s25;
	s26 =	sadd.s32 $0x20, s23  }
0x212: {  	[hbm4b:s26+s3] =	stream.linear.scatter [tilespmem:s24], [sflag:$0x3], $0x80, $0x38;
	[tilespmem:$0x16C00] =	vst v63  }
0x213: {  	s24 =	sadd.s32 $0xE598, s25;
	s26 =	sadd.s32 $0x30, s23  }
0x214: {  	[hbm4b:s26+s3] =	stream.linear.scatter [tilespmem:s24], [sflag:$0x3], $0x80, $0x38;
	[tilespmem:$0x16C00] =	vst v63  }
0x215: {  	s24 =	sadd.s32 $0xE620, s25;
	s26 =	sadd.s32 $0x40, s23  }
0x216: {  	[hbm4b:s26+s3] =	stream.linear.scatter [tilespmem:s24], [sflag:$0x3], $0x80, $0x38;
	[tilespmem:$0x16C00] =	vst v63  }
.Ltmp8:
0x217: {  	s24 =	sadd.s32 $0xE6A8, s25;
	s26 =	sadd.s32 $0x50, s23;
	(pc) =	sbr.rel @p1 .LBB2_13-.Ltmp8, $4  }
0x218: {  	[hbm4b:s26+s3] =	stream.linear.scatter [tilespmem:s24], [sflag:$0x3], $0x80, $0x38;
	[tilespmem:$0x16C00] =	vst v63  }
0x219: {  	s24 =	sadd.s32 $0xE730, s25;
	s26 =	sadd.s32 $0x60, s23;
	s25 =	sadd.s32 $0xE7B8, s25  }
0x21a: {  	[hbm4b:s26+s3] =	stream.linear.scatter [tilespmem:s24], [sflag:$0x3], $0x80, $0x38;
	[tilespmem:$0x16C00] =	vst v63  }
0x21b: {  	s26 =	sadd.s32 $0x70, s23;
	s23 =	sadd.s32 $0x1000, s23;
	s24 =	smov.u32 s28  }
0x21c: {  	[hbm4b:s26+s3] =	stream.linear.scatter [tilespmem:s25], [sflag:$0x3], $0x80, $0x38;
	[tilespmem:$0x16C00] =	vst v63  }
0x21d: {  	s24 =	sadd.s32 $0xE400, s22  }
0x21e: {  	[hbm4b:s23+s3] =	stream.linear.scatter [tilespmem:s24], [sflag:$0x3], $0x80, $0x38;
	[tilespmem:$0x16C00] =	vst v63  }
0x21f: {  	s30 =	sadd.s32 $0xE488, s22;
	s31 =	sadd.s32 $0x10, s23  }
0x220: {  	[hbm4b:s31+s3] =	stream.linear.scatter [tilespmem:s30], [sflag:$0x3], $0x80, $0x38;
	[tilespmem:$0x16C00] =	vst v63  }
0x221: {  	s25 =	sadd.s32 $0xE510, s22;
	s26 =	sadd.s32 $0x20, s23  }
0x222: {  	[hbm4b:s26+s3] =	stream.linear.scatter [tilespmem:s25], [sflag:$0x3], $0x80, $0x38;
	[tilespmem:$0x16C00] =	vst v63  }
0x223: {  	s28 =	sadd.s32 $0xE598, s22;
	s29 =	sadd.s32 $0x30, s23  }
0x224: {  	[hbm4b:s29+s3] =	stream.linear.scatter [tilespmem:s28], [sflag:$0x3], $0x80, $0x38;
	[tilespmem:$0x16C00] =	vst v63  }
0x225: {  	s30 =	sadd.s32 $0xE620, s22;
	s31 =	sadd.s32 $0x40, s23  }
0x226: {  	[hbm4b:s31+s3] =	stream.linear.scatter [tilespmem:s30], [sflag:$0x3], $0x80, $0x38;
	[tilespmem:$0x16C00] =	vst v63  }
0x227: {  	p1 =	sne.s32 s20, $0x18;
	s25 =	sadd.s32 $0xE6A8, s22;
	s26 =	sadd.s32 $0x50, s23  }
0x228: {  	[hbm4b:s26+s3] =	stream.linear.scatter [tilespmem:s25], [sflag:$0x3], $0x80, $0x38;
	[tilespmem:$0x16C00] =	vst v63  }
.Ltmp9:
0x229: {  	_ = 	snop;
	(pc) =	sbr.rel @p1 .LBB2_16-.Ltmp9, $4  }
0x22a: {  	s28 =	sadd.s32 $0xE730, s22;
	s29 =	sadd.s32 $0x60, s23  }
0x22b: {  	[hbm4b:s29+s3] =	stream.linear.scatter [tilespmem:s28], [sflag:$0x3], $0x80, $0x38;
	[tilespmem:$0x16C00] =	vst v63  }
0x22c: {  	v8 =	vld [tilespmem:$0x1FFE0];
	s30 =	sadd.s32 $0xE7B8, s22;
	s31 =	sadd.s32 $0x70, s23  }
0x22d: {  	[hbm4b:s31+s3] =	stream.linear.scatter [tilespmem:s30], [sflag:$0x3], $0x80, $0x38;
	[tilespmem:$0x16C00] =	vst v63  }
.Ltmp10:
0x22e: {  	(pc) =	sbr.rel .LBB2_17-.Ltmp10, $4  }
0x22f: {  	_ =	swait.ge [sflag:s15], $0x4000  }
0x230: {  	v7 =	vld [tilespmem:$0x1FFD0]  }
0x231: {  	[sflag:s15] =	ssyncset.done $0x0  }
0x232: {  	[sflag:s15] =	ssyncadd.s32 $0xFFFFC000  }
.LBB2_16:
0x233: {  	s22 =	sshll.u32 s20, $0xA  }
0x234: {  	s22 =	sand.u32 $0x3FFFFC00, s22  }
0x235: {  	s22 =	sadd.s32 $0x400, s22  }
0x236: {  	[tilespmem:s11], [sflag:$0x1] =	stream.indirect.gather [hbm4b:s4+s10], $0x20, s22, s10, $0xb8;
	[tilespmem:$0x16C00] =	vst v63  }
.Ltmp11:
0x237: {  	_ = 	snop;
	(pc) =	sbr.rel @p0 .LBB2_18-.Ltmp11, $4  }
0x238: {  	_ =	swait.ge [sflag:s15], $0x4000  }
0x239: {  	v7 =	vld [tilespmem:$0x1FFD0]  }
0x23a: {  	[sflag:s15] =	ssyncset.done $0x0  }
0x23b: {  	[sflag:s15] =	ssyncadd.s32 $0xFFFFC000  }
.LBB2_17:
0x23c: {  	_ =	swait.ge [sflag:s16], $0x4000  }
0x23d: {  	[sflag:s16] =	ssyncset.done $0x0  }
0x23e: {  	[sflag:s16] =	ssyncadd.s32 $0xFFFFC000  }
.LBB2_18:
0x23f: {  	s22 =	simm.s32 $0x0  }
0x240: {  	v2 =	vmov s22  }
0x241: {  	v2 =	vshrl.u32 v2, $0x3  }
0x242: {  	v2 =	vshll.u32 v2, v1  }
0x243: {  	v2 =	vbroadcast v2, $0x0  }
0x244: {  	s22 =	simm.s32 $0xA480  }
0x245: {  	v3 =	vld [tilespmem:s22+$0xFFFFFF80];
	v4 =	vadd.s32 v7, v2  }
0x246: {  	s23 =	simm.s32 $0x1;
	v5 =	vld [tilespmem:s22+$0xFFFFFF90];
	v2 =	vadd.s32 v8, v2  }
0x247: {  	v6 =	vmov s23  }
0x248: {  	v10 =	vld [tilespmem:$0x1FFF0];
	v6 =	vshrl.u32 v6, $0x3  }
0x249: {  	v6 =	vshll.u32 v6, v1  }
0x24a: {  	[tilespmem:v4+s17+$0x0] =	vst.idx.msk $0xffff, v3;
	v3 =	vbroadcast v6, $0x0  }
0x24b: {  	[tilespmem:v2+s17+$0x0] =	vst.idx.msk $0xffff, v5  }
0x24c: {  	v2 =	vld [tilespmem:s22+$0xFFFFFFA0];
	v4 =	vadd.s32 v9, v3  }
0x24d: {  	s25 =	simm.s32 $0x2;
	v5 =	vld [tilespmem:s22+$0xFFFFFFB0];
	v3 =	vadd.s32 v10, v3  }
0x24e: {  	v11 =	vld [tilespmem:$0x1FF00];
	v6 =	vmov s25  }
0x24f: {  	v12 =	vld [tilespmem:$0x1FF10];
	v6 =	vshrl.u32 v6, $0x3  }
0x250: {  	v6 =	vshll.u32 v6, v1  }
0x251: {  	[tilespmem:v4+s17+$0x0] =	vst.idx.msk $0xffff, v2;
	v2 =	vbroadcast v6, $0x0  }
0x252: {  	[tilespmem:v3+s17+$0x0] =	vst.idx.msk $0xffff, v5  }
0x253: {  	v3 =	vld [tilespmem:s22+$0xFFFFFFC0];
	v4 =	vadd.s32 v11, v2  }
0x254: {  	s26 =	simm.s32 $0x3;
	v5 =	vld [tilespmem:s22+$0xFFFFFFD0];
	v2 =	vadd.s32 v12, v2  }
0x255: {  	v17 =	vld [tilespmem:$0x1FF20];
	v6 =	vmov s26  }
0x256: {  	v13 =	vld [tilespmem:$0x1FF30];
	v6 =	vshrl.u32 v6, $0x3  }
0x257: {  	v6 =	vshll.u32 v6, v1  }
0x258: {  	[tilespmem:v4+s17+$0x0] =	vst.idx.msk $0xffff, v3;
	v3 =	vbroadcast v6, $0x0  }
0x259: {  	[tilespmem:v2+s17+$0x0] =	vst.idx.msk $0xffff, v5  }
0x25a: {  	v2 =	vld [tilespmem:s22+$0xFFFFFFE0];
	v4 =	vadd.s32 v17, v3  }
0x25b: {  	s28 =	simm.s32 $0x4;
	v5 =	vld [tilespmem:s22+$0xFFFFFFF0];
	v3 =	vadd.s32 v13, v3  }
0x25c: {  	v18 =	vld [tilespmem:$0x1FF40];
	v6 =	vmov s28  }
0x25d: {  	v14 =	vld [tilespmem:$0x1FF50];
	v6 =	vshrl.u32 v6, $0x3  }
0x25e: {  	v6 =	vshll.u32 v6, v1  }
0x25f: {  	[tilespmem:v4+s17+$0x0] =	vst.idx.msk $0xffff, v2;
	v2 =	vbroadcast v6, $0x0  }
0x260: {  	[tilespmem:v3+s17+$0x0] =	vst.idx.msk $0xffff, v5  }
0x261: {  	v3 =	vld [tilespmem:s22+$0x0];
	v4 =	vadd.s32 v18, v2  }
0x262: {  	s29 =	simm.s32 $0x5;
	v5 =	vld [tilespmem:s22+$0x10];
	v2 =	vadd.s32 v14, v2  }
0x263: {  	v19 =	vld [tilespmem:$0x1FF60];
	v6 =	vmov s29  }
0x264: {  	v15 =	vld [tilespmem:$0x1FF70];
	v6 =	vshrl.u32 v6, $0x3  }
0x265: {  	v6 =	vshll.u32 v6, v1  }
0x266: {  	[tilespmem:v4+s17+$0x0] =	vst.idx.msk $0xffff, v3;
	v3 =	vbroadcast v6, $0x0  }
0x267: {  	[tilespmem:v2+s17+$0x0] =	vst.idx.msk $0xffff, v5  }
0x268: {  	v2 =	vld [tilespmem:s22+$0x20];
	v4 =	vadd.s32 v19, v3  }
0x269: {  	s30 =	simm.s32 $0x6;
	v5 =	vld [tilespmem:s22+$0x30];
	v3 =	vadd.s32 v15, v3  }
0x26a: {  	v20 =	vld [tilespmem:$0x1FF80];
	v6 =	vmov s30  }
0x26b: {  	v16 =	vld [tilespmem:$0x1FF90];
	v6 =	vshrl.u32 v6, $0x3  }
0x26c: {  	v6 =	vshll.u32 v6, v1  }
0x26d: {  	[tilespmem:v4+s17+$0x0] =	vst.idx.msk $0xffff, v2;
	v2 =	vbroadcast v6, $0x0  }
0x26e: {  	[tilespmem:v3+s17+$0x0] =	vst.idx.msk $0xffff, v5  }
0x26f: {  	v3 =	vld [tilespmem:s22+$0x40];
	v4 =	vadd.s32 v20, v2  }
0x270: {  	s31 =	simm.s32 $0x7;
	v5 =	vld [tilespmem:s22+$0x50];
	v2 =	vadd.s32 v16, v2  }
0x271: {  	v21 =	vld [tilespmem:$0x1FFA0];
	v6 =	vmov s31  }
0x272: {  	v6 =	vshrl.u32 v6, $0x3  }
0x273: {  	v22 =	vld [tilespmem:$0x1FFB0];
	v6 =	vshll.u32 v6, v1  }
0x274: {  	[tilespmem:v4+s17+$0x0] =	vst.idx.msk $0xffff, v3;
	v4 =	vbroadcast v6, $0x0  }
0x275: {  	[tilespmem:v2+s17+$0x0] =	vst.idx.msk $0xffff, v5  }
0x276: {  	v5 =	vld [tilespmem:s22+$0x60];
	v6 =	vadd.s32 v21, v4  }
0x277: {  	s23 =	simm.s32 $0x8  }
0x278: {  	v2 =	vmov s23;
	v3 =	vld [tilespmem:s22+$0x70];
	v4 =	vadd.s32 v22, v4  }
0x279: {  	v2 =	vshrl.u32 v2, $0x3  }
0x27a: {  	v2 =	vshll.u32 v2, v1  }
0x27b: {  	s24 =	simm.s32 $0x10;
	v2 =	vbroadcast v2, $0x0;
	[tilespmem:v6+s17+$0x0] =	vst.idx.msk $0xffff, v5  }
.LBB2_19:
0x27c: {  	p0 =	slt.u32 s24, $0x78  }
0x27d: {  	[tilespmem:v4+s17+$0x0] =	vst.idx.msk $0xffff, v3;
	s22 =	sadd.s32 $0x100, s22;
	s25 =	smov.u32 s24;
	s24 =	sadd.s32 $0x8, s24  }
0x27e: {  	v3 =	vld [tilespmem:s22+$0xFFFFFF80];
	v4 =	vadd.s32 v7, v2  }
0x27f: {  	s26 =	sadd.s32 $0x1, s23;
	v2 =	vadd.s32 v8, v2;
	v5 =	vld [tilespmem:s22+$0xFFFFFF90]  }
0x280: {  	v6 =	vmov s26  }
0x281: {  	v6 =	vshrl.u32 v6, $0x3  }
0x282: {  	v6 =	vshll.u32 v6, v1  }
0x283: {  	[tilespmem:v4+s17+$0x0] =	vst.idx.msk $0xffff, v3;
	v3 =	vbroadcast v6, $0x0  }
0x284: {  	[tilespmem:v2+s17+$0x0] =	vst.idx.msk $0xffff, v5  }
0x285: {  	v2 =	vld [tilespmem:s22+$0xFFFFFFA0];
	v4 =	vadd.s32 v9, v3  }
0x286: {  	s26 =	sadd.s32 $0x2, s23;
	v3 =	vadd.s32 v10, v3;
	v5 =	vld [tilespmem:s22+$0xFFFFFFB0]  }
0x287: {  	v6 =	vmov s26  }
0x288: {  	v6 =	vshrl.u32 v6, $0x3  }
0x289: {  	v6 =	vshll.u32 v6, v1  }
0x28a: {  	[tilespmem:v4+s17+$0x0] =	vst.idx.msk $0xffff, v2;
	v2 =	vbroadcast v6, $0x0  }
0x28b: {  	[tilespmem:v3+s17+$0x0] =	vst.idx.msk $0xffff, v5  }
0x28c: {  	v3 =	vld [tilespmem:s22+$0xFFFFFFC0];
	v4 =	vadd.s32 v11, v2  }
0x28d: {  	s26 =	sadd.s32 $0x3, s23;
	v2 =	vadd.s32 v12, v2;
	v5 =	vld [tilespmem:s22+$0xFFFFFFD0]  }
0x28e: {  	v6 =	vmov s26  }
0x28f: {  	v6 =	vshrl.u32 v6, $0x3  }
0x290: {  	v6 =	vshll.u32 v6, v1  }
0x291: {  	[tilespmem:v4+s17+$0x0] =	vst.idx.msk $0xffff, v3;
	v3 =	vbroadcast v6, $0x0  }
0x292: {  	[tilespmem:v2+s17+$0x0] =	vst.idx.msk $0xffff, v5  }
0x293: {  	v2 =	vld [tilespmem:s22+$0xFFFFFFE0];
	v4 =	vadd.s32 v17, v3  }
0x294: {  	s26 =	sadd.s32 $0x4, s23;
	v3 =	vadd.s32 v13, v3;
	v5 =	vld [tilespmem:s22+$0xFFFFFFF0]  }
0x295: {  	v6 =	vmov s26  }
0x296: {  	v6 =	vshrl.u32 v6, $0x3  }
0x297: {  	v6 =	vshll.u32 v6, v1  }
0x298: {  	[tilespmem:v4+s17+$0x0] =	vst.idx.msk $0xffff, v2;
	v2 =	vbroadcast v6, $0x0  }
0x299: {  	[tilespmem:v3+s17+$0x0] =	vst.idx.msk $0xffff, v5  }
0x29a: {  	v3 =	vld [tilespmem:s22+$0x0];
	v4 =	vadd.s32 v18, v2  }
0x29b: {  	s26 =	sadd.s32 $0x5, s23;
	v2 =	vadd.s32 v14, v2;
	v5 =	vld [tilespmem:s22+$0x10]  }
0x29c: {  	v6 =	vmov s26  }
0x29d: {  	v6 =	vshrl.u32 v6, $0x3  }
0x29e: {  	v6 =	vshll.u32 v6, v1  }
0x29f: {  	[tilespmem:v4+s17+$0x0] =	vst.idx.msk $0xffff, v3;
	v3 =	vbroadcast v6, $0x0  }
0x2a0: {  	[tilespmem:v2+s17+$0x0] =	vst.idx.msk $0xffff, v5  }
0x2a1: {  	v2 =	vld [tilespmem:s22+$0x20];
	v4 =	vadd.s32 v19, v3  }
0x2a2: {  	s26 =	sadd.s32 $0x6, s23;
	v3 =	vadd.s32 v15, v3;
	v5 =	vld [tilespmem:s22+$0x30]  }
0x2a3: {  	v6 =	vmov s26  }
0x2a4: {  	v6 =	vshrl.u32 v6, $0x3  }
0x2a5: {  	v6 =	vshll.u32 v6, v1  }
0x2a6: {  	[tilespmem:v4+s17+$0x0] =	vst.idx.msk $0xffff, v2;
	v2 =	vbroadcast v6, $0x0  }
0x2a7: {  	[tilespmem:v3+s17+$0x0] =	vst.idx.msk $0xffff, v5  }
0x2a8: {  	v3 =	vld [tilespmem:s22+$0x40];
	v4 =	vadd.s32 v20, v2  }
0x2a9: {  	s26 =	sadd.s32 $0x7, s23;
	s23 =	smov.u32 s25;
	v2 =	vadd.s32 v16, v2;
	v5 =	vld [tilespmem:s22+$0x50]  }
0x2aa: {  	v6 =	vmov s26  }
0x2ab: {  	v6 =	vshrl.u32 v6, $0x3  }
0x2ac: {  	v6 =	vshll.u32 v6, v1  }
0x2ad: {  	[tilespmem:v4+s17+$0x0] =	vst.idx.msk $0xffff, v3;
	v4 =	vbroadcast v6, $0x0  }
0x2ae: {  	[tilespmem:v2+s17+$0x0] =	vst.idx.msk $0xffff, v5  }
0x2af: {  	v5 =	vld [tilespmem:s22+$0x60];
	v6 =	vadd.s32 v21, v4  }
.Ltmp12:
0x2b0: {  	v4 =	vadd.s32 v22, v4;
	v3 =	vld [tilespmem:s22+$0x70];
	(pc) =	sbr.rel @p0 .LBB2_19-.Ltmp12, $4  }
0x2b1: {  	v2 =	vmov s23  }
0x2b2: {  	v2 =	vshrl.u32 v2, $0x3  }
0x2b3: {  	v2 =	vshll.u32 v2, v1  }
0x2b4: {  	v2 =	vbroadcast v2, $0x0;
	[tilespmem:v6+s17+$0x0] =	vst.idx.msk $0xffff, v5  }
0x2b5: {  	_ =	sdelay $0x3  }
0x2b6: {  	[tilespmem:v4+s17+$0x0] =	vst.idx.msk $0xffff, v3;
	s22 =	sadd.s32 $0x100, s22  }
0x2b7: {  	v3 =	vld [tilespmem:s22+$0xFFFFFF80];
	v4 =	vadd.s32 v7, v2  }
0x2b8: {  	s24 =	sadd.s32 $0x1, s23;
	v5 =	vld [tilespmem:s22+$0xFFFFFF90];
	v2 =	vadd.s32 v8, v2  }
0x2b9: {  	v6 =	vmov s24  }
0x2ba: {  	v6 =	vshrl.u32 v6, $0x3  }
0x2bb: {  	v6 =	vshll.u32 v6, v1  }
0x2bc: {  	[tilespmem:v4+s17+$0x0] =	vst.idx.msk $0xffff, v3;
	v3 =	vbroadcast v6, $0x0  }
0x2bd: {  	[tilespmem:v2+s17+$0x0] =	vst.idx.msk $0xffff, v5  }
0x2be: {  	v2 =	vld [tilespmem:s22+$0xFFFFFFA0];
	v4 =	vadd.s32 v9, v3  }
0x2bf: {  	s31 =	sadd.s32 $0x2, s23;
	v5 =	vld [tilespmem:s22+$0xFFFFFFB0];
	v3 =	vadd.s32 v10, v3  }
0x2c0: {  	v6 =	vmov s31  }
0x2c1: {  	v6 =	vshrl.u32 v6, $0x3  }
0x2c2: {  	v6 =	vshll.u32 v6, v1  }
0x2c3: {  	[tilespmem:v4+s17+$0x0] =	vst.idx.msk $0xffff, v2;
	v2 =	vbroadcast v6, $0x0  }
0x2c4: {  	[tilespmem:v3+s17+$0x0] =	vst.idx.msk $0xffff, v5  }
0x2c5: {  	v3 =	vld [tilespmem:s22+$0xFFFFFFC0];
	v4 =	vadd.s32 v11, v2  }
0x2c6: {  	s25 =	sadd.s32 $0x3, s23;
	v5 =	vld [tilespmem:s22+$0xFFFFFFD0];
	v2 =	vadd.s32 v12, v2  }
0x2c7: {  	v6 =	vmov s25  }
0x2c8: {  	v6 =	vshrl.u32 v6, $0x3  }
0x2c9: {  	v6 =	vshll.u32 v6, v1  }
0x2ca: {  	[tilespmem:v4+s17+$0x0] =	vst.idx.msk $0xffff, v3;
	v3 =	vbroadcast v6, $0x0  }
0x2cb: {  	[tilespmem:v2+s17+$0x0] =	vst.idx.msk $0xffff, v5  }
0x2cc: {  	v2 =	vld [tilespmem:s22+$0xFFFFFFE0];
	v4 =	vadd.s32 v17, v3  }
0x2cd: {  	s26 =	sadd.s32 $0x4, s23;
	v5 =	vld [tilespmem:s22+$0xFFFFFFF0];
	v3 =	vadd.s32 v13, v3  }
0x2ce: {  	v6 =	vmov s26  }
0x2cf: {  	v6 =	vshrl.u32 v6, $0x3  }
0x2d0: {  	v6 =	vshll.u32 v6, v1  }
0x2d1: {  	[tilespmem:v4+s17+$0x0] =	vst.idx.msk $0xffff, v2;
	v2 =	vbroadcast v6, $0x0  }
0x2d2: {  	[tilespmem:v3+s17+$0x0] =	vst.idx.msk $0xffff, v5  }
0x2d3: {  	v3 =	vld [tilespmem:s22+$0x0];
	v4 =	vadd.s32 v18, v2  }
0x2d4: {  	s28 =	sadd.s32 $0x5, s23;
	v5 =	vld [tilespmem:s22+$0x10];
	v2 =	vadd.s32 v14, v2  }
0x2d5: {  	v6 =	vmov s28  }
0x2d6: {  	v6 =	vshrl.u32 v6, $0x3  }
0x2d7: {  	v6 =	vshll.u32 v6, v1  }
0x2d8: {  	[tilespmem:v4+s17+$0x0] =	vst.idx.msk $0xffff, v3;
	v3 =	vbroadcast v6, $0x0  }
0x2d9: {  	[tilespmem:v2+s17+$0x0] =	vst.idx.msk $0xffff, v5  }
0x2da: {  	v2 =	vld [tilespmem:s22+$0x20];
	v4 =	vadd.s32 v19, v3  }
0x2db: {  	s29 =	sadd.s32 $0x6, s23;
	v5 =	vld [tilespmem:s22+$0x30];
	v3 =	vadd.s32 v15, v3  }
0x2dc: {  	v6 =	vmov s29  }
0x2dd: {  	v6 =	vshrl.u32 v6, $0x3  }
0x2de: {  	v6 =	vshll.u32 v6, v1  }
0x2df: {  	[tilespmem:v4+s17+$0x0] =	vst.idx.msk $0xffff, v2;
	v2 =	vbroadcast v6, $0x0  }
0x2e0: {  	[tilespmem:v3+s17+$0x0] =	vst.idx.msk $0xffff, v5  }
0x2e1: {  	v3 =	vld [tilespmem:s22+$0x40];
	v4 =	vadd.s32 v20, v2  }
0x2e2: {  	s30 =	sadd.s32 $0x7, s23;
	v5 =	vld [tilespmem:s22+$0x50];
	v2 =	vadd.s32 v16, v2  }
0x2e3: {  	v6 =	vmov s30  }
0x2e4: {  	v6 =	vshrl.u32 v6, $0x3  }
0x2e5: {  	v6 =	vshll.u32 v6, v1  }
0x2e6: {  	[tilespmem:v4+s17+$0x0] =	vst.idx.msk $0xffff, v3;
	v3 =	vbroadcast v6, $0x0  }
0x2e7: {  	[tilespmem:v2+s17+$0x0] =	vst.idx.msk $0xffff, v5  }
0x2e8: {  	v2 =	vld [tilespmem:s22+$0x60];
	v4 =	vadd.s32 v21, v3  }
0x2e9: {  	s31 =	simm.s32 $0x0;
	v5 =	vld [tilespmem:s22+$0x70];
	v3 =	vadd.s32 v22, v3  }
0x2ea: {  	v6 =	vmov s31;
	v22 =	vld [tilespmem:$0x1FFC0]  }
0x2eb: {  	v6 =	vshrl.u32 v6, $0x3  }
0x2ec: {  	v6 =	vshll.u32 v6, $0x3  }
0x2ed: {  	v6 =	vbroadcast v6, $0x0;
	[tilespmem:v4+s17+$0x0] =	vst.idx.msk $0xffff, v2  }
0x2ee: {  	s22 =	simm.s32 $0xB4F0;
	[tilespmem:v3+s17+$0x0] =	vst.idx.msk $0xffff, v5;
	v5 =	vld [tilespmem:$0x1FEB0]  }
0x2ef: {  	v3 =	vadd.s32 v22, v6;
	v2 =	vld [tilespmem:s22+$0xFFFFFF10];
	_ =	sdelay $0x3  }
0x2f0: {  	v4 =	vld [tilespmem:s22+$0xFFFFFF20];
	v5 =	vadd.s32 v5, v6  }
0x2f1: {  	[tilespmem:v3+s17+$0x0] =	vst.idx.msk $0xffff, v2;
	v3 =	vld [tilespmem:$0x1FEC0];
	_ =	sdelay $0x3  }
0x2f2: {  	[tilespmem:v5+s17+$0x0] =	vst.idx.msk $0xffff, v4;
	v5 =	vld [tilespmem:$0x1FED0]  }
0x2f3: {  	v2 =	vld [tilespmem:s22+$0xFFFFFF30];
	v3 =	vadd.s32 v3, v6;
	_ =	sdelay $0x3  }
0x2f4: {  	v4 =	vld [tilespmem:s22+$0xFFFFFF40];
	v5 =	vadd.s32 v5, v6  }
0x2f5: {  	[tilespmem:v3+s17+$0x0] =	vst.idx.msk $0xffff, v2;
	v3 =	vld [tilespmem:$0x1FEE0]  }
0x2f6: {  	v7 =	vld [tilespmem:$0x1FEF0];
	_ =	sdelay $0x2  }
0x2f7: {  	[tilespmem:v5+s17+$0x0] =	vst.idx.msk $0xffff, v4  }
0x2f8: {  	v2 =	vld [tilespmem:s22+$0xFFFFFF50];
	v3 =	vadd.s32 v3, v6  }
0x2f9: {  	v5 =	vadd.s32 v7, v6;
	v4 =	vld [tilespmem:s22+$0xFFFFFF60];
	_ =	sdelay $0x3  }
0x2fa: {  	[tilespmem:v3+s17+$0x0] =	vst.idx.msk $0xffff, v2  }
0x2fb: {  	[tilespmem:v5+s17+$0x0] =	vst.idx.msk $0xffff, v4  }
0x2fc: {  	v3 =	vadd.s32 v23, v6;
	v2 =	vld [tilespmem:s22+$0xFFFFFF70]  }
0x2fd: {  	v5 =	vadd.s32 v24, v6;
	v4 =	vld [tilespmem:s22+$0xFFFFFF80];
	_ =	sdelay $0x3  }
0x2fe: {  	[tilespmem:v3+s17+$0x0] =	vst.idx.msk $0xffff, v2  }
0x2ff: {  	[tilespmem:v5+s17+$0x0] =	vst.idx.msk $0xffff, v4  }
0x300: {  	v3 =	vadd.s32 v25, v6;
	v2 =	vld [tilespmem:s22+$0xFFFFFF90]  }
0x301: {  	v5 =	vadd.s32 v26, v6;
	v4 =	vld [tilespmem:s22+$0xFFFFFFA0];
	_ =	sdelay $0x3  }
0x302: {  	[tilespmem:v3+s17+$0x0] =	vst.idx.msk $0xffff, v2  }
0x303: {  	[tilespmem:v5+s17+$0x0] =	vst.idx.msk $0xffff, v4  }
0x304: {  	v3 =	vadd.s32 v27, v6;
	v2 =	vld [tilespmem:s22+$0xFFFFFFB0]  }
0x305: {  	v5 =	vadd.s32 v28, v6;
	v4 =	vld [tilespmem:s22+$0xFFFFFFC0];
	_ =	sdelay $0x3  }
0x306: {  	[tilespmem:v3+s17+$0x0] =	vst.idx.msk $0xffff, v2  }
0x307: {  	[tilespmem:v5+s17+$0x0] =	vst.idx.msk $0xffff, v4  }
0x308: {  	v3 =	vadd.s32 v29, v6;
	v2 =	vld [tilespmem:s22+$0xFFFFFFD0]  }
0x309: {  	v5 =	vadd.s32 v30, v6;
	v4 =	vld [tilespmem:s22+$0xFFFFFFE0]  }
0x30a: {  	p0 =	por $0x1, $0x1  }
.Ltmp13:
0x30b: {  	_ = 	snop;
	(pc) =	sbr.rel @!p0 .LBB2_23-.Ltmp13, $4  }
0x30c: {  	_ = 	snop  }
0x30d: {  	[tilespmem:v3+s17+$0x0] =	vst.idx.msk $0xffff, v2  }
0x30e: {  	v8 =	vmovc v9;
	v10 =	vmovc v11;
	v12 =	vmov v17;
	v13 =	vmov v18;
	v14 =	vmov v19;
	[tilespmem:v5+s17+$0x0] =	vst.idx.msk $0xffff, v4  }
0x30f: {  	v15 =	vmovc v20;
	v16 =	vmov v21;
	[tilespmem:$0x1FE90] =	vst v6;
	v2 =	vadd.s32 v32, v6;
	v4 =	vadd.s32 v31, v6;
	v3 =	vld [tilespmem:s22+$0xFFFFFFF0]  }
0x310: {  	s23 =	simm.s32 $0x8;
	v5 =	vld [tilespmem:s22+$0x0]  }
0x311: {  	v6 =	vmov s23  }
0x312: {  	v9 =	vld [tilespmem:$0x1FEB0];
	v6 =	vshrl.u32 v6, $0x3  }
0x313: {  	v6 =	vshll.u32 v6, $0x3  }
0x314: {  	v6 =	vbroadcast v6, $0x0;
	[tilespmem:v4+s17+$0x0] =	vst.idx.msk $0xffff, v3  }
0x315: {  	s22 =	simm.s32 $0xB5F0;
	[tilespmem:v2+s17+$0x0] =	vst.idx.msk $0xffff, v5  }
0x316: {  	v2 =	vld [tilespmem:s22+$0xFFFFFF10];
	v3 =	vadd.s32 v22, v6  }
0x317: {  	v4 =	vld [tilespmem:s22+$0xFFFFFF20];
	v5 =	vadd.s32 v9, v6  }
0x318: {  	v11 =	vld [tilespmem:$0x1FEC0]  }
0x319: {  	v17 =	vld [tilespmem:$0x1FED0];
	_ =	sdelay $0x1  }
0x31a: {  	[tilespmem:v3+s17+$0x0] =	vst.idx.msk $0xffff, v2  }
0x31b: {  	[tilespmem:v5+s17+$0x0] =	vst.idx.msk $0xffff, v4  }
0x31c: {  	v3 =	vadd.s32 v11, v6;
	v2 =	vld [tilespmem:s22+$0xFFFFFF30]  }
0x31d: {  	v5 =	vadd.s32 v17, v6;
	v4 =	vld [tilespmem:s22+$0xFFFFFF40]  }
0x31e: {  	v18 =	vld [tilespmem:$0x1FEE0];
	_ =	sdelay $0x2  }
0x31f: {  	[tilespmem:v3+s17+$0x0] =	vst.idx.msk $0xffff, v2  }
0x320: {  	[tilespmem:v5+s17+$0x0] =	vst.idx.msk $0xffff, v4  }
0x321: {  	v3 =	vadd.s32 v18, v6;
	v2 =	vld [tilespmem:s22+$0xFFFFFF50]  }
0x322: {  	v5 =	vadd.s32 v7, v6;
	v4 =	vld [tilespmem:s22+$0xFFFFFF60];
	_ =	sdelay $0x3  }
0x323: {  	[tilespmem:v3+s17+$0x0] =	vst.idx.msk $0xffff, v2  }
0x324: {  	[tilespmem:v5+s17+$0x0] =	vst.idx.msk $0xffff, v4  }
0x325: {  	v3 =	vadd.s32 v23, v6;
	v2 =	vld [tilespmem:s22+$0xFFFFFF70]  }
0x326: {  	v5 =	vadd.s32 v24, v6;
	v4 =	vld [tilespmem:s22+$0xFFFFFF80];
	_ =	sdelay $0x3  }
0x327: {  	[tilespmem:v3+s17+$0x0] =	vst.idx.msk $0xffff, v2  }
0x328: {  	[tilespmem:v5+s17+$0x0] =	vst.idx.msk $0xffff, v4  }
0x329: {  	v3 =	vadd.s32 v25, v6;
	v2 =	vld [tilespmem:s22+$0xFFFFFF90]  }
0x32a: {  	v5 =	vadd.s32 v26, v6;
	v4 =	vld [tilespmem:s22+$0xFFFFFFA0];
	_ =	sdelay $0x3  }
0x32b: {  	[tilespmem:v3+s17+$0x0] =	vst.idx.msk $0xffff, v2  }
0x32c: {  	[tilespmem:v5+s17+$0x0] =	vst.idx.msk $0xffff, v4  }
0x32d: {  	v3 =	vadd.s32 v27, v6;
	v2 =	vld [tilespmem:s22+$0xFFFFFFB0]  }
0x32e: {  	v5 =	vadd.s32 v28, v6;
	v4 =	vld [tilespmem:s22+$0xFFFFFFC0];
	_ =	sdelay $0x3  }
0x32f: {  	[tilespmem:v3+s17+$0x0] =	vst.idx.msk $0xffff, v2  }
0x330: {  	[tilespmem:v5+s17+$0x0] =	vst.idx.msk $0xffff, v4  }
0x331: {  	v3 =	vadd.s32 v29, v6;
	v2 =	vld [tilespmem:s22+$0xFFFFFFD0]  }
0x332: {  	v5 =	vadd.s32 v30, v6;
	v4 =	vld [tilespmem:s22+$0xFFFFFFE0]  }
0x333: {  	p1 =	por $0x1, $0x1  }
.Ltmp14:
0x334: {  	_ = 	snop;
	(pc) =	sbr.rel @!p1 .LBB2_23-.Ltmp14, $4  }
0x335: {  	_ = 	snop  }
0x336: {  	[tilespmem:v3+s17+$0x0] =	vst.idx.msk $0xffff, v2  }
0x337: {  	[tilespmem:v5+s17+$0x0] =	vst.idx.msk $0xffff, v4  }
0x338: {  	v19 =	vmov v7;
	v2 =	vadd.s32 v32, v6;
	v4 =	vadd.s32 v31, v6;
	v3 =	vld [tilespmem:s22+$0xFFFFFFF0]  }
.LBB2_22:
0x339: {  	s23 =	sadd.s32 $0x8, s23;
	v5 =	vld [tilespmem:s22+$0x0]  }
0x33a: {  	v6 =	vmov s23;
	p1 =	slt.u32 s23, $0x78  }
0x33b: {  	v6 =	vshrl.u32 v6, $0x3  }
0x33c: {  	v6 =	vshll.u32 v6, $0x3  }
0x33d: {  	v6 =	vbroadcast v6, $0x0;
	[tilespmem:v4+s17+$0x0] =	vst.idx.msk $0xffff, v3  }
0x33e: {  	s22 =	sadd.s32 $0x100, s22;
	[tilespmem:v2+s17+$0x0] =	vst.idx.msk $0xffff, v5  }
0x33f: {  	v3 =	vld [tilespmem:s22+$0xFFFFFF10];
	v4 =	vadd.s32 v22, v6;
	v2 =	vadd.s32 v32, v6  }
0x340: {  	v7 =	vadd.s32 v9, v6;
	v5 =	vld [tilespmem:s22+$0xFFFFFF20];
	_ =	sdelay $0x3  }
0x341: {  	[tilespmem:v4+s17+$0x0] =	vst.idx.msk $0xffff, v3  }
0x342: {  	[tilespmem:v7+s17+$0x0] =	vst.idx.msk $0xffff, v5  }
0x343: {  	v4 =	vadd.s32 v11, v6;
	v3 =	vld [tilespmem:s22+$0xFFFFFF30]  }
0x344: {  	v7 =	vadd.s32 v17, v6;
	v5 =	vld [tilespmem:s22+$0xFFFFFF40];
	_ =	sdelay $0x3  }
0x345: {  	[tilespmem:v4+s17+$0x0] =	vst.idx.msk $0xffff, v3  }
0x346: {  	[tilespmem:v7+s17+$0x0] =	vst.idx.msk $0xffff, v5  }
0x347: {  	v4 =	vadd.s32 v18, v6;
	v3 =	vld [tilespmem:s22+$0xFFFFFF50]  }
0x348: {  	v7 =	vadd.s32 v19, v6;
	v5 =	vld [tilespmem:s22+$0xFFFFFF60];
	_ =	sdelay $0x3  }
0x349: {  	[tilespmem:v4+s17+$0x0] =	vst.idx.msk $0xffff, v3  }
0x34a: {  	[tilespmem:v7+s17+$0x0] =	vst.idx.msk $0xffff, v5  }
0x34b: {  	v4 =	vadd.s32 v23, v6;
	v3 =	vld [tilespmem:s22+$0xFFFFFF70]  }
0x34c: {  	v7 =	vadd.s32 v24, v6;
	v5 =	vld [tilespmem:s22+$0xFFFFFF80];
	_ =	sdelay $0x3  }
0x34d: {  	[tilespmem:v4+s17+$0x0] =	vst.idx.msk $0xffff, v3  }
0x34e: {  	[tilespmem:v7+s17+$0x0] =	vst.idx.msk $0xffff, v5  }
0x34f: {  	v4 =	vadd.s32 v25, v6;
	v3 =	vld [tilespmem:s22+$0xFFFFFF90]  }
0x350: {  	v7 =	vadd.s32 v26, v6;
	v5 =	vld [tilespmem:s22+$0xFFFFFFA0];
	_ =	sdelay $0x3  }
0x351: {  	[tilespmem:v4+s17+$0x0] =	vst.idx.msk $0xffff, v3  }
0x352: {  	[tilespmem:v7+s17+$0x0] =	vst.idx.msk $0xffff, v5  }
0x353: {  	v4 =	vadd.s32 v27, v6;
	v3 =	vld [tilespmem:s22+$0xFFFFFFB0]  }
0x354: {  	v7 =	vadd.s32 v28, v6;
	v5 =	vld [tilespmem:s22+$0xFFFFFFC0];
	_ =	sdelay $0x3  }
0x355: {  	[tilespmem:v4+s17+$0x0] =	vst.idx.msk $0xffff, v3  }
0x356: {  	[tilespmem:v7+s17+$0x0] =	vst.idx.msk $0xffff, v5  }
0x357: {  	v4 =	vadd.s32 v29, v6;
	v3 =	vld [tilespmem:s22+$0xFFFFFFD0]  }
0x358: {  	v7 =	vadd.s32 v30, v6;
	v5 =	vld [tilespmem:s22+$0xFFFFFFE0];
	_ =	sdelay $0x1  }
.Ltmp15:
0x359: {  	(pc) =	sbr.rel @p1 .LBB2_22-.Ltmp15, $4  }
0x35a: {  	_ = 	snop  }
0x35b: {  	[tilespmem:v4+s17+$0x0] =	vst.idx.msk $0xffff, v3  }
0x35c: {  	[tilespmem:v7+s17+$0x0] =	vst.idx.msk $0xffff, v5  }
0x35d: {  	v4 =	vadd.s32 v31, v6;
	v3 =	vld [tilespmem:s22+$0xFFFFFFF0]  }
.LBB2_23:
0x35e: {  	v5 =	vld [tilespmem:s22+$0x0]  }
0x35f: {  	v6 =	vld [tilespmem:$0x1FE90];
	_ =	sdelay $0x2  }
0x360: {  	[tilespmem:v4+s17+$0x0] =	vst.idx.msk $0xffff, v3  }
0x361: {  	s22 =	simm.s32 $0xC4F0;
	[tilespmem:v2+s17+$0x0] =	vst.idx.msk $0xffff, v5  }
0x362: {  	v3 =	vadd.s32 v33, v6;
	v2 =	vld [tilespmem:s22+$0xFFFFFF10]  }
0x363: {  	v5 =	vadd.s32 v34, v6;
	v4 =	vld [tilespmem:s22+$0xFFFFFF20];
	_ =	sdelay $0x3  }
0x364: {  	[tilespmem:v3+s17+$0x0] =	vst.idx.msk $0xffff, v2  }
0x365: {  	[tilespmem:v5+s17+$0x0] =	vst.idx.msk $0xffff, v4  }
0x366: {  	v3 =	vadd.s32 v35, v6;
	v2 =	vld [tilespmem:s22+$0xFFFFFF30]  }
0x367: {  	v5 =	vadd.s32 v36, v6;
	v4 =	vld [tilespmem:s22+$0xFFFFFF40];
	_ =	sdelay $0x3  }
0x368: {  	[tilespmem:v3+s17+$0x0] =	vst.idx.msk $0xffff, v2  }
0x369: {  	[tilespmem:v5+s17+$0x0] =	vst.idx.msk $0xffff, v4  }
0x36a: {  	v3 =	vadd.s32 v37, v6;
	v2 =	vld [tilespmem:s22+$0xFFFFFF50]  }
0x36b: {  	v5 =	vadd.s32 v38, v6;
	v4 =	vld [tilespmem:s22+$0xFFFFFF60];
	_ =	sdelay $0x3  }
0x36c: {  	[tilespmem:v3+s17+$0x0] =	vst.idx.msk $0xffff, v2  }
0x36d: {  	[tilespmem:v5+s17+$0x0] =	vst.idx.msk $0xffff, v4  }
0x36e: {  	v3 =	vadd.s32 v39, v6;
	v2 =	vld [tilespmem:s22+$0xFFFFFF70]  }
0x36f: {  	v5 =	vadd.s32 v40, v6;
	v4 =	vld [tilespmem:s22+$0xFFFFFF80];
	_ =	sdelay $0x3  }
0x370: {  	[tilespmem:v3+s17+$0x0] =	vst.idx.msk $0xffff, v2  }
0x371: {  	[tilespmem:v5+s17+$0x0] =	vst.idx.msk $0xffff, v4  }
0x372: {  	v3 =	vadd.s32 v41, v6;
	v2 =	vld [tilespmem:s22+$0xFFFFFF90]  }
0x373: {  	v5 =	vadd.s32 v42, v6;
	v4 =	vld [tilespmem:s22+$0xFFFFFFA0];
	_ =	sdelay $0x3  }
0x374: {  	[tilespmem:v3+s17+$0x0] =	vst.idx.msk $0xffff, v2  }
0x375: {  	[tilespmem:v5+s17+$0x0] =	vst.idx.msk $0xffff, v4  }
0x376: {  	v3 =	vadd.s32 v43, v6;
	v2 =	vld [tilespmem:s22+$0xFFFFFFB0]  }
0x377: {  	v5 =	vadd.s32 v44, v6;
	v4 =	vld [tilespmem:s22+$0xFFFFFFC0];
	_ =	sdelay $0x3  }
0x378: {  	v9 =	vld [tilespmem:$0x1FFF0];
	[tilespmem:v3+s17+$0x0] =	vst.idx.msk $0xffff, v2  }
0x379: {  	v11 =	vld [tilespmem:$0x1FF10];
	[tilespmem:v5+s17+$0x0] =	vst.idx.msk $0xffff, v4  }
0x37a: {  	v3 =	vadd.s32 v45, v6;
	v2 =	vld [tilespmem:s22+$0xFFFFFFD0]  }
0x37b: {  	v5 =	vadd.s32 v46, v6;
	v4 =	vld [tilespmem:s22+$0xFFFFFFE0]  }
0x37c: {  	v17 =	vld [tilespmem:$0x1FF30]  }
.Ltmp16:
0x37d: {  	v18 =	vld [tilespmem:$0x1FF50];
	(pc) =	sbr.rel @!p0 .LBB2_26-.Ltmp16, $4  }
0x37e: {  	v19 =	vld [tilespmem:$0x1FF70]  }
0x37f: {  	v20 =	vld [tilespmem:$0x1FF90];
	[tilespmem:v3+s17+$0x0] =	vst.idx.msk $0xffff, v2  }
0x380: {  	v21 =	vld [tilespmem:$0x1FFB0];
	[tilespmem:v5+s17+$0x0] =	vst.idx.msk $0xffff, v4  }
0x381: {  	v2 =	vadd.s32 v48, v6;
	v4 =	vadd.s32 v47, v6;
	v3 =	vld [tilespmem:s22+$0xFFFFFFF0]  }
0x382: {  	s23 =	simm.s32 $0x8;
	v5 =	vld [tilespmem:s22+$0x0]  }
0x383: {  	v6 =	vmov s23  }
0x384: {  	v6 =	vshrl.u32 v6, $0x3  }
0x385: {  	v6 =	vshll.u32 v6, $0x3  }
0x386: {  	v6 =	vbroadcast v6, $0x0;
	[tilespmem:v4+s17+$0x0] =	vst.idx.msk $0xffff, v3  }
0x387: {  	s22 =	simm.s32 $0xC5F0;
	[tilespmem:v2+s17+$0x0] =	vst.idx.msk $0xffff, v5  }
0x388: {  	v2 =	vld [tilespmem:s22+$0xFFFFFF10];
	v3 =	vadd.s32 v33, v6  }
0x389: {  	v4 =	vld [tilespmem:s22+$0xFFFFFF20];
	v5 =	vadd.s32 v34, v6;
	_ =	sdelay $0x3  }
0x38a: {  	[tilespmem:v3+s17+$0x0] =	vst.idx.msk $0xffff, v2  }
0x38b: {  	[tilespmem:v5+s17+$0x0] =	vst.idx.msk $0xffff, v4  }
0x38c: {  	v3 =	vadd.s32 v35, v6;
	v2 =	vld [tilespmem:s22+$0xFFFFFF30]  }
0x38d: {  	v5 =	vadd.s32 v36, v6;
	v4 =	vld [tilespmem:s22+$0xFFFFFF40];
	_ =	sdelay $0x3  }
0x38e: {  	[tilespmem:v3+s17+$0x0] =	vst.idx.msk $0xffff, v2  }
0x38f: {  	[tilespmem:v5+s17+$0x0] =	vst.idx.msk $0xffff, v4  }
0x390: {  	v3 =	vadd.s32 v37, v6;
	v2 =	vld [tilespmem:s22+$0xFFFFFF50]  }
0x391: {  	v5 =	vadd.s32 v38, v6;
	v4 =	vld [tilespmem:s22+$0xFFFFFF60];
	_ =	sdelay $0x3  }
0x392: {  	[tilespmem:v3+s17+$0x0] =	vst.idx.msk $0xffff, v2  }
0x393: {  	[tilespmem:v5+s17+$0x0] =	vst.idx.msk $0xffff, v4  }
0x394: {  	v3 =	vadd.s32 v39, v6;
	v2 =	vld [tilespmem:s22+$0xFFFFFF70]  }
0x395: {  	v5 =	vadd.s32 v40, v6;
	v4 =	vld [tilespmem:s22+$0xFFFFFF80];
	_ =	sdelay $0x3  }
0x396: {  	[tilespmem:v3+s17+$0x0] =	vst.idx.msk $0xffff, v2  }
0x397: {  	[tilespmem:v5+s17+$0x0] =	vst.idx.msk $0xffff, v4  }
0x398: {  	v3 =	vadd.s32 v41, v6;
	v2 =	vld [tilespmem:s22+$0xFFFFFF90]  }
0x399: {  	v5 =	vadd.s32 v42, v6;
	v4 =	vld [tilespmem:s22+$0xFFFFFFA0];
	_ =	sdelay $0x3  }
0x39a: {  	[tilespmem:v3+s17+$0x0] =	vst.idx.msk $0xffff, v2  }
0x39b: {  	[tilespmem:v5+s17+$0x0] =	vst.idx.msk $0xffff, v4  }
0x39c: {  	v3 =	vadd.s32 v43, v6;
	v2 =	vld [tilespmem:s22+$0xFFFFFFB0]  }
0x39d: {  	v5 =	vadd.s32 v44, v6;
	v4 =	vld [tilespmem:s22+$0xFFFFFFC0];
	_ =	sdelay $0x3  }
0x39e: {  	[tilespmem:v3+s17+$0x0] =	vst.idx.msk $0xffff, v2  }
0x39f: {  	[tilespmem:v5+s17+$0x0] =	vst.idx.msk $0xffff, v4  }
0x3a0: {  	v3 =	vadd.s32 v45, v6;
	v2 =	vld [tilespmem:s22+$0xFFFFFFD0]  }
0x3a1: {  	v5 =	vadd.s32 v46, v6;
	v4 =	vld [tilespmem:s22+$0xFFFFFFE0]  }
0x3a2: {  	p0 =	por $0x1, $0x1  }
.Ltmp17:
0x3a3: {  	_ = 	snop;
	(pc) =	sbr.rel @!p0 .LBB2_26-.Ltmp17, $4  }
0x3a4: {  	_ = 	snop  }
0x3a5: {  	[tilespmem:v3+s17+$0x0] =	vst.idx.msk $0xffff, v2  }
0x3a6: {  	[tilespmem:v5+s17+$0x0] =	vst.idx.msk $0xffff, v4  }
0x3a7: {  	v2 =	vadd.s32 v48, v6;
	v4 =	vadd.s32 v47, v6;
	v3 =	vld [tilespmem:s22+$0xFFFFFFF0]  }
.LBB2_25:
0x3a8: {  	s23 =	sadd.s32 $0x8, s23;
	v5 =	vld [tilespmem:s22+$0x0]  }
0x3a9: {  	v6 =	vmov s23;
	p0 =	slt.u32 s23, $0x78  }
0x3aa: {  	v6 =	vshrl.u32 v6, $0x3  }
0x3ab: {  	v6 =	vshll.u32 v6, $0x3  }
0x3ac: {  	v6 =	vbroadcast v6, $0x0;
	[tilespmem:v4+s17+$0x0] =	vst.idx.msk $0xffff, v3  }
0x3ad: {  	s22 =	sadd.s32 $0x100, s22;
	[tilespmem:v2+s17+$0x0] =	vst.idx.msk $0xffff, v5  }
0x3ae: {  	v3 =	vld [tilespmem:s22+$0xFFFFFF10];
	v4 =	vadd.s32 v33, v6;
	v2 =	vadd.s32 v48, v6  }
0x3af: {  	v7 =	vadd.s32 v34, v6;
	v5 =	vld [tilespmem:s22+$0xFFFFFF20];
	_ =	sdelay $0x3  }
0x3b0: {  	[tilespmem:v4+s17+$0x0] =	vst.idx.msk $0xffff, v3  }
0x3b1: {  	[tilespmem:v7+s17+$0x0] =	vst.idx.msk $0xffff, v5  }
0x3b2: {  	v4 =	vadd.s32 v35, v6;
	v3 =	vld [tilespmem:s22+$0xFFFFFF30]  }
0x3b3: {  	v7 =	vadd.s32 v36, v6;
	v5 =	vld [tilespmem:s22+$0xFFFFFF40];
	_ =	sdelay $0x3  }
0x3b4: {  	[tilespmem:v4+s17+$0x0] =	vst.idx.msk $0xffff, v3  }
0x3b5: {  	[tilespmem:v7+s17+$0x0] =	vst.idx.msk $0xffff, v5  }
0x3b6: {  	v4 =	vadd.s32 v37, v6;
	v3 =	vld [tilespmem:s22+$0xFFFFFF50]  }
0x3b7: {  	v7 =	vadd.s32 v38, v6;
	v5 =	vld [tilespmem:s22+$0xFFFFFF60];
	_ =	sdelay $0x3  }
0x3b8: {  	[tilespmem:v4+s17+$0x0] =	vst.idx.msk $0xffff, v3  }
0x3b9: {  	[tilespmem:v7+s17+$0x0] =	vst.idx.msk $0xffff, v5  }
0x3ba: {  	v4 =	vadd.s32 v39, v6;
	v3 =	vld [tilespmem:s22+$0xFFFFFF70]  }
0x3bb: {  	v7 =	vadd.s32 v40, v6;
	v5 =	vld [tilespmem:s22+$0xFFFFFF80];
	_ =	sdelay $0x3  }
0x3bc: {  	[tilespmem:v4+s17+$0x0] =	vst.idx.msk $0xffff, v3  }
0x3bd: {  	[tilespmem:v7+s17+$0x0] =	vst.idx.msk $0xffff, v5  }
0x3be: {  	v4 =	vadd.s32 v41, v6;
	v3 =	vld [tilespmem:s22+$0xFFFFFF90]  }
0x3bf: {  	v7 =	vadd.s32 v42, v6;
	v5 =	vld [tilespmem:s22+$0xFFFFFFA0];
	_ =	sdelay $0x3  }
0x3c0: {  	[tilespmem:v4+s17+$0x0] =	vst.idx.msk $0xffff, v3  }
0x3c1: {  	[tilespmem:v7+s17+$0x0] =	vst.idx.msk $0xffff, v5  }
0x3c2: {  	v4 =	vadd.s32 v43, v6;
	v3 =	vld [tilespmem:s22+$0xFFFFFFB0]  }
0x3c3: {  	v7 =	vadd.s32 v44, v6;
	v5 =	vld [tilespmem:s22+$0xFFFFFFC0];
	_ =	sdelay $0x3  }
0x3c4: {  	[tilespmem:v4+s17+$0x0] =	vst.idx.msk $0xffff, v3  }
0x3c5: {  	[tilespmem:v7+s17+$0x0] =	vst.idx.msk $0xffff, v5  }
0x3c6: {  	v4 =	vadd.s32 v45, v6;
	v3 =	vld [tilespmem:s22+$0xFFFFFFD0]  }
0x3c7: {  	v7 =	vadd.s32 v46, v6;
	v5 =	vld [tilespmem:s22+$0xFFFFFFE0];
	_ =	sdelay $0x1  }
.Ltmp18:
0x3c8: {  	(pc) =	sbr.rel @p0 .LBB2_25-.Ltmp18, $4  }
0x3c9: {  	_ = 	snop  }
0x3ca: {  	[tilespmem:v4+s17+$0x0] =	vst.idx.msk $0xffff, v3  }
0x3cb: {  	[tilespmem:v7+s17+$0x0] =	vst.idx.msk $0xffff, v5  }
0x3cc: {  	v4 =	vadd.s32 v47, v6;
	v3 =	vld [tilespmem:s22+$0xFFFFFFF0]  }
.LBB2_26:
0x3cd: {  	v5 =	vld [tilespmem:s22+$0x0];
	s22 =	simm.s32 $0x0  }
0x3ce: {  	v6 =	vmov s22  }
0x3cf: {  	v6 =	vshrl.u32 v6, $0x3  }
0x3d0: {  	v6 =	vshll.u32 v6, $0x3  }
0x3d1: {  	[tilespmem:v4+s17+$0x0] =	vst.idx.msk $0xffff, v3;
	v4 =	vbroadcast v6, $0x0  }
0x3d2: {  	s23 =	simm.s32 $0xD4F0;
	[tilespmem:v2+s17+$0x0] =	vst.idx.msk $0xffff, v5  }
0x3d3: {  	v2 =	vld [tilespmem:s23+$0xFFFFFF10];
	v3 =	vadd.s32 v49, v4  }
0x3d4: {  	v5 =	vld [tilespmem:s23+$0xFFFFFF20];
	v6 =	vadd.s32 v50, v4;
	_ =	sdelay $0x3  }
0x3d5: {  	[tilespmem:v3+s17+$0x0] =	vst.idx.msk $0xffff, v2  }
0x3d6: {  	[tilespmem:v6+s17+$0x0] =	vst.idx.msk $0xffff, v5  }
0x3d7: {  	v3 =	vadd.s32 v51, v4;
	v2 =	vld [tilespmem:s23+$0xFFFFFF30]  }
0x3d8: {  	v6 =	vadd.s32 v52, v4;
	v5 =	vld [tilespmem:s23+$0xFFFFFF40];
	_ =	sdelay $0x3  }
0x3d9: {  	[tilespmem:v3+s17+$0x0] =	vst.idx.msk $0xffff, v2  }
0x3da: {  	[tilespmem:v6+s17+$0x0] =	vst.idx.msk $0xffff, v5  }
0x3db: {  	v3 =	vadd.s32 v53, v4;
	v2 =	vld [tilespmem:s23+$0xFFFFFF50]  }
0x3dc: {  	v6 =	vadd.s32 v54, v4;
	v5 =	vld [tilespmem:s23+$0xFFFFFF60];
	_ =	sdelay $0x3  }
0x3dd: {  	[tilespmem:v3+s17+$0x0] =	vst.idx.msk $0xffff, v2  }
0x3de: {  	[tilespmem:v6+s17+$0x0] =	vst.idx.msk $0xffff, v5  }
0x3df: {  	v3 =	vadd.s32 v55, v4;
	v2 =	vld [tilespmem:s23+$0xFFFFFF70]  }
0x3e0: {  	v6 =	vadd.s32 v56, v4;
	v5 =	vld [tilespmem:s23+$0xFFFFFF80];
	_ =	sdelay $0x3  }
0x3e1: {  	[tilespmem:v3+s17+$0x0] =	vst.idx.msk $0xffff, v2  }
0x3e2: {  	[tilespmem:v6+s17+$0x0] =	vst.idx.msk $0xffff, v5  }
0x3e3: {  	v3 =	vadd.s32 v57, v4;
	v2 =	vld [tilespmem:s23+$0xFFFFFF90]  }
0x3e4: {  	v6 =	vadd.s32 v58, v4;
	v5 =	vld [tilespmem:s23+$0xFFFFFFA0];
	_ =	sdelay $0x3  }
0x3e5: {  	[tilespmem:v3+s17+$0x0] =	vst.idx.msk $0xffff, v2  }
0x3e6: {  	[tilespmem:v6+s17+$0x0] =	vst.idx.msk $0xffff, v5  }
0x3e7: {  	v3 =	vadd.s32 v59, v4;
	v2 =	vld [tilespmem:s23+$0xFFFFFFB0]  }
0x3e8: {  	v6 =	vadd.s32 v60, v4;
	v5 =	vld [tilespmem:s23+$0xFFFFFFC0];
	_ =	sdelay $0x3  }
0x3e9: {  	[tilespmem:v3+s17+$0x0] =	vst.idx.msk $0xffff, v2  }
0x3ea: {  	[tilespmem:v6+s17+$0x0] =	vst.idx.msk $0xffff, v5  }
0x3eb: {  	v3 =	vadd.s32 v61, v4;
	v2 =	vld [tilespmem:s23+$0xFFFFFFD0]  }
0x3ec: {  	v6 =	vadd.s32 v62, v4;
	v5 =	vld [tilespmem:s23+$0xFFFFFFE0];
	_ =	sdelay $0x3  }
0x3ed: {  	[tilespmem:v3+s17+$0x0] =	vst.idx.msk $0xffff, v2  }
0x3ee: {  	[tilespmem:v6+s17+$0x0] =	vst.idx.msk $0xffff, v5  }
0x3ef: {  	v2 =	vadd.s32 v0, v4;
	v4 =	vadd.s32 v63, v4;
	v3 =	vld [tilespmem:s23+$0xFFFFFFF0]  }
.LBB2_27:
0x3f0: {  	s22 =	sadd.s32 $0x8, s22;
	v5 =	vld [tilespmem:s23+$0x0]  }
0x3f1: {  	v6 =	vmov s22;
	p0 =	slt.u32 s22, $0x78  }
0x3f2: {  	v6 =	vshrl.u32 v6, $0x3  }
0x3f3: {  	v6 =	vshll.u32 v6, $0x3  }
0x3f4: {  	v6 =	vbroadcast v6, $0x0;
	[tilespmem:v4+s17+$0x0] =	vst.idx.msk $0xffff, v3  }
0x3f5: {  	s23 =	sadd.s32 $0x100, s23;
	[tilespmem:v2+s17+$0x0] =	vst.idx.msk $0xffff, v5  }
0x3f6: {  	v3 =	vld [tilespmem:s23+$0xFFFFFF10];
	v4 =	vadd.s32 v49, v6;
	v2 =	vadd.s32 v0, v6  }
0x3f7: {  	v7 =	vadd.s32 v50, v6;
	v5 =	vld [tilespmem:s23+$0xFFFFFF20];
	_ =	sdelay $0x3  }
0x3f8: {  	[tilespmem:v4+s17+$0x0] =	vst.idx.msk $0xffff, v3  }
0x3f9: {  	[tilespmem:v7+s17+$0x0] =	vst.idx.msk $0xffff, v5  }
0x3fa: {  	v4 =	vadd.s32 v51, v6;
	v3 =	vld [tilespmem:s23+$0xFFFFFF30]  }
0x3fb: {  	v7 =	vadd.s32 v52, v6;
	v5 =	vld [tilespmem:s23+$0xFFFFFF40];
	_ =	sdelay $0x3  }
0x3fc: {  	[tilespmem:v4+s17+$0x0] =	vst.idx.msk $0xffff, v3  }
0x3fd: {  	[tilespmem:v7+s17+$0x0] =	vst.idx.msk $0xffff, v5  }
0x3fe: {  	v4 =	vadd.s32 v53, v6;
	v3 =	vld [tilespmem:s23+$0xFFFFFF50]  }
0x3ff: {  	v7 =	vadd.s32 v54, v6;
	v5 =	vld [tilespmem:s23+$0xFFFFFF60];
	_ =	sdelay $0x3  }
0x400: {  	[tilespmem:v4+s17+$0x0] =	vst.idx.msk $0xffff, v3  }
0x401: {  	[tilespmem:v7+s17+$0x0] =	vst.idx.msk $0xffff, v5  }
0x402: {  	v4 =	vadd.s32 v55, v6;
	v3 =	vld [tilespmem:s23+$0xFFFFFF70]  }
0x403: {  	v7 =	vadd.s32 v56, v6;
	v5 =	vld [tilespmem:s23+$0xFFFFFF80];
	_ =	sdelay $0x3  }
0x404: {  	[tilespmem:v4+s17+$0x0] =	vst.idx.msk $0xffff, v3  }
0x405: {  	[tilespmem:v7+s17+$0x0] =	vst.idx.msk $0xffff, v5  }
0x406: {  	v4 =	vadd.s32 v57, v6;
	v3 =	vld [tilespmem:s23+$0xFFFFFF90]  }
0x407: {  	v7 =	vadd.s32 v58, v6;
	v5 =	vld [tilespmem:s23+$0xFFFFFFA0];
	_ =	sdelay $0x3  }
0x408: {  	[tilespmem:v4+s17+$0x0] =	vst.idx.msk $0xffff, v3  }
0x409: {  	[tilespmem:v7+s17+$0x0] =	vst.idx.msk $0xffff, v5  }
0x40a: {  	v4 =	vadd.s32 v59, v6;
	v3 =	vld [tilespmem:s23+$0xFFFFFFB0]  }
0x40b: {  	v7 =	vadd.s32 v60, v6;
	v5 =	vld [tilespmem:s23+$0xFFFFFFC0];
	_ =	sdelay $0x3  }
0x40c: {  	[tilespmem:v4+s17+$0x0] =	vst.idx.msk $0xffff, v3  }
0x40d: {  	[tilespmem:v7+s17+$0x0] =	vst.idx.msk $0xffff, v5  }
0x40e: {  	v4 =	vadd.s32 v61, v6;
	v3 =	vld [tilespmem:s23+$0xFFFFFFD0]  }
0x40f: {  	v7 =	vadd.s32 v62, v6;
	v5 =	vld [tilespmem:s23+$0xFFFFFFE0];
	_ =	sdelay $0x1  }
.Ltmp19:
0x410: {  	(pc) =	sbr.rel @p0 .LBB2_27-.Ltmp19, $4  }
0x411: {  	_ = 	snop  }
0x412: {  	[tilespmem:v4+s17+$0x0] =	vst.idx.msk $0xffff, v3  }
0x413: {  	[tilespmem:v7+s17+$0x0] =	vst.idx.msk $0xffff, v5  }
0x414: {  	v4 =	vadd.s32 v63, v6;
	v3 =	vld [tilespmem:s23+$0xFFFFFFF0]  }
0x415: {  	v0 =	vld [tilespmem:s23+$0x0]  }
0x416: {  	s21 =	sadd.s32 s5, s21  }
0x417: {  	s22 =	sshll.u32 s21, $0xB;
	s21 =	sshll.u32 s21, $0x6  }
0x418: {  	s22 =	sand.u32 $0xFFE0000, s22;
	s21 =	sand.u32 $0xF80, s21  }
0x419: {  	s21 =	sor.u32 s21, s22;
	[tilespmem:v4+s17+$0x0] =	vst.idx.msk $0xffff, v3  }
0x41a: {  	s26 =	simm.s32 $0x12800;
	s22 =	sadd.s32 s21, s7;
	[tilespmem:v2+s17+$0x0] =	vst.idx.msk $0xffff, v0  }
0x41b: {  	[hbm4b:s22+s3] =	stream.linear.scatter [tilespmem:s26], [sflag:$0x4], $0x80, $0x38;
	[tilespmem:$0x16C00] =	vst v63  }
0x41c: {  	s28 =	simm.s32 $0x12888;
	s29 =	sadd.s32 $0x10, s22  }
0x41d: {  	[hbm4b:s29+s3] =	stream.linear.scatter [tilespmem:s28], [sflag:$0x4], $0x80, $0x38;
	[tilespmem:$0x16C00] =	vst v63  }
0x41e: {  	s30 =	simm.s32 $0x12910;
	s23 =	simm.s32 $0x12998;
	s31 =	sadd.s32 $0x20, s22  }
0x41f: {  	[hbm4b:s31+s3] =	stream.linear.scatter [tilespmem:s30], [sflag:$0x4], $0x80, $0x38;
	[tilespmem:$0x16C00] =	vst v63  }
0x420: {  	s25 =	simm.s32 $0x12A20;
	s21 =	simm.s32 $0x440;
	s24 =	sadd.s32 $0x30, s22  }
0x421: {  	[hbm4b:s24+s3] =	stream.linear.scatter [tilespmem:s23], [sflag:$0x4], $0x80, $0x38;
	[tilespmem:$0x16C00] =	vst v63  }
0x422: {  	s26 =	sadd.s32 $0x40, s22;
	s28 =	simm.s32 $0x12AA8;
	s29 =	sadd.s32 $0x50, s22  }
0x423: {  	[hbm4b:s26+s3] =	stream.linear.scatter [tilespmem:s25], [sflag:$0x4], $0x80, $0x38;
	[tilespmem:$0x16C00] =	vst v63  }
0x424: {  	s30 =	simm.s32 $0x12B30;
	s31 =	sadd.s32 $0x60, s22;
	s23 =	simm.s32 $0x2200  }
0x425: {  	[hbm4b:s29+s3] =	stream.linear.scatter [tilespmem:s28], [sflag:$0x4], $0x80, $0x38;
	[tilespmem:$0x16C00] =	vst v63  }
0x426: {  	s24 =	simm.s32 $0x12BB8;
	s25 =	sadd.s32 $0x70, s22;
	s22 =	sadd.s32 $0x1000, s22  }
0x427: {  	[hbm4b:s31+s3] =	stream.linear.scatter [tilespmem:s30], [sflag:$0x4], $0x80, $0x38;
	[tilespmem:$0x16C00] =	vst v63  }
.LBB2_29:
0x428: {  	[hbm4b:s25+s3] =	stream.linear.scatter [tilespmem:s24], [sflag:$0x4], $0x80, $0x38;
	[tilespmem:$0x16C00] =	vst v63  }
0x429: {  	s24 =	smov.u32 s21;
	s21 =	smov.u32 s23  }
0x42a: {  	s26 =	sadd.s32 $0x1100, s23;
	s21 =	sshra.s32 s21, $0x2;
	s25 =	sadd.s32 $0x12800, s24  }
0x42b: {  	[hbm4b:s22+s3] =	stream.linear.scatter [tilespmem:s25], [sflag:$0x4], $0x80, $0x38;
	[tilespmem:$0x16C00] =	vst v63  }
0x42c: {  	p0 =	sne.s32 s23, $0xFF00;
	s23 =	sadd.s32 $0x12888, s24;
	s25 =	sadd.s32 $0x10, s22  }
0x42d: {  	[hbm4b:s25+s3] =	stream.linear.scatter [tilespmem:s23], [sflag:$0x4], $0x80, $0x38;
	[tilespmem:$0x16C00] =	vst v63  }
0x42e: {  	s23 =	sadd.s32 $0x12910, s24;
	s25 =	sadd.s32 $0x20, s22  }
0x42f: {  	[hbm4b:s25+s3] =	stream.linear.scatter [tilespmem:s23], [sflag:$0x4], $0x80, $0x38;
	[tilespmem:$0x16C00] =	vst v63  }
0x430: {  	s23 =	sadd.s32 $0x12998, s24;
	s25 =	sadd.s32 $0x30, s22  }
0x431: {  	[hbm4b:s25+s3] =	stream.linear.scatter [tilespmem:s23], [sflag:$0x4], $0x80, $0x38;
	[tilespmem:$0x16C00] =	vst v63  }
0x432: {  	s23 =	sadd.s32 $0x12A20, s24;
	s25 =	sadd.s32 $0x40, s22  }
0x433: {  	[hbm4b:s25+s3] =	stream.linear.scatter [tilespmem:s23], [sflag:$0x4], $0x80, $0x38;
	[tilespmem:$0x16C00] =	vst v63  }
.Ltmp20:
0x434: {  	s23 =	sadd.s32 $0x12AA8, s24;
	s25 =	sadd.s32 $0x50, s22;
	(pc) =	sbr.rel @p0 .LBB2_29-.Ltmp20, $4  }
0x435: {  	[hbm4b:s25+s3] =	stream.linear.scatter [tilespmem:s23], [sflag:$0x4], $0x80, $0x38;
	[tilespmem:$0x16C00] =	vst v63  }
0x436: {  	s23 =	sadd.s32 $0x12B30, s24;
	s25 =	sadd.s32 $0x60, s22;
	s24 =	sadd.s32 $0x12BB8, s24  }
0x437: {  	[hbm4b:s25+s3] =	stream.linear.scatter [tilespmem:s23], [sflag:$0x4], $0x80, $0x38;
	[tilespmem:$0x16C00] =	vst v63  }
0x438: {  	s25 =	sadd.s32 $0x70, s22;
	s22 =	sadd.s32 $0x1000, s22;
	s23 =	smov.u32 s26  }
0x439: {  	[hbm4b:s25+s3] =	stream.linear.scatter [tilespmem:s24], [sflag:$0x4], $0x80, $0x38;
	[tilespmem:$0x16C00] =	vst v63  }
0x43a: {  	s23 =	sadd.s32 $0x12800, s21  }
0x43b: {  	[hbm4b:s22+s3] =	stream.linear.scatter [tilespmem:s23], [sflag:$0x4], $0x80, $0x38;
	[tilespmem:$0x16C00] =	vst v63  }
0x43c: {  	s30 =	sadd.s32 $0x12888, s21;
	s31 =	sadd.s32 $0x10, s22  }
0x43d: {  	[hbm4b:s31+s3] =	stream.linear.scatter [tilespmem:s30], [sflag:$0x4], $0x80, $0x38;
	[tilespmem:$0x16C00] =	vst v63  }
0x43e: {  	s25 =	sadd.s32 $0x12910, s21;
	s26 =	sadd.s32 $0x20, s22  }
0x43f: {  	[hbm4b:s26+s3] =	stream.linear.scatter [tilespmem:s25], [sflag:$0x4], $0x80, $0x38;
	[tilespmem:$0x16C00] =	vst v63  }
0x440: {  	s28 =	sadd.s32 $0x12998, s21;
	s29 =	sadd.s32 $0x30, s22  }
0x441: {  	[hbm4b:s29+s3] =	stream.linear.scatter [tilespmem:s28], [sflag:$0x4], $0x80, $0x38;
	[tilespmem:$0x16C00] =	vst v63  }
0x442: {  	s20 =	sadd.s32 $0x1, s20;
	s30 =	sadd.s32 $0x12A20, s21;
	s31 =	sadd.s32 $0x40, s22  }
0x443: {  	[hbm4b:s31+s3] =	stream.linear.scatter [tilespmem:s30], [sflag:$0x4], $0x80, $0x38;
	[tilespmem:$0x16C00] =	vst v63  }
0x444: {  	p0 =	sne.s32 s20, $0x19;
	s25 =	sadd.s32 $0x12AA8, s21;
	s26 =	sadd.s32 $0x50, s22  }
0x445: {  	[hbm4b:s26+s3] =	stream.linear.scatter [tilespmem:s25], [sflag:$0x4], $0x80, $0x38;
	[tilespmem:$0x16C00] =	vst v63  }
.Ltmp21:
0x446: {  	_ = 	snop;
	(pc) =	sbr.rel @p0 .LBB2_2-.Ltmp21, $4  }
0x447: {  	s28 =	sadd.s32 $0x12B30, s21;
	s29 =	sadd.s32 $0x60, s22  }
0x448: {  	v7 =	vld [tilespmem:$0x1FFD0];
	[hbm4b:s29+s3] =	stream.linear.scatter [tilespmem:s28], [sflag:$0x4], $0x80, $0x38  }
0x449: {  	v6 =	vld [tilespmem:$0x1FFE0];
	s30 =	sadd.s32 $0x12BB8, s21;
	s31 =	sadd.s32 $0x70, s22  }
0x44a: {  	[hbm4b:s31+s3] =	stream.linear.scatter [tilespmem:s30], [sflag:$0x4], $0x80, $0x38;
	[tilespmem:$0x16C00] =	vst v63  }
0x44b: {  	s19 =	sadd.s32 $0x1, s19  }
0x44c: {  	_ =	swait.ge [sflag:s18], $0x4000;
	p0 =	sne.s32 s19, s8  }
.Ltmp22:
0x44d: {  	[sflag:s18] =	ssyncset.done $0x0;
	(pc) =	sbr.rel @p0 .LBB2_1-.Ltmp22, $4  }
0x44e: {  	[sflag:s18] =	ssyncadd.s32 $0xFFFFC000  }
0x44f: {  	_ =	swait.ge [sflag:s16], $0x4000  }
0x450: {  	[sflag:s16] =	ssyncset.done $0x0  }
0x451: {  	[sflag:s16] =	ssyncadd.s32 $0xFFFFC000  }
0x452: {  	_ =	sfence.sel $0x180000  }
0x453: {  	[bflag:$0x0] =	sbarrier.arrive $0xFFFF  }
0x454: {  	p0 =	sne.s32 s2, $0x0;
	_ =	strace $0x90000047  }
0x455: {  	s0 =	sadd.s32 @!p0 $0x100000, s0;
	[bflag:$0x2] =	sbarrier.arrive $0xFFFF  }
0x456: {  	[sflag:s0] =	ssyncadd.tile.s32 @!p0 $0x1;
	_ =	shalt  }
.Lfunc_end2:
_tile_overlayer_lowered:
.L_overlay_start_2:
0x457: {  	(tag) =	ssettag $0x2  }
0x458: {  	s0 =	rddreg [dreg:$0x0];
	s2 =	stileid.u32  }
0x459: {  	s1 =	rddreg [dreg:$0x1];
	p0 =	sne.s32 s2, $0x0  }
0x45a: {  	s3 =	rddreg [dreg:$0x2];
	[bflag:$0x3] =	sbarrier.arrive $0xFFFF;
	s2 =	simm.s32 @!p0 $0x1C05  }
0x45b: {  	[timem:s3], [sflag:s2] =	dma.local @!p0 [hbm:s0], s1  }
0x45c: {  	s0 =	simm.s32 @!p0 $0x5  }
0x45d: {  	_ =	swait.ge @!p0 [sflag:s0], s1  }
0x45e: {  	s1 =	ssub.s32 @!p0 $0x0, s1;
	[sflag:s0] =	ssyncset.done @!p0 $0x0  }
0x45f: {  	[sflag:s0] =	ssyncadd.s32 @!p0 s1  }
0x460: {  	[bflag:$0x3] =	sbarrier.arrive $0xFFFF  }
0x461: {  	_ =	shalt  }

</sc_bundles>
